<compile_context>
chip_gen: v7x
topology: tpu7x:2x2x1
jax: 0.10.2.dev20260603
libtpu: 0.0.44.dev20260713+nightly
codegen_flags: <defaults>
</compile_context>

<pallas_src>
import jax
import jax.numpy as jnp
from jax import lax
from jax.experimental import pallas as pl
from jax.experimental.pallas import tpu as pltpu
from jax.experimental.pallas import tpu_sc as plsc

_N = 10000
_E = 320000
_D = 128
_H = 64
_K = 10
_ALPHA = 0.1

_L = 16
_TILES = 16
_EPTA = 20096
_EPTB = 19968
_BIGT = 4
_NP = 10240
_CHUNK = _NP // _TILES
_ZLAST = _N - (_TILES - 1) * _CHUNK



def _mlp_body(x_ref, w1_ref, b1_ref, w2_ref, o_ref):
    xb = x_ref[...]
    h = lax.dot_general(xb, w1_ref[...], (((1,), (1,)), ((), ())),
                        preferred_element_type=jnp.float32)
    h = jnp.maximum(h + b1_ref[...], 0.0)
    z = lax.dot_general(w2_ref[...], h, (((1,), (1,)), ((), ())),
                        preferred_element_type=jnp.float32)
    o_ref[...] = z[None]


_BZ = 1024


def _mlp_call(x, W1, b1r, W2):
    return pl.pallas_call(
        _mlp_body,
        grid=(_NP // _BZ,),
        in_specs=[
            pl.BlockSpec((_BZ, _D), lambda i: (i, 0)),
            pl.BlockSpec((_H, _D), lambda i: (0, 0)),
            pl.BlockSpec((1, _H), lambda i: (0, 0)),
            pl.BlockSpec((1, _H), lambda i: (0, 0)),
        ],
        out_specs=pl.BlockSpec((1, 1, _BZ), lambda i: (i, 0, 0)),
        out_shape=jax.ShapeDtypeStruct((_NP // _BZ, 1, _BZ), jnp.float32),
    )(x, W1, b1r, W2)



def _stage_edges(ei_h, esd, wid):
    @pl.when(wid < _BIGT)
    def _():
        pltpu.sync_copy(ei_h.at[:, pl.ds(wid * _EPTA, _EPTA)], esd)

    @pl.when(wid >= _BIGT)
    def _():
        pltpu.sync_copy(
            ei_h.at[:, pl.ds(_BIGT * _EPTA + (wid - _BIGT) * _EPTB, _EPTB)],
            esd.at[:, pl.ds(0, _EPTB)])
        pad16 = jnp.full((_L,), _NP - 1, jnp.int32)
        def fill(i, _):
            esd[0, pl.ds(_EPTB + i * _L, _L)] = pad16
            esd[1, pl.ds(_EPTB + i * _L, _L)] = pad16
            return 0
        lax.fori_loop(0, (_EPTA - _EPTB) // _L, fill, 0)


def _deg_body(ei_h, deg_h, esd, agg, red, degc, shp, sem):
    wid = lax.axis_index("s")
    zero16 = jnp.zeros((_L,), jnp.float32)
    ones16 = jnp.ones((_L,), jnp.float32)
    _stage_edges(ei_h, esd, wid)

    @plsc.parallel_loop(0, _NP // _L, unroll=8)
    def _(i):
        agg[pl.ds(i * _L, _L)] = zero16

    @plsc.parallel_loop(0, _EPTA // _L, unroll=8)
    def _(i):
        dv = esd[1, pl.ds(i * _L, _L)]
        plsc.addupdate_scatter(agg, [dv], ones16)

    pltpu.sync_copy(agg, shp.at[wid])
    plsc.subcore_barrier()
    pltpu.sync_copy(shp.at[:, pl.ds(wid * _CHUNK, _CHUNK)], red)

    @plsc.parallel_loop(0, _CHUNK // _L, unroll=2)
    def _(i):
        ds = pl.ds(i * _L, _L)
        acc = red[0, ds]
        for t in range(1, _TILES):
            acc = acc + red[t, ds]
        degc[ds] = acc + 1.0
    pltpu.sync_copy(degc, deg_h.at[pl.ds(wid * _CHUNK, _CHUNK)])


def _deg_call(edge_index):
    mesh = plsc.VectorSubcoreMesh(core_axis_name="c", subcore_axis_name="s",
                                  num_cores=1, num_subcores=_TILES)
    return pl.kernel(
        _deg_body,
        out_type=jax.ShapeDtypeStruct((_NP,), jnp.float32),
        mesh=mesh,
        scratch_types=[
            pltpu.VMEM((2, _EPTA), jnp.int32),
            pltpu.VMEM((_NP,), jnp.float32),
            pltpu.VMEM((_TILES, _CHUNK), jnp.float32),
            pltpu.VMEM((_CHUNK,), jnp.float32),
            pltpu.VMEM_SHARED((_TILES, _NP), jnp.float32),
            pltpu.SemaphoreType.DMA,
        ],
        compiler_params=pltpu.CompilerParams(needs_layout_passes=False),
    )(edge_index)

def _rsqrt_newton(x):
    i = jnp.int32(0x5F3759DF) - (plsc.bitcast(x, jnp.int32) >> 1)
    r = plsc.bitcast(i, jnp.float32)
    for _ in range(3):
        r = r * (1.5 - 0.5 * x * r * r)
    return r


def _prop_body(ei_h, z0_h, deg_h, b2_h, out_h,
               esd, z0f, y, agg, red, y0c, dinvc, dsqc, outc, b2v,
               shp, shy, shz, sem):
    wid = lax.axis_index("s")
    zero16 = jnp.zeros((_L,), jnp.float32)
    last = _TILES - 1

    hb = pltpu.async_copy(b2_h, b2v, sem)
    hz = pltpu.async_copy(z0_h, z0f, sem)
    hd = pltpu.async_copy(deg_h.at[pl.ds(wid * _CHUNK, _CHUNK)], dsqc, sem)
    _stage_edges(ei_h, esd, wid)

    def _zero_agg():
        @plsc.parallel_loop(0, _NP // _L, unroll=8)
        def _(i):
            agg[pl.ds(i * _L, _L)] = zero16

    def _scatter_round():
        @plsc.parallel_loop(0, _EPTA // _L, unroll=16)
        def _(i):
            sv = esd[0, pl.ds(i * _L, _L)]
            dv = esd[1, pl.ds(i * _L, _L)]
            vals = plsc.load_gather(y, [sv])
            plsc.addupdate_scatter(agg, [dv], vals)

    def _publish_and_reduce(shp):
        pltpu.sync_copy(agg, shp.at[wid])
        plsc.subcore_barrier()
        pltpu.sync_copy(shp.at[:, pl.ds(wid * _CHUNK, _CHUNK)], red)

    def _reduce16(i):
        ds = pl.ds(i * _L, _L)
        acc = red[0, ds]
        for t in range(1, _TILES):
            acc = acc + red[t, ds]
        return ds, acc

    def run(shp, shy, shz):
        def _zoutc(i, _):
            outc[pl.ds(i * _L, _L)] = zero16
            return 0
        lax.fori_loop(0, _CHUNK // _L, _zoutc, 0)
        pltpu.sync_copy(outc, shz.at[pl.ds(wid * _CHUNK, _CHUNK)])
        _zero_agg()
        hb.wait()
        hz.wait()
        hd.wait()

        iota16 = lax.iota(jnp.int32, _L)

        @plsc.parallel_loop(0, _CHUNK // _L, unroll=2)
        def _(i):
            ds = pl.ds(i * _L, _L)
            deg = dsqc[ds]
            r = _rsqrt_newton(deg)
            dinvc[ds] = r * r
            dsqc[ds] = deg * r
            n = wid * _CHUNK + i * _L
            z = z0f[n >> 10, 0, pl.ds(n & (_BZ - 1), _L)]
            y0c[ds] = jnp.where(n + iota16 < _N, r * z, 0.0)
        pltpu.sync_copy(y0c, shy.at[pl.ds(wid * _CHUNK, _CHUNK)])
        plsc.subcore_barrier()
        pltpu.sync_copy(shy, y)

        def _round(k, _):
            _scatter_round()
            _publish_and_reduce(shp)
            zdma = pltpu.async_copy(shz, agg, sem)

            @plsc.parallel_loop(0, _CHUNK // _L, unroll=2)
            def _(i):
                ds, acc = _reduce16(i)
                yold = y[pl.ds(wid * _CHUNK + i * _L, _L)]
                outc[ds] = ((1.0 - _ALPHA) * dinvc[ds] * (acc + yold)
                            + _ALPHA * y0c[ds])
            pltpu.sync_copy(outc, shy.at[pl.ds(wid * _CHUNK, _CHUNK)])
            plsc.subcore_barrier()
            pltpu.sync_copy(shy, y)
            zdma.wait()
            return 0
        lax.fori_loop(0, _K - 1, _round, 0)

        _scatter_round()
        _publish_and_reduce(shp)
        bv = b2v[...]

        @plsc.parallel_loop(0, _CHUNK // _L, unroll=2)
        def _(i):
            ds, acc = _reduce16(i)
            yold = y[pl.ds(wid * _CHUNK + i * _L, _L)]
            ynew = ((1.0 - _ALPHA) * dinvc[ds] * (acc + yold)
                    + _ALPHA * y0c[ds])
            outc[ds] = dsqc[ds] * ynew + bv

        @pl.when(wid < last)
        def _():
            pltpu.sync_copy(outc, out_h.at[pl.ds(wid * _CHUNK, _CHUNK)])

        @pl.when(wid == last)
        def _():
            pltpu.sync_copy(outc.at[pl.ds(0, _ZLAST)],
                            out_h.at[pl.ds(last * _CHUNK, _ZLAST)])

    run(shp, shy, shz)


def _prop_call(edge_index, z0, deg, b2):
    mesh = plsc.VectorSubcoreMesh(core_axis_name="c", subcore_axis_name="s",
                                  num_cores=1, num_subcores=_TILES)
    return pl.kernel(
        _prop_body,
        out_type=jax.ShapeDtypeStruct((_N,), jnp.float32),
        mesh=mesh,
        scratch_types=[
            pltpu.VMEM((2, _EPTA), jnp.int32),
            pltpu.VMEM((_NP // _BZ, 1, _BZ), jnp.float32),
            pltpu.VMEM((_NP,), jnp.float32),
            pltpu.VMEM((_NP,), jnp.float32),
            pltpu.VMEM((_TILES, _CHUNK), jnp.float32),
            pltpu.VMEM((_CHUNK,), jnp.float32),
            pltpu.VMEM((_CHUNK,), jnp.float32),
            pltpu.VMEM((_CHUNK,), jnp.float32),
            pltpu.VMEM((_CHUNK,), jnp.float32),
            pltpu.VMEM((_L,), jnp.float32),
            pltpu.VMEM_SHARED((_TILES, _NP), jnp.float32),
            pltpu.VMEM_SHARED((_NP,), jnp.float32),
            pltpu.VMEM_SHARED((_NP,), jnp.float32),
            pltpu.SemaphoreType.DMA,
        ],
        compiler_params=pltpu.CompilerParams(needs_layout_passes=False),
    )(edge_index, z0, deg, jnp.broadcast_to(b2, (_L,)))


def kernel(x, edge_index, W1, b1, W2, b2):
    deg = _deg_call(edge_index)
    z0 = _mlp_call(x, W1, b1.reshape(1, _H), W2)
    outp = _prop_call(edge_index, z0, deg, b2)
    return outp.reshape(_N, 1)

# --- scband reference (transcript-rebuilt; emitter-appended) ---
"""Pipeline reference for scband-appnpnet-61229053772417 (READ-ONLY COPY).

The authoritative reference and input builder live on the scoring server;
editing this copy changes nothing except your own understanding.
"""

import jax, jax.numpy as jnp
import numpy as np

N = 10000
E = 320000
D = 128
H = 64
O = 1
K = 10
ALPHA = 0.1


def setup_inputs(seed: int = 0) -> dict:
    key = jax.random.key(seed)
    ks = jax.random.split(key, 6)
    x = jax.random.normal(ks[0], (N, D), dtype=jnp.float32)
    edge_index = jax.random.randint(ks[1], (2, E), 0, N, dtype=jnp.int32)
    # Learned parameters (torch Linear: weight [out, in], bias [out])
    W1 = jax.random.normal(ks[2], (H, D), dtype=jnp.float32) * (1.0 / np.sqrt(D))
    b1 = jnp.zeros((H,), dtype=jnp.float32)
    W2 = jax.random.normal(ks[3], (O, H), dtype=jnp.float32) * (1.0 / np.sqrt(H))
    b2 = jnp.zeros((O,), dtype=jnp.float32)
    return {"x": x, "edge_index": edge_index, "W1": W1, "b1": b1, "W2": W2, "b2": b2}


def reference(x, edge_index, W1, b1, W2, b2):
    # Inference mode: F.dropout with training=False is identity.
    h = jax.nn.relu(x @ W1.T + b1)
    # APPNP propagation with GCN normalization (self-loops added, fill_value=1)
    src = edge_index[0]
    dst = edge_index[1]
    loop = jnp.arange(N, dtype=src.dtype)
    src2 = jnp.concatenate([src, loop])
    dst2 = jnp.concatenate([dst, loop])
    deg = jnp.zeros((N,), jnp.float32).at[dst2].add(1.0)
    deg_inv_sqrt = jnp.where(deg > 0, 1.0 / jnp.sqrt(deg), 0.0)
    norm = deg_inv_sqrt[src2] * deg_inv_sqrt[dst2]
    h0 = h
    for _ in range(K):
        msg = h[src2] * norm[:, None]
        agg = jnp.zeros_like(h).at[dst2].add(msg)
        h = (1.0 - ALPHA) * agg + ALPHA * h0
    out = h @ W2.T + b2
    return out

if __name__ == "__main__":
    import jax
    _d = setup_inputs()
    print(jax.jit(kernel)(*tuple(_d.values())))

</pallas_src>

<mosaic_0001>
#map = affine_map<(d0, d1) -> (0, 0)>
#map1 = affine_map<(d0, d1) -> (0, 0, 0)>
#map2 = affine_map<(d0, d1) -> (0)>
module attributes {stable_mosaic.version = 14 : i64} {
  func.func @_prop_body(%arg0: i32, %arg1: i32, %arg2: memref<2x320000xi32, #tpu.memory_space<hbm>>, %arg3: memref<10x1x1024xf32, #tpu.memory_space<hbm>>, %arg4: memref<10240xf32, #tpu.memory_space<hbm>>, %arg5: memref<16xf32, #tpu.memory_space<hbm>>, %arg6: memref<10000xf32, #tpu.memory_space<hbm>>, %arg7: memref<2x20096xi32, #tpu.memory_space<vmem>>, %arg8: memref<10x1x1024xf32, #tpu.memory_space<vmem>>, %arg9: memref<10240xf32, #tpu.memory_space<vmem>>, %arg10: memref<10240xf32, #tpu.memory_space<vmem>>, %arg11: memref<16x640xf32, #tpu.memory_space<vmem>>, %arg12: memref<640xf32, #tpu.memory_space<vmem>>, %arg13: memref<640xf32, #tpu.memory_space<vmem>>, %arg14: memref<640xf32, #tpu.memory_space<vmem>>, %arg15: memref<640xf32, #tpu.memory_space<vmem>>, %arg16: memref<16xf32, #tpu.memory_space<vmem>>, %arg17: memref<16x10240xf32, #tpu.memory_space<vmem_shared>>, %arg18: memref<10240xf32, #tpu.memory_space<vmem_shared>>, %arg19: memref<10240xf32, #tpu.memory_space<vmem_shared>>, %arg20: memref<!tpu.dma_semaphore, #tpu.memory_space<semaphore_mem>>) attributes {dimension_semantics = [#tpu.dimension_semantics<core_parallel>, #tpu.dimension_semantics<subcore_parallel>], iteration_bounds = array<i64: 1, 16>, scalar_prefetch = 0 : i64, scratch_operands = 14 : i64, tpu.core_type = #tpu.core_type<sc_vector_subcore>, window_params = [{transform_indices = #map}, {transform_indices = #map1}, {transform_indices = #map2}, {transform_indices = #map2}, {transform_indices = #map2}]} {
    %broadcast_in_dim3A = arith.constant 0.000000e+00 : f32
    %broadcast_in_dim3A_0 = vector.broadcast %broadcast_in_dim3A : f32 to vector<16xf32>
    tpu.enqueue_dma source(%arg5 : memref<16xf32, #tpu.memory_space<hbm>>) target(%arg16 : memref<16xf32, #tpu.memory_space<vmem>>) target_semaphore(%arg20 : memref<!tpu.dma_semaphore, #tpu.memory_space<semaphore_mem>>)
    tpu.enqueue_dma source(%arg3 : memref<10x1x1024xf32, #tpu.memory_space<hbm>>) target(%arg8 : memref<10x1x1024xf32, #tpu.memory_space<vmem>>) target_semaphore(%arg20 : memref<!tpu.dma_semaphore, #tpu.memory_space<semaphore_mem>>)
    %mul3A = arith.constant 640 : i32
    %mul3A_1 = arith.muli %arg1, %mul3A : i32
    %dma_start3A = tpu.memref_slice %arg4[%mul3A_1] : memref<10240xf32, #tpu.memory_space<hbm>> -> memref<640xf32, #tpu.memory_space<hbm>>
    %dma_start3A_2 = tpu.memref_slice %arg4[%mul3A_1] : memref<10240xf32, #tpu.memory_space<hbm>> -> memref<640xf32, #tpu.memory_space<hbm>>
    tpu.enqueue_dma source(%dma_start3A_2 : memref<640xf32, #tpu.memory_space<hbm>>) target(%arg14 : memref<640xf32, #tpu.memory_space<vmem>>) target_semaphore(%arg20 : memref<!tpu.dma_semaphore, #tpu.memory_space<semaphore_mem>>)
    %lt3A = arith.constant 4 : i32
    %lt3A_3 = arith.cmpi slt, %arg1, %lt3A : i32
    %convert_element_type3A = arith.extui %lt3A_3 : i1 to i32
    %cond3A = arith.constant 0 : i32
    %cond3A_4 = arith.cmpi ne, %convert_element_type3A, %cond3A : i32
    scf.if %cond3A_4 {
      %mul3A_51 = arith.constant 20096 : i32
      %mul3A_52 = arith.muli %arg1, %mul3A_51 : i32
      "tpu.region"() ({
        %run_scoped3A = tpu.sem_alloc : memref<!tpu.dma_semaphore, #tpu.memory_space<semaphore_mem>>
        %dma_start3A_53 = arith.constant 0 : i32
        %dma_start3A_54 = tpu.memref_slice %arg2[%dma_start3A_53, %mul3A_52] : memref<2x320000xi32, #tpu.memory_space<hbm>> -> memref<2x20096xi32, #tpu.memory_space<hbm>>
        %dma_start3A_55 = arith.constant 0 : i32
        %dma_start3A_56 = tpu.memref_slice %arg2[%dma_start3A_55, %mul3A_52] : memref<2x320000xi32, #tpu.memory_space<hbm>> -> memref<2x20096xi32, #tpu.memory_space<hbm>>
        tpu.enqueue_dma source(%dma_start3A_56 : memref<2x20096xi32, #tpu.memory_space<hbm>>) target(%arg7 : memref<2x20096xi32, #tpu.memory_space<vmem>>) target_semaphore(%run_scoped3A : memref<!tpu.dma_semaphore, #tpu.memory_space<semaphore_mem>>)
        %dma_wait3A_57 = arith.constant 0 : i32
        %dma_wait3A_58 = tpu.memref_slice %arg2[%dma_wait3A_57, %mul3A_52] : memref<2x320000xi32, #tpu.memory_space<hbm>> -> memref<2x20096xi32, #tpu.memory_space<hbm>>
        %dma_wait3A_59 = arith.constant 0 : i32
        %dma_wait3A_60 = tpu.memref_slice %arg2[%dma_wait3A_59, %mul3A_52] : memref<2x320000xi32, #tpu.memory_space<hbm>> -> memref<2x20096xi32, #tpu.memory_space<hbm>>
        tpu.wait_dma2 semaphore(%run_scoped3A : memref<!tpu.dma_semaphore, #tpu.memory_space<semaphore_mem>>) src(%dma_wait3A_60 : memref<2x20096xi32, #tpu.memory_space<hbm>>) dst(%arg7 : memref<2x20096xi32, #tpu.memory_space<vmem>>)
        tpu.yield
      }) : () -> ()
    } else {
    }
    %ge3A = arith.constant 4 : i32
    %ge3A_5 = arith.cmpi sge, %arg1, %ge3A : i32
    %convert_element_type3A_6 = arith.extui %ge3A_5 : i1 to i32
    %cond3A_7 = arith.constant 0 : i32
    %cond3A_8 = arith.cmpi ne, %convert_element_type3A_6, %cond3A_7 : i32
    scf.if %cond3A_8 {
      %sub3A = arith.constant 4 : i32
      %sub3A_51 = arith.subi %arg1, %sub3A : i32
      %mul3A_52 = arith.constant 19968 : i32
      %mul3A_53 = arith.muli %sub3A_51, %mul3A_52 : i32
      %add3A = arith.constant 80384 : i32
      %add3A_54 = arith.addi %add3A, %mul3A_53 : i32
      "tpu.region"() ({
        %run_scoped3A = tpu.sem_alloc : memref<!tpu.dma_semaphore, #tpu.memory_space<semaphore_mem>>
        %dma_start3A_64 = arith.constant 0 : i32
        %dma_start3A_65 = arith.constant 0 : i32
        %dma_start3A_66 = tpu.memref_slice %arg7[%dma_start3A_64, %dma_start3A_65] : memref<2x20096xi32, #tpu.memory_space<vmem>> -> memref<2x19968xi32, #tpu.memory_space<vmem>>
        %dma_start3A_67 = arith.constant 0 : i32
        %dma_start3A_68 = tpu.memref_slice %arg2[%dma_start3A_67, %add3A_54] : memref<2x320000xi32, #tpu.memory_space<hbm>> -> memref<2x19968xi32, #tpu.memory_space<hbm>>
        %dma_start3A_69 = arith.constant 0 : i32
        %dma_start3A_70 = arith.constant 0 : i32
        %dma_start3A_71 = tpu.memref_slice %arg7[%dma_start3A_69, %dma_start3A_70] : memref<2x20096xi32, #tpu.memory_space<vmem>> -> memref<2x19968xi32, #tpu.memory_space<vmem>>
        %dma_start3A_72 = arith.constant 0 : i32
        %dma_start3A_73 = tpu.memref_slice %arg2[%dma_start3A_72, %add3A_54] : memref<2x320000xi32, #tpu.memory_space<hbm>> -> memref<2x19968xi32, #tpu.memory_space<hbm>>
        tpu.enqueue_dma source(%dma_start3A_73 : memref<2x19968xi32, #tpu.memory_space<hbm>>) target(%dma_start3A_71 : memref<2x19968xi32, #tpu.memory_space<vmem>>) target_semaphore(%run_scoped3A : memref<!tpu.dma_semaphore, #tpu.memory_space<semaphore_mem>>)
        %dma_wait3A_74 = arith.constant 0 : i32
        %dma_wait3A_75 = arith.constant 0 : i32
        %dma_wait3A_76 = tpu.memref_slice %arg7[%dma_wait3A_74, %dma_wait3A_75] : memref<2x20096xi32, #tpu.memory_space<vmem>> -> memref<2x19968xi32, #tpu.memory_space<vmem>>
        %dma_wait3A_77 = arith.constant 0 : i32
        %dma_wait3A_78 = tpu.memref_slice %arg2[%dma_wait3A_77, %add3A_54] : memref<2x320000xi32, #tpu.memory_space<hbm>> -> memref<2x19968xi32, #tpu.memory_space<hbm>>
        %dma_wait3A_79 = arith.constant 0 : i32
        %dma_wait3A_80 = arith.constant 0 : i32
        %dma_wait3A_81 = tpu.memref_slice %arg7[%dma_wait3A_79, %dma_wait3A_80] : memref<2x20096xi32, #tpu.memory_space<vmem>> -> memref<2x19968xi32, #tpu.memory_space<vmem>>
        %dma_wait3A_82 = arith.constant 0 : i32
        %dma_wait3A_83 = tpu.memref_slice %arg2[%dma_wait3A_82, %add3A_54] : memref<2x320000xi32, #tpu.memory_space<hbm>> -> memref<2x19968xi32, #tpu.memory_space<hbm>>
        tpu.wait_dma2 semaphore(%run_scoped3A : memref<!tpu.dma_semaphore, #tpu.memory_space<semaphore_mem>>) src(%dma_wait3A_83 : memref<2x19968xi32, #tpu.memory_space<hbm>>) dst(%dma_wait3A_81 : memref<2x19968xi32, #tpu.memory_space<vmem>>)
        tpu.yield
      }) : () -> ()
      %broadcast_in_dim3A_55 = arith.constant 10239 : i32
      %broadcast_in_dim3A_56 = vector.broadcast %broadcast_in_dim3A_55 : i32 to vector<16xi32>
      %scan3A_57 = arith.constant 0 : i32
      %scan3A_58 = arith.constant 0 : i32
      %scan3A_59 = arith.constant 8 : i32
      %scan3A_60 = arith.addi %scan3A_58, %scan3A_59 : i32
      %scan3A_61 = arith.constant 1 : i32
      %scan3A_62 = scf.for %scan3A_64 = %scan3A_58 to %scan3A_60 step %scan3A_61 iter_args(%scan3A_65 = %scan3A_57) -> (i32)  : i32 {
        %mul3A_66 = arith.constant 16 : i32
        %mul3A_67 = arith.muli %scan3A_64, %mul3A_66 : i32
        %add3A_68 = arith.constant 19968 : i32
        %add3A_69 = arith.addi %add3A_68, %mul3A_67 : i32
        %swap3A = arith.constant 0 : i32
        %swap3A_70 = arith.index_cast %swap3A : i32 to index
        %swap3A_71 = arith.index_cast %add3A_69 : i32 to index
        %swap3A_72 = tpu.vector_load %arg7[%swap3A_70, %swap3A_71] {strides = array<i32>} : memref<2x20096xi32, #tpu.memory_space<vmem>>, vector<16xi32>,
        tpu.vector_store %arg7[%swap3A_70, %swap3A_71], %broadcast_in_dim3A_56 {strides = array<i32>} : memref<2x20096xi32, #tpu.memory_space<vmem>>, vector<16xi32>,
        %mul3A_73 = arith.constant 16 : i32
        %mul3A_74 = arith.muli %scan3A_64, %mul3A_73 : i32
        %add3A_75 = arith.constant 19968 : i32
        %add3A_76 = arith.addi %add3A_75, %mul3A_74 : i32
        %swap3A_77 = arith.constant 1 : i32
        %swap3A_78 = arith.index_cast %swap3A_77 : i32 to index
        %swap3A_79 = arith.index_cast %add3A_76 : i32 to index
        %swap3A_80 = tpu.vector_load %arg7[%swap3A_78, %swap3A_79] {strides = array<i32>} : memref<2x20096xi32, #tpu.memory_space<vmem>>, vector<16xi32>,
        tpu.vector_store %arg7[%swap3A_78, %swap3A_79], %broadcast_in_dim3A_56 {strides = array<i32>} : memref<2x20096xi32, #tpu.memory_space<vmem>>, vector<16xi32>,
        %scan3A_81 = arith.constant 0 : i32
        scf.yield %scan3A_81 : i32
      }
      %scan3A_63 = arith.constant 8 : i32
    } else {
    }
    %scan3A = arith.constant 0 : i32
    %scan3A_9 = arith.constant 0 : i32
    %scan3A_10 = arith.constant 40 : i32
    %scan3A_11 = arith.addi %scan3A_9, %scan3A_10 : i32
    %scan3A_12 = arith.constant 1 : i32
    %scan3A_13 = scf.for %scan3A_51 = %scan3A_9 to %scan3A_11 step %scan3A_12 iter_args(%scan3A_52 = %scan3A) -> (i32)  : i32 {
      %mul3A_53 = arith.constant 16 : i32
      %mul3A_54 = arith.muli %scan3A_51, %mul3A_53 : i32
      %swap3A = arith.index_cast %mul3A_54 : i32 to index
      %swap3A_55 = tpu.vector_load %arg15[%swap3A] {strides = array<i32>} : memref<640xf32, #tpu.memory_space<vmem>>, vector<16xf32>,
      tpu.vector_store %arg15[%swap3A], %broadcast_in_dim3A_0 {strides = array<i32>} : memref<640xf32, #tpu.memory_space<vmem>>, vector<16xf32>,
      %scan3A_56 = arith.constant 0 : i32
      scf.yield %scan3A_56 : i32
    }
    %scan3A_14 = arith.constant 40 : i32
    %mul3A_15 = arith.constant 640 : i32
    %mul3A_16 = arith.muli %arg1, %mul3A_15 : i32
    "tpu.region"() ({
      %run_scoped3A = tpu.sem_alloc : memref<!tpu.dma_semaphore, #tpu.memory_space<semaphore_mem>>
      %dma_start3A_51 = tpu.memref_slice %arg19[%mul3A_16] : memref<10240xf32, #tpu.memory_space<vmem_shared>> -> memref<640xf32, #tpu.memory_space<vmem_shared>>
      %dma_start3A_52 = tpu.memref_slice %arg19[%mul3A_16] : memref<10240xf32, #tpu.memory_space<vmem_shared>> -> memref<640xf32, #tpu.memory_space<vmem_shared>>
      tpu.enqueue_dma source(%arg15 : memref<640xf32, #tpu.memory_space<vmem>>) target(%dma_start3A_52 : memref<640xf32, #tpu.memory_space<vmem_shared>>) target_semaphore(%run_scoped3A : memref<!tpu.dma_semaphore, #tpu.memory_space<semaphore_mem>>)
      %dma_wait3A_53 = tpu.memref_slice %arg19[%mul3A_16] : memref<10240xf32, #tpu.memory_space<vmem_shared>> -> memref<640xf32, #tpu.memory_space<vmem_shared>>
      %dma_wait3A_54 = tpu.memref_slice %arg19[%mul3A_16] : memref<10240xf32, #tpu.memory_space<vmem_shared>> -> memref<640xf32, #tpu.memory_space<vmem_shared>>
      tpu.wait_dma2 semaphore(%run_scoped3A : memref<!tpu.dma_semaphore, #tpu.memory_space<semaphore_mem>>) src(%arg15 : memref<640xf32, #tpu.memory_space<vmem>>) dst(%dma_wait3A_54 : memref<640xf32, #tpu.memory_space<vmem_shared>>)
      tpu.yield
    }) : () -> ()
    %parallel_loop3A = arith.constant 0 : i32
    %parallel_loop3A_17 = arith.constant 640 : i32
    %parallel_loop3A_18 = arith.constant 1 : i32
    scf.for %parallel_loop3A_51 = %parallel_loop3A to %parallel_loop3A_17 step %parallel_loop3A_18  : i32 {
      %parallel_loop3A_52 = arith.constant 16 : i32
      %parallel_loop3A_53 = arith.muli %parallel_loop3A_51, %parallel_loop3A_52 : i32
      %parallel_loop3A_54 = arith.index_cast %parallel_loop3A_53 : i32 to index
      %parallel_loop3A_55 = tpu.vector_load %arg10[%parallel_loop3A_54] {strides = array<i32>} : memref<10240xf32, #tpu.memory_space<vmem>>, vector<16xf32>,
      tpu.vector_store %arg10[%parallel_loop3A_54], %broadcast_in_dim3A_0 {strides = array<i32>} : memref<10240xf32, #tpu.memory_space<vmem>>, vector<16xf32>,
    } {sc.loop_unroll_factor = 8 : i64, sc.parallel_access}
    tpu.wait_dma2 semaphore(%arg20 : memref<!tpu.dma_semaphore, #tpu.memory_space<semaphore_mem>>) src(%arg5 : memref<16xf32, #tpu.memory_space<hbm>>) dst(%arg16 : memref<16xf32, #tpu.memory_space<vmem>>)
    tpu.wait_dma2 semaphore(%arg20 : memref<!tpu.dma_semaphore, #tpu.memory_space<semaphore_mem>>) src(%arg3 : memref<10x1x1024xf32, #tpu.memory_space<hbm>>) dst(%arg8 : memref<10x1x1024xf32, #tpu.memory_space<vmem>>)
    %dma_wait3A = tpu.memref_slice %arg4[%mul3A_1] : memref<10240xf32, #tpu.memory_space<hbm>> -> memref<640xf32, #tpu.memory_space<hbm>>
    %dma_wait3A_19 = tpu.memref_slice %arg4[%mul3A_1] : memref<10240xf32, #tpu.memory_space<hbm>> -> memref<640xf32, #tpu.memory_space<hbm>>
    tpu.wait_dma2 semaphore(%arg20 : memref<!tpu.dma_semaphore, #tpu.memory_space<semaphore_mem>>) src(%dma_wait3A_19 : memref<640xf32, #tpu.memory_space<hbm>>) dst(%arg14 : memref<640xf32, #tpu.memory_space<vmem>>)
    %iota3A = tpu.iota {dimensions = array<i32: 0>} : vector<16xi32>
    %parallel_loop3A_20 = arith.constant 0 : i32
    %parallel_loop3A_21 = arith.constant 40 : i32
    %parallel_loop3A_22 = arith.constant 1 : i32
    scf.for %parallel_loop3A_51 = %parallel_loop3A_20 to %parallel_loop3A_21 step %parallel_loop3A_22  : i32 {
      %parallel_loop3A_52 = arith.constant 16 : i32
      %parallel_loop3A_53 = arith.muli %parallel_loop3A_51, %parallel_loop3A_52 : i32
      %parallel_loop3A_54 = arith.index_cast %parallel_loop3A_53 : i32 to index
      %parallel_loop3A_55 = tpu.vector_load %arg14[%parallel_loop3A_54] {strides = array<i32>} : memref<640xf32, #tpu.memory_space<vmem>>, vector<16xf32>,
      %parallel_loop3A_56 = vector.bitcast %parallel_loop3A_55 : vector<16xf32> to vector<16xi32>
      %parallel_loop3A_57 = arith.constant 1 : i32
      %parallel_loop3A_58 = vector.broadcast %parallel_loop3A_57 : i32 to vector<16xi32>
      %parallel_loop3A_59 = arith.shrsi %parallel_loop3A_56, %parallel_loop3A_58 : vector<16xi32>
      %parallel_loop3A_60 = arith.constant 1597463007 : i32
      %parallel_loop3A_61 = vector.broadcast %parallel_loop3A_60 : i32 to vector<16xi32>
      %parallel_loop3A_62 = arith.subi %parallel_loop3A_61, %parallel_loop3A_59 : vector<16xi32>
      %parallel_loop3A_63 = vector.bitcast %parallel_loop3A_62 : vector<16xi32> to vector<16xf32>
      %parallel_loop3A_64 = arith.constant 5.000000e-01 : f32
      %parallel_loop3A_65 = vector.broadcast %parallel_loop3A_64 : f32 to vector<16xf32>
      %parallel_loop3A_66 = arith.mulf %parallel_loop3A_65, %parallel_loop3A_55 : vector<16xf32>
      %parallel_loop3A_67 = arith.mulf %parallel_loop3A_66, %parallel_loop3A_63 : vector<16xf32>
      %parallel_loop3A_68 = arith.mulf %parallel_loop3A_67, %parallel_loop3A_63 : vector<16xf32>
      %parallel_loop3A_69 = arith.constant 1.500000e+00 : f32
      %parallel_loop3A_70 = vector.broadcast %parallel_loop3A_69 : f32 to vector<16xf32>
      %parallel_loop3A_71 = arith.subf %parallel_loop3A_70, %parallel_loop3A_68 : vector<16xf32>
      %parallel_loop3A_72 = arith.mulf %parallel_loop3A_63, %parallel_loop3A_71 : vector<16xf32>
      %parallel_loop3A_73 = arith.constant 5.000000e-01 : f32
      %parallel_loop3A_74 = vector.broadcast %parallel_loop3A_73 : f32 to vector<16xf32>
      %parallel_loop3A_75 = arith.mulf %parallel_loop3A_74, %parallel_loop3A_55 : vector<16xf32>
      %parallel_loop3A_76 = arith.mulf %parallel_loop3A_75, %parallel_loop3A_72 : vector<16xf32>
      %parallel_loop3A_77 = arith.mulf %parallel_loop3A_76, %parallel_loop3A_72 : vector<16xf32>
      %parallel_loop3A_78 = arith.constant 1.500000e+00 : f32
      %parallel_loop3A_79 = vector.broadcast %parallel_loop3A_78 : f32 to vector<16xf32>
      %parallel_loop3A_80 = arith.subf %parallel_loop3A_79, %parallel_loop3A_77 : vector<16xf32>
      %parallel_loop3A_81 = arith.mulf %parallel_loop3A_72, %parallel_loop3A_80 : vector<16xf32>
      %parallel_loop3A_82 = arith.constant 5.000000e-01 : f32
      %parallel_loop3A_83 = vector.broadcast %parallel_loop3A_82 : f32 to vector<16xf32>
      %parallel_loop3A_84 = arith.mulf %parallel_loop3A_83, %parallel_loop3A_55 : vector<16xf32>
      %parallel_loop3A_85 = arith.mulf %parallel_loop3A_84, %parallel_loop3A_81 : vector<16xf32>
      %parallel_loop3A_86 = arith.mulf %parallel_loop3A_85, %parallel_loop3A_81 : vector<16xf32>
      %parallel_loop3A_87 = arith.constant 1.500000e+00 : f32
      %parallel_loop3A_88 = vector.broadcast %parallel_loop3A_87 : f32 to vector<16xf32>
      %parallel_loop3A_89 = arith.subf %parallel_loop3A_88, %parallel_loop3A_86 : vector<16xf32>
      %parallel_loop3A_90 = arith.mulf %parallel_loop3A_81, %parallel_loop3A_89 : vector<16xf32>
      %parallel_loop3A_91 = arith.mulf %parallel_loop3A_90, %parallel_loop3A_90 : vector<16xf32>
      %parallel_loop3A_92 = arith.index_cast %parallel_loop3A_53 : i32 to index
      %parallel_loop3A_93 = tpu.vector_load %arg13[%parallel_loop3A_92] {strides = array<i32>} : memref<640xf32, #tpu.memory_space<vmem>>, vector<16xf32>,
      tpu.vector_store %arg13[%parallel_loop3A_92], %parallel_loop3A_91 {strides = array<i32>} : memref<640xf32, #tpu.memory_space<vmem>>, vector<16xf32>,
      %parallel_loop3A_94 = arith.mulf %parallel_loop3A_55, %parallel_loop3A_90 : vector<16xf32>
      %parallel_loop3A_95 = arith.index_cast %parallel_loop3A_53 : i32 to index
      %parallel_loop3A_96 = tpu.vector_load %arg14[%parallel_loop3A_95] {strides = array<i32>} : memref<640xf32, #tpu.memory_space<vmem>>, vector<16xf32>,
      tpu.vector_store %arg14[%parallel_loop3A_95], %parallel_loop3A_94 {strides = array<i32>} : memref<640xf32, #tpu.memory_space<vmem>>, vector<16xf32>,
      %parallel_loop3A_97 = arith.constant 640 : i32
      %parallel_loop3A_98 = arith.muli %arg1, %parallel_loop3A_97 : i32
      %parallel_loop3A_99 = arith.constant 16 : i32
      %parallel_loop3A_100 = arith.muli %parallel_loop3A_51, %parallel_loop3A_99 : i32
      %parallel_loop3A_101 = arith.addi %parallel_loop3A_98, %parallel_loop3A_100 : i32
      %parallel_loop3A_102 = arith.constant 10 : i32
      %parallel_loop3A_103 = arith.shrsi %parallel_loop3A_101, %parallel_loop3A_102 : i32
      %parallel_loop3A_104 = arith.constant 1023 : i32
      %parallel_loop3A_105 = arith.andi %parallel_loop3A_101, %parallel_loop3A_104 : i32
      %parallel_loop3A_106 = arith.constant 0 : i32
      %parallel_loop3A_107 = arith.index_cast %parallel_loop3A_103 : i32 to index
      %parallel_loop3A_108 = arith.index_cast %parallel_loop3A_106 : i32 to index
      %parallel_loop3A_109 = arith.index_cast %parallel_loop3A_105 : i32 to index
      %parallel_loop3A_110 = tpu.vector_load %arg8[%parallel_loop3A_107, %parallel_loop3A_108, %parallel_loop3A_109] {strides = array<i32>} : memref<10x1x1024xf32, #tpu.memory_space<vmem>>, vector<16xf32>,
      %parallel_loop3A_111 = vector.broadcast %parallel_loop3A_101 : i32 to vector<16xi32>
      %parallel_loop3A_112 = arith.addi %parallel_loop3A_111, %iota3A : vector<16xi32>
      %parallel_loop3A_113 = arith.constant 10000 : i32
      %parallel_loop3A_114 = vector.broadcast %parallel_loop3A_113 : i32 to vector<16xi32>
      %parallel_loop3A_115 = arith.cmpi slt, %parallel_loop3A_112, %parallel_loop3A_114 : vector<16xi32>
      %parallel_loop3A_116 = arith.mulf %parallel_loop3A_90, %parallel_loop3A_110 : vector<16xf32>
      %parallel_loop3A_117 = arith.constant 0.000000e+00 : f32
      %parallel_loop3A_118 = vector.broadcast %parallel_loop3A_117 : f32 to vector<16xf32>
      %parallel_loop3A_119 = arith.select %parallel_loop3A_115, %parallel_loop3A_116, %parallel_loop3A_118 : vector<16xi1>, vector<16xf32>
      %parallel_loop3A_120 = arith.index_cast %parallel_loop3A_53 : i32 to index
      %parallel_loop3A_121 = tpu.vector_load %arg12[%parallel_loop3A_120] {strides = array<i32>} : memref<640xf32, #tpu.memory_space<vmem>>, vector<16xf32>,
      tpu.vector_store %arg12[%parallel_loop3A_120], %parallel_loop3A_119 {strides = array<i32>} : memref<640xf32, #tpu.memory_space<vmem>>, vector<16xf32>,
    } {sc.loop_unroll_factor = 2 : i64, sc.parallel_access}
    %mul3A_23 = arith.constant 640 : i32
    %mul3A_24 = arith.muli %arg1, %mul3A_23 : i32
    "tpu.region"() ({
      %run_scoped3A = tpu.sem_alloc : memref<!tpu.dma_semaphore, #tpu.memory_space<semaphore_mem>>
      %dma_start3A_51 = tpu.memref_slice %arg18[%mul3A_24] : memref<10240xf32, #tpu.memory_space<vmem_shared>> -> memref<640xf32, #tpu.memory_space<vmem_shared>>
      %dma_start3A_52 = tpu.memref_slice %arg18[%mul3A_24] : memref<10240xf32, #tpu.memory_space<vmem_shared>> -> memref<640xf32, #tpu.memory_space<vmem_shared>>
      tpu.enqueue_dma source(%arg12 : memref<640xf32, #tpu.memory_space<vmem>>) target(%dma_start3A_52 : memref<640xf32, #tpu.memory_space<vmem_shared>>) target_semaphore(%run_scoped3A : memref<!tpu.dma_semaphore, #tpu.memory_space<semaphore_mem>>)
      %dma_wait3A_53 = tpu.memref_slice %arg18[%mul3A_24] : memref<10240xf32, #tpu.memory_space<vmem_shared>> -> memref<640xf32, #tpu.memory_space<vmem_shared>>
      %dma_wait3A_54 = tpu.memref_slice %arg18[%mul3A_24] : memref<10240xf32, #tpu.memory_space<vmem_shared>> -> memref<640xf32, #tpu.memory_space<vmem_shared>>
      tpu.wait_dma2 semaphore(%run_scoped3A : memref<!tpu.dma_semaphore, #tpu.memory_space<semaphore_mem>>) src(%arg12 : memref<640xf32, #tpu.memory_space<vmem>>) dst(%dma_wait3A_54 : memref<640xf32, #tpu.memory_space<vmem_shared>>)
      tpu.yield
    }) : () -> ()
    %barrier3A = arith.constant 0 : index
    tpu.barrier barrier_id(%barrier3A)
    "tpu.region"() ({
      %run_scoped3A = tpu.sem_alloc : memref<!tpu.dma_semaphore, #tpu.memory_space<semaphore_mem>>
      tpu.enqueue_dma source(%arg18 : memref<10240xf32, #tpu.memory_space<vmem_shared>>) target(%arg9 : memref<10240xf32, #tpu.memory_space<vmem>>) target_semaphore(%run_scoped3A : memref<!tpu.dma_semaphore, #tpu.memory_space<semaphore_mem>>)
      tpu.wait_dma2 semaphore(%run_scoped3A : memref<!tpu.dma_semaphore, #tpu.memory_space<semaphore_mem>>) src(%arg18 : memref<10240xf32, #tpu.memory_space<vmem_shared>>) dst(%arg9 : memref<10240xf32, #tpu.memory_space<vmem>>)
      tpu.yield
    }) : () -> ()
    %scan3A_25 = arith.constant 0 : i32
    %scan3A_26 = arith.constant 0 : i32
    %scan3A_27 = arith.constant 9 : i32
    %scan3A_28 = arith.addi %scan3A_26, %scan3A_27 : i32
    %scan3A_29 = arith.constant 1 : i32
    %scan3A_30 = scf.for %scan3A_51 = %scan3A_26 to %scan3A_28 step %scan3A_29 iter_args(%scan3A_52 = %scan3A_25) -> (i32)  : i32 {
      %parallel_loop3A_53 = arith.constant 0 : i32
      %parallel_loop3A_54 = arith.constant 1256 : i32
      %parallel_loop3A_55 = arith.constant 1 : i32
      scf.for %parallel_loop3A_66 = %parallel_loop3A_53 to %parallel_loop3A_54 step %parallel_loop3A_55  : i32 {
        %parallel_loop3A_67 = arith.constant 16 : i32
        %parallel_loop3A_68 = arith.muli %parallel_loop3A_66, %parallel_loop3A_67 : i32
        %parallel_loop3A_69 = arith.constant 0 : i32
        %parallel_loop3A_70 = arith.index_cast %parallel_loop3A_69 : i32 to index
        %parallel_loop3A_71 = arith.index_cast %parallel_loop3A_68 : i32 to index
        %parallel_loop3A_72 = tpu.vector_load %arg7[%parallel_loop3A_70, %parallel_loop3A_71] {strides = array<i32>} : memref<2x20096xi32, #tpu.memory_space<vmem>>, vector<16xi32>,
        %parallel_loop3A_73 = arith.constant 16 : i32
        %parallel_loop3A_74 = arith.muli %parallel_loop3A_66, %parallel_loop3A_73 : i32
        %parallel_loop3A_75 = arith.constant 1 : i32
        %parallel_loop3A_76 = arith.index_cast %parallel_loop3A_75 : i32 to index
        %parallel_loop3A_77 = arith.index_cast %parallel_loop3A_74 : i32 to index
        %parallel_loop3A_78 = tpu.vector_load %arg7[%parallel_loop3A_76, %parallel_loop3A_77] {strides = array<i32>} : memref<2x20096xi32, #tpu.memory_space<vmem>>, vector<16xi32>,
        %parallel_loop3A_79 = tpu.vector_load_idx %arg9[%parallel_loop3A_72] : memref<10240xf32, #tpu.memory_space<vmem>>[vector<16xi32>], vector<16xf32>,
        tpu.vector_store_idx %arg10[%parallel_loop3A_78], %parallel_loop3A_79 {add = true} : memref<10240xf32, #tpu.memory_space<vmem>>[vector<16xi32>], vector<16xf32>,
      } {sc.loop_unroll_factor = 16 : i64, sc.parallel_access}
      "tpu.region"() ({
        %run_scoped3A = tpu.sem_alloc : memref<!tpu.dma_semaphore, #tpu.memory_space<semaphore_mem>>
        %dma_start3A_66 = arith.constant 0 : i32
        %dma_start3A_67 = tpu.memref_slice %arg17[%arg1, %dma_start3A_66] : memref<16x10240xf32, #tpu.memory_space<vmem_shared>> -> memref<1x10240xf32, #tpu.memory_space<vmem_shared>>
        %dma_start3A_68 = tpu.memref_squeeze %dma_start3A_67 : memref<1x10240xf32, #tpu.memory_space<vmem_shared>> -> memref<10240xf32, #tpu.memory_space<vmem_shared>>
        %dma_start3A_69 = arith.constant 0 : i32
        %dma_start3A_70 = tpu.memref_slice %arg17[%arg1, %dma_start3A_69] : memref<16x10240xf32, #tpu.memory_space<vmem_shared>> -> memref<1x10240xf32, #tpu.memory_space<vmem_shared>>
        %dma_start3A_71 = tpu.memref_squeeze %dma_start3A_70 : memref<1x10240xf32, #tpu.memory_space<vmem_shared>> -> memref<10240xf32, #tpu.memory_space<vmem_shared>>
        tpu.enqueue_dma source(%arg10 : memref<10240xf32, #tpu.memory_space<vmem>>) target(%dma_start3A_71 : memref<10240xf32, #tpu.memory_space<vmem_shared>>) target_semaphore(%run_scoped3A : memref<!tpu.dma_semaphore, #tpu.memory_space<semaphore_mem>>)
        %dma_wait3A_72 = arith.constant 0 : i32
        %dma_wait3A_73 = tpu.memref_slice %arg17[%arg1, %dma_wait3A_72] : memref<16x10240xf32, #tpu.memory_space<vmem_shared>> -> memref<1x10240xf32, #tpu.memory_space<vmem_shared>>
        %dma_wait3A_74 = tpu.memref_squeeze %dma_wait3A_73 : memref<1x10240xf32, #tpu.memory_space<vmem_shared>> -> memref<10240xf32, #tpu.memory_space<vmem_shared>>
        %dma_wait3A_75 = arith.constant 0 : i32
        %dma_wait3A_76 = tpu.memref_slice %arg17[%arg1, %dma_wait3A_75] : memref<16x10240xf32, #tpu.memory_space<vmem_shared>> -> memref<1x10240xf32, #tpu.memory_space<vmem_shared>>
        %dma_wait3A_77 = tpu.memref_squeeze %dma_wait3A_76 : memref<1x10240xf32, #tpu.memory_space<vmem_shared>> -> memref<10240xf32, #tpu.memory_space<vmem_shared>>
        tpu.wait_dma2 semaphore(%run_scoped3A : memref<!tpu.dma_semaphore, #tpu.memory_space<semaphore_mem>>) src(%arg10 : memref<10240xf32, #tpu.memory_space<vmem>>) dst(%dma_wait3A_77 : memref<10240xf32, #tpu.memory_space<vmem_shared>>)
        tpu.yield
      }) : () -> ()
      %barrier3A_56 = arith.constant 0 : index
      tpu.barrier barrier_id(%barrier3A_56)
      %mul3A_57 = arith.constant 640 : i32
      %mul3A_58 = arith.muli %arg1, %mul3A_57 : i32
      "tpu.region"() ({
        %run_scoped3A = tpu.sem_alloc : memref<!tpu.dma_semaphore, #tpu.memory_space<semaphore_mem>>
        %dma_start3A_66 = arith.constant 0 : i32
        %dma_start3A_67 = tpu.memref_slice %arg17[%dma_start3A_66, %mul3A_58] : memref<16x10240xf32, #tpu.memory_space<vmem_shared>> -> memref<16x640xf32, #tpu.memory_space<vmem_shared>>
        %dma_start3A_68 = arith.constant 0 : i32
        %dma_start3A_69 = tpu.memref_slice %arg17[%dma_start3A_68, %mul3A_58] : memref<16x10240xf32, #tpu.memory_space<vmem_shared>> -> memref<16x640xf32, #tpu.memory_space<vmem_shared>>
        tpu.enqueue_dma source(%dma_start3A_69 : memref<16x640xf32, #tpu.memory_space<vmem_shared>>) target(%arg11 : memref<16x640xf32, #tpu.memory_space<vmem>>) target_semaphore(%run_scoped3A : memref<!tpu.dma_semaphore, #tpu.memory_space<semaphore_mem>>)
        %dma_wait3A_70 = arith.constant 0 : i32
        %dma_wait3A_71 = tpu.memref_slice %arg17[%dma_wait3A_70, %mul3A_58] : memref<16x10240xf32, #tpu.memory_space<vmem_shared>> -> memref<16x640xf32, #tpu.memory_space<vmem_shared>>
        %dma_wait3A_72 = arith.constant 0 : i32
        %dma_wait3A_73 = tpu.memref_slice %arg17[%dma_wait3A_72, %mul3A_58] : memref<16x10240xf32, #tpu.memory_space<vmem_shared>> -> memref<16x640xf32, #tpu.memory_space<vmem_shared>>
        tpu.wait_dma2 semaphore(%run_scoped3A : memref<!tpu.dma_semaphore, #tpu.memory_space<semaphore_mem>>) src(%dma_wait3A_73 : memref<16x640xf32, #tpu.memory_space<vmem_shared>>) dst(%arg11 : memref<16x640xf32, #tpu.memory_space<vmem>>)
        tpu.yield
      }) : () -> ()
      tpu.enqueue_dma source(%arg19 : memref<10240xf32, #tpu.memory_space<vmem_shared>>) target(%arg10 : memref<10240xf32, #tpu.memory_space<vmem>>) target_semaphore(%arg20 : memref<!tpu.dma_semaphore, #tpu.memory_space<semaphore_mem>>)
      %parallel_loop3A_59 = arith.constant 0 : i32
      %parallel_loop3A_60 = arith.constant 40 : i32
      %parallel_loop3A_61 = arith.constant 1 : i32
      scf.for %parallel_loop3A_66 = %parallel_loop3A_59 to %parallel_loop3A_60 step %parallel_loop3A_61  : i32 {
        %parallel_loop3A_67 = arith.constant 16 : i32
        %parallel_loop3A_68 = arith.muli %parallel_loop3A_66, %parallel_loop3A_67 : i32
        %parallel_loop3A_69 = arith.constant 0 : i32
        %parallel_loop3A_70 = arith.index_cast %parallel_loop3A_69 : i32 to index
        %parallel_loop3A_71 = arith.index_cast %parallel_loop3A_68 : i32 to index
        %parallel_loop3A_72 = tpu.vector_load %arg11[%parallel_loop3A_70, %parallel_loop3A_71] {strides = array<i32>} : memref<16x640xf32, #tpu.memory_space<vmem>>, vector<16xf32>,
        %parallel_loop3A_73 = arith.constant 1 : i32
        %parallel_loop3A_74 = arith.index_cast %parallel_loop3A_73 : i32 to index
        %parallel_loop3A_75 = arith.index_cast %parallel_loop3A_68 : i32 to index
        %parallel_loop3A_76 = tpu.vector_load %arg11[%parallel_loop3A_74, %parallel_loop3A_75] {strides = array<i32>} : memref<16x640xf32, #tpu.memory_space<vmem>>, vector<16xf32>,
        %parallel_loop3A_77 = arith.addf %parallel_loop3A_72, %parallel_loop3A_76 : vector<16xf32>
        %parallel_loop3A_78 = arith.constant 2 : i32
        %parallel_loop3A_79 = arith.index_cast %parallel_loop3A_78 : i32 to index
        %parallel_loop3A_80 = arith.index_cast %parallel_loop3A_68 : i32 to index
        %parallel_loop3A_81 = tpu.vector_load %arg11[%parallel_loop3A_79, %parallel_loop3A_80] {strides = array<i32>} : memref<16x640xf32, #tpu.memory_space<vmem>>, vector<16xf32>,
        %parallel_loop3A_82 = arith.addf %parallel_loop3A_77, %parallel_loop3A_81 : vector<16xf32>
        %parallel_loop3A_83 = arith.constant 3 : i32
        %parallel_loop3A_84 = arith.index_cast %parallel_loop3A_83 : i32 to index
        %parallel_loop3A_85 = arith.index_cast %parallel_loop3A_68 : i32 to index
        %parallel_loop3A_86 = tpu.vector_load %arg11[%parallel_loop3A_84, %parallel_loop3A_85] {strides = array<i32>} : memref<16x640xf32, #tpu.memory_space<vmem>>, vector<16xf32>,
        %parallel_loop3A_87 = arith.addf %parallel_loop3A_82, %parallel_loop3A_86 : vector<16xf32>
        %parallel_loop3A_88 = arith.constant 4 : i32
        %parallel_loop3A_89 = arith.index_cast %parallel_loop3A_88 : i32 to index
        %parallel_loop3A_90 = arith.index_cast %parallel_loop3A_68 : i32 to index
        %parallel_loop3A_91 = tpu.vector_load %arg11[%parallel_loop3A_89, %parallel_loop3A_90] {strides = array<i32>} : memref<16x640xf32, #tpu.memory_space<vmem>>, vector<16xf32>,
        %parallel_loop3A_92 = arith.addf %parallel_loop3A_87, %parallel_loop3A_91 : vector<16xf32>
        %parallel_loop3A_93 = arith.constant 5 : i32
        %parallel_loop3A_94 = arith.index_cast %parallel_loop3A_93 : i32 to index
        %parallel_loop3A_95 = arith.index_cast %parallel_loop3A_68 : i32 to index
        %parallel_loop3A_96 = tpu.vector_load %arg11[%parallel_loop3A_94, %parallel_loop3A_95] {strides = array<i32>} : memref<16x640xf32, #tpu.memory_space<vmem>>, vector<16xf32>,
        %parallel_loop3A_97 = arith.addf %parallel_loop3A_92, %parallel_loop3A_96 : vector<16xf32>
        %parallel_loop3A_98 = arith.constant 6 : i32
        %parallel_loop3A_99 = arith.index_cast %parallel_loop3A_98 : i32 to index
        %parallel_loop3A_100 = arith.index_cast %parallel_loop3A_68 : i32 to index
        %parallel_loop3A_101 = tpu.vector_load %arg11[%parallel_loop3A_99, %parallel_loop3A_100] {strides = array<i32>} : memref<16x640xf32, #tpu.memory_space<vmem>>, vector<16xf32>,
        %parallel_loop3A_102 = arith.addf %parallel_loop3A_97, %parallel_loop3A_101 : vector<16xf32>
        %parallel_loop3A_103 = arith.constant 7 : i32
        %parallel_loop3A_104 = arith.index_cast %parallel_loop3A_103 : i32 to index
        %parallel_loop3A_105 = arith.index_cast %parallel_loop3A_68 : i32 to index
        %parallel_loop3A_106 = tpu.vector_load %arg11[%parallel_loop3A_104, %parallel_loop3A_105] {strides = array<i32>} : memref<16x640xf32, #tpu.memory_space<vmem>>, vector<16xf32>,
        %parallel_loop3A_107 = arith.addf %parallel_loop3A_102, %parallel_loop3A_106 : vector<16xf32>
        %parallel_loop3A_108 = arith.constant 8 : i32
        %parallel_loop3A_109 = arith.index_cast %parallel_loop3A_108 : i32 to index
        %parallel_loop3A_110 = arith.index_cast %parallel_loop3A_68 : i32 to index
        %parallel_loop3A_111 = tpu.vector_load %arg11[%parallel_loop3A_109, %parallel_loop3A_110] {strides = array<i32>} : memref<16x640xf32, #tpu.memory_space<vmem>>, vector<16xf32>,
        %parallel_loop3A_112 = arith.addf %parallel_loop3A_107, %parallel_loop3A_111 : vector<16xf32>
        %parallel_loop3A_113 = arith.constant 9 : i32
        %parallel_loop3A_114 = arith.index_cast %parallel_loop3A_113 : i32 to index
        %parallel_loop3A_115 = arith.index_cast %parallel_loop3A_68 : i32 to index
        %parallel_loop3A_116 = tpu.vector_load %arg11[%parallel_loop3A_114, %parallel_loop3A_115] {strides = array<i32>} : memref<16x640xf32, #tpu.memory_space<vmem>>, vector<16xf32>,
        %parallel_loop3A_117 = arith.addf %parallel_loop3A_112, %parallel_loop3A_116 : vector<16xf32>
        %parallel_loop3A_118 = arith.constant 10 : i32
        %parallel_loop3A_119 = arith.index_cast %parallel_loop3A_118 : i32 to index
        %parallel_loop3A_120 = arith.index_cast %parallel_loop3A_68 : i32 to index
        %parallel_loop3A_121 = tpu.vector_load %arg11[%parallel_loop3A_119, %parallel_loop3A_120] {strides = array<i32>} : memref<16x640xf32, #tpu.memory_space<vmem>>, vector<16xf32>,
        %parallel_loop3A_122 = arith.addf %parallel_loop3A_117, %parallel_loop3A_121 : vector<16xf32>
        %parallel_loop3A_123 = arith.constant 11 : i32
        %parallel_loop3A_124 = arith.index_cast %parallel_loop3A_123 : i32 to index
        %parallel_loop3A_125 = arith.index_cast %parallel_loop3A_68 : i32 to index
        %parallel_loop3A_126 = tpu.vector_load %arg11[%parallel_loop3A_124, %parallel_loop3A_125] {strides = array<i32>} : memref<16x640xf32, #tpu.memory_space<vmem>>, vector<16xf32>,
        %parallel_loop3A_127 = arith.addf %parallel_loop3A_122, %parallel_loop3A_126 : vector<16xf32>
        %parallel_loop3A_128 = arith.constant 12 : i32
        %parallel_loop3A_129 = arith.index_cast %parallel_loop3A_128 : i32 to index
        %parallel_loop3A_130 = arith.index_cast %parallel_loop3A_68 : i32 to index
        %parallel_loop3A_131 = tpu.vector_load %arg11[%parallel_loop3A_129, %parallel_loop3A_130] {strides = array<i32>} : memref<16x640xf32, #tpu.memory_space<vmem>>, vector<16xf32>,
        %parallel_loop3A_132 = arith.addf %parallel_loop3A_127, %parallel_loop3A_131 : vector<16xf32>
        %parallel_loop3A_133 = arith.constant 13 : i32
        %parallel_loop3A_134 = arith.index_cast %parallel_loop3A_133 : i32 to index
        %parallel_loop3A_135 = arith.index_cast %parallel_loop3A_68 : i32 to index
        %parallel_loop3A_136 = tpu.vector_load %arg11[%parallel_loop3A_134, %parallel_loop3A_135] {strides = array<i32>} : memref<16x640xf32, #tpu.memory_space<vmem>>, vector<16xf32>,
        %parallel_loop3A_137 = arith.addf %parallel_loop3A_132, %parallel_loop3A_136 : vector<16xf32>
        %parallel_loop3A_138 = arith.constant 14 : i32
        %parallel_loop3A_139 = arith.index_cast %parallel_loop3A_138 : i32 to index
        %parallel_loop3A_140 = arith.index_cast %parallel_loop3A_68 : i32 to index
        %parallel_loop3A_141 = tpu.vector_load %arg11[%parallel_loop3A_139, %parallel_loop3A_140] {strides = array<i32>} : memref<16x640xf32, #tpu.memory_space<vmem>>, vector<16xf32>,
        %parallel_loop3A_142 = arith.addf %parallel_loop3A_137, %parallel_loop3A_141 : vector<16xf32>
        %parallel_loop3A_143 = arith.constant 15 : i32
        %parallel_loop3A_144 = arith.index_cast %parallel_loop3A_143 : i32 to index
        %parallel_loop3A_145 = arith.index_cast %parallel_loop3A_68 : i32 to index
        %parallel_loop3A_146 = tpu.vector_load %arg11[%parallel_loop3A_144, %parallel_loop3A_145] {strides = array<i32>} : memref<16x640xf32, #tpu.memory_space<vmem>>, vector<16xf32>,
        %parallel_loop3A_147 = arith.addf %parallel_loop3A_142, %parallel_loop3A_146 : vector<16xf32>
        %parallel_loop3A_148 = arith.constant 640 : i32
        %parallel_loop3A_149 = arith.muli %arg1, %parallel_loop3A_148 : i32
        %parallel_loop3A_150 = arith.constant 16 : i32
        %parallel_loop3A_151 = arith.muli %parallel_loop3A_66, %parallel_loop3A_150 : i32
        %parallel_loop3A_152 = arith.addi %parallel_loop3A_149, %parallel_loop3A_151 : i32
        %parallel_loop3A_153 = arith.index_cast %parallel_loop3A_152 : i32 to index
        %parallel_loop3A_154 = tpu.vector_load %arg9[%parallel_loop3A_153] {strides = array<i32>} : memref<10240xf32, #tpu.memory_space<vmem>>, vector<16xf32>,
        %parallel_loop3A_155 = arith.index_cast %parallel_loop3A_68 : i32 to index
        %parallel_loop3A_156 = tpu.vector_load %arg13[%parallel_loop3A_155] {strides = array<i32>} : memref<640xf32, #tpu.memory_space<vmem>>, vector<16xf32>,
        %parallel_loop3A_157 = arith.constant 0.899999976 : f32
        %parallel_loop3A_158 = vector.broadcast %parallel_loop3A_157 : f32 to vector<16xf32>
        %parallel_loop3A_159 = arith.mulf %parallel_loop3A_158, %parallel_loop3A_156 : vector<16xf32>
        %parallel_loop3A_160 = arith.addf %parallel_loop3A_147, %parallel_loop3A_154 : vector<16xf32>
        %parallel_loop3A_161 = arith.mulf %parallel_loop3A_159, %parallel_loop3A_160 : vector<16xf32>
        %parallel_loop3A_162 = arith.index_cast %parallel_loop3A_68 : i32 to index
        %parallel_loop3A_163 = tpu.vector_load %arg12[%parallel_loop3A_162] {strides = array<i32>} : memref<640xf32, #tpu.memory_space<vmem>>, vector<16xf32>,
        %parallel_loop3A_164 = arith.constant 1.000000e-01 : f32
        %parallel_loop3A_165 = vector.broadcast %parallel_loop3A_164 : f32 to vector<16xf32>
        %parallel_loop3A_166 = arith.mulf %parallel_loop3A_165, %parallel_loop3A_163 : vector<16xf32>
        %parallel_loop3A_167 = arith.addf %parallel_loop3A_161, %parallel_loop3A_166 : vector<16xf32>
        %parallel_loop3A_168 = arith.index_cast %parallel_loop3A_68 : i32 to index
        %parallel_loop3A_169 = tpu.vector_load %arg15[%parallel_loop3A_168] {strides = array<i32>} : memref<640xf32, #tpu.memory_space<vmem>>, vector<16xf32>,
        tpu.vector_store %arg15[%parallel_loop3A_168], %parallel_loop3A_167 {strides = array<i32>} : memref<640xf32, #tpu.memory_space<vmem>>, vector<16xf32>,
      } {sc.loop_unroll_factor = 2 : i64, sc.parallel_access}
      %mul3A_62 = arith.constant 640 : i32
      %mul3A_63 = arith.muli %arg1, %mul3A_62 : i32
      "tpu.region"() ({
        %run_scoped3A = tpu.sem_alloc : memref<!tpu.dma_semaphore, #tpu.memory_space<semaphore_mem>>
        %dma_start3A_66 = tpu.memref_slice %arg18[%mul3A_63] : memref<10240xf32, #tpu.memory_space<vmem_shared>> -> memref<640xf32, #tpu.memory_space<vmem_shared>>
        %dma_start3A_67 = tpu.memref_slice %arg18[%mul3A_63] : memref<10240xf32, #tpu.memory_space<vmem_shared>> -> memref<640xf32, #tpu.memory_space<vmem_shared>>
        tpu.enqueue_dma source(%arg15 : memref<640xf32, #tpu.memory_space<vmem>>) target(%dma_start3A_67 : memref<640xf32, #tpu.memory_space<vmem_shared>>) target_semaphore(%run_scoped3A : memref<!tpu.dma_semaphore, #tpu.memory_space<semaphore_mem>>)
        %dma_wait3A_68 = tpu.memref_slice %arg18[%mul3A_63] : memref<10240xf32, #tpu.memory_space<vmem_shared>> -> memref<640xf32, #tpu.memory_space<vmem_shared>>
        %dma_wait3A_69 = tpu.memref_slice %arg18[%mul3A_63] : memref<10240xf32, #tpu.memory_space<vmem_shared>> -> memref<640xf32, #tpu.memory_space<vmem_shared>>
        tpu.wait_dma2 semaphore(%run_scoped3A : memref<!tpu.dma_semaphore, #tpu.memory_space<semaphore_mem>>) src(%arg15 : memref<640xf32, #tpu.memory_space<vmem>>) dst(%dma_wait3A_69 : memref<640xf32, #tpu.memory_space<vmem_shared>>)
        tpu.yield
      }) : () -> ()
      %barrier3A_64 = arith.constant 0 : index
      tpu.barrier barrier_id(%barrier3A_64)
      "tpu.region"() ({
        %run_scoped3A = tpu.sem_alloc : memref<!tpu.dma_semaphore, #tpu.memory_space<semaphore_mem>>
        tpu.enqueue_dma source(%arg18 : memref<10240xf32, #tpu.memory_space<vmem_shared>>) target(%arg9 : memref<10240xf32, #tpu.memory_space<vmem>>) target_semaphore(%run_scoped3A : memref<!tpu.dma_semaphore, #tpu.memory_space<semaphore_mem>>)
        tpu.wait_dma2 semaphore(%run_scoped3A : memref<!tpu.dma_semaphore, #tpu.memory_space<semaphore_mem>>) src(%arg18 : memref<10240xf32, #tpu.memory_space<vmem_shared>>) dst(%arg9 : memref<10240xf32, #tpu.memory_space<vmem>>)
        tpu.yield
      }) : () -> ()
      tpu.wait_dma2 semaphore(%arg20 : memref<!tpu.dma_semaphore, #tpu.memory_space<semaphore_mem>>) src(%arg19 : memref<10240xf32, #tpu.memory_space<vmem_shared>>) dst(%arg10 : memref<10240xf32, #tpu.memory_space<vmem>>)
      %scan3A_65 = arith.constant 0 : i32
      scf.yield %scan3A_65 : i32
    }
    %scan3A_31 = arith.constant 9 : i32
    %parallel_loop3A_32 = arith.constant 0 : i32
    %parallel_loop3A_33 = arith.constant 1256 : i32
    %parallel_loop3A_34 = arith.constant 1 : i32
    scf.for %parallel_loop3A_51 = %parallel_loop3A_32 to %parallel_loop3A_33 step %parallel_loop3A_34  : i32 {
      %parallel_loop3A_52 = arith.constant 16 : i32
      %parallel_loop3A_53 = arith.muli %parallel_loop3A_51, %parallel_loop3A_52 : i32
      %parallel_loop3A_54 = arith.constant 0 : i32
      %parallel_loop3A_55 = arith.index_cast %parallel_loop3A_54 : i32 to index
      %parallel_loop3A_56 = arith.index_cast %parallel_loop3A_53 : i32 to index
      %parallel_loop3A_57 = tpu.vector_load %arg7[%parallel_loop3A_55, %parallel_loop3A_56] {strides = array<i32>} : memref<2x20096xi32, #tpu.memory_space<vmem>>, vector<16xi32>,
      %parallel_loop3A_58 = arith.constant 16 : i32
      %parallel_loop3A_59 = arith.muli %parallel_loop3A_51, %parallel_loop3A_58 : i32
      %parallel_loop3A_60 = arith.constant 1 : i32
      %parallel_loop3A_61 = arith.index_cast %parallel_loop3A_60 : i32 to index
      %parallel_loop3A_62 = arith.index_cast %parallel_loop3A_59 : i32 to index
      %parallel_loop3A_63 = tpu.vector_load %arg7[%parallel_loop3A_61, %parallel_loop3A_62] {strides = array<i32>} : memref<2x20096xi32, #tpu.memory_space<vmem>>, vector<16xi32>,
      %parallel_loop3A_64 = tpu.vector_load_idx %arg9[%parallel_loop3A_57] : memref<10240xf32, #tpu.memory_space<vmem>>[vector<16xi32>], vector<16xf32>,
      tpu.vector_store_idx %arg10[%parallel_loop3A_63], %parallel_loop3A_64 {add = true} : memref<10240xf32, #tpu.memory_space<vmem>>[vector<16xi32>], vector<16xf32>,
    } {sc.loop_unroll_factor = 16 : i64, sc.parallel_access}
    "tpu.region"() ({
      %run_scoped3A = tpu.sem_alloc : memref<!tpu.dma_semaphore, #tpu.memory_space<semaphore_mem>>
      %dma_start3A_51 = arith.constant 0 : i32
      %dma_start3A_52 = tpu.memref_slice %arg17[%arg1, %dma_start3A_51] : memref<16x10240xf32, #tpu.memory_space<vmem_shared>> -> memref<1x10240xf32, #tpu.memory_space<vmem_shared>>
      %dma_start3A_53 = tpu.memref_squeeze %dma_start3A_52 : memref<1x10240xf32, #tpu.memory_space<vmem_shared>> -> memref<10240xf32, #tpu.memory_space<vmem_shared>>
      %dma_start3A_54 = arith.constant 0 : i32
      %dma_start3A_55 = tpu.memref_slice %arg17[%arg1, %dma_start3A_54] : memref<16x10240xf32, #tpu.memory_space<vmem_shared>> -> memref<1x10240xf32, #tpu.memory_space<vmem_shared>>
      %dma_start3A_56 = tpu.memref_squeeze %dma_start3A_55 : memref<1x10240xf32, #tpu.memory_space<vmem_shared>> -> memref<10240xf32, #tpu.memory_space<vmem_shared>>
      tpu.enqueue_dma source(%arg10 : memref<10240xf32, #tpu.memory_space<vmem>>) target(%dma_start3A_56 : memref<10240xf32, #tpu.memory_space<vmem_shared>>) target_semaphore(%run_scoped3A : memref<!tpu.dma_semaphore, #tpu.memory_space<semaphore_mem>>)
      %dma_wait3A_57 = arith.constant 0 : i32
      %dma_wait3A_58 = tpu.memref_slice %arg17[%arg1, %dma_wait3A_57] : memref<16x10240xf32, #tpu.memory_space<vmem_shared>> -> memref<1x10240xf32, #tpu.memory_space<vmem_shared>>
      %dma_wait3A_59 = tpu.memref_squeeze %dma_wait3A_58 : memref<1x10240xf32, #tpu.memory_space<vmem_shared>> -> memref<10240xf32, #tpu.memory_space<vmem_shared>>
      %dma_wait3A_60 = arith.constant 0 : i32
      %dma_wait3A_61 = tpu.memref_slice %arg17[%arg1, %dma_wait3A_60] : memref<16x10240xf32, #tpu.memory_space<vmem_shared>> -> memref<1x10240xf32, #tpu.memory_space<vmem_shared>>
      %dma_wait3A_62 = tpu.memref_squeeze %dma_wait3A_61 : memref<1x10240xf32, #tpu.memory_space<vmem_shared>> -> memref<10240xf32, #tpu.memory_space<vmem_shared>>
      tpu.wait_dma2 semaphore(%run_scoped3A : memref<!tpu.dma_semaphore, #tpu.memory_space<semaphore_mem>>) src(%arg10 : memref<10240xf32, #tpu.memory_space<vmem>>) dst(%dma_wait3A_62 : memref<10240xf32, #tpu.memory_space<vmem_shared>>)
      tpu.yield
    }) : () -> ()
    %barrier3A_35 = arith.constant 0 : index
    tpu.barrier barrier_id(%barrier3A_35)
    %mul3A_36 = arith.constant 640 : i32
    %mul3A_37 = arith.muli %arg1, %mul3A_36 : i32
    "tpu.region"() ({
      %run_scoped3A = tpu.sem_alloc : memref<!tpu.dma_semaphore, #tpu.memory_space<semaphore_mem>>
      %dma_start3A_51 = arith.constant 0 : i32
      %dma_start3A_52 = tpu.memref_slice %arg17[%dma_start3A_51, %mul3A_37] : memref<16x10240xf32, #tpu.memory_space<vmem_shared>> -> memref<16x640xf32, #tpu.memory_space<vmem_shared>>
      %dma_start3A_53 = arith.constant 0 : i32
      %dma_start3A_54 = tpu.memref_slice %arg17[%dma_start3A_53, %mul3A_37] : memref<16x10240xf32, #tpu.memory_space<vmem_shared>> -> memref<16x640xf32, #tpu.memory_space<vmem_shared>>
      tpu.enqueue_dma source(%dma_start3A_54 : memref<16x640xf32, #tpu.memory_space<vmem_shared>>) target(%arg11 : memref<16x640xf32, #tpu.memory_space<vmem>>) target_semaphore(%run_scoped3A : memref<!tpu.dma_semaphore, #tpu.memory_space<semaphore_mem>>)
      %dma_wait3A_55 = arith.constant 0 : i32
      %dma_wait3A_56 = tpu.memref_slice %arg17[%dma_wait3A_55, %mul3A_37] : memref<16x10240xf32, #tpu.memory_space<vmem_shared>> -> memref<16x640xf32, #tpu.memory_space<vmem_shared>>
      %dma_wait3A_57 = arith.constant 0 : i32
      %dma_wait3A_58 = tpu.memref_slice %arg17[%dma_wait3A_57, %mul3A_37] : memref<16x10240xf32, #tpu.memory_space<vmem_shared>> -> memref<16x640xf32, #tpu.memory_space<vmem_shared>>
      tpu.wait_dma2 semaphore(%run_scoped3A : memref<!tpu.dma_semaphore, #tpu.memory_space<semaphore_mem>>) src(%dma_wait3A_58 : memref<16x640xf32, #tpu.memory_space<vmem_shared>>) dst(%arg11 : memref<16x640xf32, #tpu.memory_space<vmem>>)
      tpu.yield
    }) : () -> ()
    %get3A = arith.constant 0 : index
    %get3A_38 = tpu.vector_load %arg16[%get3A] {strides = array<i32>} : memref<16xf32, #tpu.memory_space<vmem>>, vector<16xf32>,
    %parallel_loop3A_39 = arith.constant 0 : i32
    %parallel_loop3A_40 = arith.constant 40 : i32
    %parallel_loop3A_41 = arith.constant 1 : i32
    scf.for %parallel_loop3A_51 = %parallel_loop3A_39 to %parallel_loop3A_40 step %parallel_loop3A_41  : i32 {
      %parallel_loop3A_52 = arith.constant 16 : i32
      %parallel_loop3A_53 = arith.muli %parallel_loop3A_51, %parallel_loop3A_52 : i32
      %parallel_loop3A_54 = arith.constant 0 : i32
      %parallel_loop3A_55 = arith.index_cast %parallel_loop3A_54 : i32 to index
      %parallel_loop3A_56 = arith.index_cast %parallel_loop3A_53 : i32 to index
      %parallel_loop3A_57 = tpu.vector_load %arg11[%parallel_loop3A_55, %parallel_loop3A_56] {strides = array<i32>} : memref<16x640xf32, #tpu.memory_space<vmem>>, vector<16xf32>,
      %parallel_loop3A_58 = arith.constant 1 : i32
      %parallel_loop3A_59 = arith.index_cast %parallel_loop3A_58 : i32 to index
      %parallel_loop3A_60 = arith.index_cast %parallel_loop3A_53 : i32 to index
      %parallel_loop3A_61 = tpu.vector_load %arg11[%parallel_loop3A_59, %parallel_loop3A_60] {strides = array<i32>} : memref<16x640xf32, #tpu.memory_space<vmem>>, vector<16xf32>,
      %parallel_loop3A_62 = arith.addf %parallel_loop3A_57, %parallel_loop3A_61 : vector<16xf32>
      %parallel_loop3A_63 = arith.constant 2 : i32
      %parallel_loop3A_64 = arith.index_cast %parallel_loop3A_63 : i32 to index
      %parallel_loop3A_65 = arith.index_cast %parallel_loop3A_53 : i32 to index
      %parallel_loop3A_66 = tpu.vector_load %arg11[%parallel_loop3A_64, %parallel_loop3A_65] {strides = array<i32>} : memref<16x640xf32, #tpu.memory_space<vmem>>, vector<16xf32>,
      %parallel_loop3A_67 = arith.addf %parallel_loop3A_62, %parallel_loop3A_66 : vector<16xf32>
      %parallel_loop3A_68 = arith.constant 3 : i32
      %parallel_loop3A_69 = arith.index_cast %parallel_loop3A_68 : i32 to index
      %parallel_loop3A_70 = arith.index_cast %parallel_loop3A_53 : i32 to index
      %parallel_loop3A_71 = tpu.vector_load %arg11[%parallel_loop3A_69, %parallel_loop3A_70] {strides = array<i32>} : memref<16x640xf32, #tpu.memory_space<vmem>>, vector<16xf32>,
      %parallel_loop3A_72 = arith.addf %parallel_loop3A_67, %parallel_loop3A_71 : vector<16xf32>
      %parallel_loop3A_73 = arith.constant 4 : i32
      %parallel_loop3A_74 = arith.index_cast %parallel_loop3A_73 : i32 to index
      %parallel_loop3A_75 = arith.index_cast %parallel_loop3A_53 : i32 to index
      %parallel_loop3A_76 = tpu.vector_load %arg11[%parallel_loop3A_74, %parallel_loop3A_75] {strides = array<i32>} : memref<16x640xf32, #tpu.memory_space<vmem>>, vector<16xf32>,
      %parallel_loop3A_77 = arith.addf %parallel_loop3A_72, %parallel_loop3A_76 : vector<16xf32>
      %parallel_loop3A_78 = arith.constant 5 : i32
      %parallel_loop3A_79 = arith.index_cast %parallel_loop3A_78 : i32 to index
      %parallel_loop3A_80 = arith.index_cast %parallel_loop3A_53 : i32 to index
      %parallel_loop3A_81 = tpu.vector_load %arg11[%parallel_loop3A_79, %parallel_loop3A_80] {strides = array<i32>} : memref<16x640xf32, #tpu.memory_space<vmem>>, vector<16xf32>,
      %parallel_loop3A_82 = arith.addf %parallel_loop3A_77, %parallel_loop3A_81 : vector<16xf32>
      %parallel_loop3A_83 = arith.constant 6 : i32
      %parallel_loop3A_84 = arith.index_cast %parallel_loop3A_83 : i32 to index
      %parallel_loop3A_85 = arith.index_cast %parallel_loop3A_53 : i32 to index
      %parallel_loop3A_86 = tpu.vector_load %arg11[%parallel_loop3A_84, %parallel_loop3A_85] {strides = array<i32>} : memref<16x640xf32, #tpu.memory_space<vmem>>, vector<16xf32>,
      %parallel_loop3A_87 = arith.addf %parallel_loop3A_82, %parallel_loop3A_86 : vector<16xf32>
      %parallel_loop3A_88 = arith.constant 7 : i32
      %parallel_loop3A_89 = arith.index_cast %parallel_loop3A_88 : i32 to index
      %parallel_loop3A_90 = arith.index_cast %parallel_loop3A_53 : i32 to index
      %parallel_loop3A_91 = tpu.vector_load %arg11[%parallel_loop3A_89, %parallel_loop3A_90] {strides = array<i32>} : memref<16x640xf32, #tpu.memory_space<vmem>>, vector<16xf32>,
      %parallel_loop3A_92 = arith.addf %parallel_loop3A_87, %parallel_loop3A_91 : vector<16xf32>
      %parallel_loop3A_93 = arith.constant 8 : i32
      %parallel_loop3A_94 = arith.index_cast %parallel_loop3A_93 : i32 to index
      %parallel_loop3A_95 = arith.index_cast %parallel_loop3A_53 : i32 to index
      %parallel_loop3A_96 = tpu.vector_load %arg11[%parallel_loop3A_94, %parallel_loop3A_95] {strides = array<i32>} : memref<16x640xf32, #tpu.memory_space<vmem>>, vector<16xf32>,
      %parallel_loop3A_97 = arith.addf %parallel_loop3A_92, %parallel_loop3A_96 : vector<16xf32>
      %parallel_loop3A_98 = arith.constant 9 : i32
      %parallel_loop3A_99 = arith.index_cast %parallel_loop3A_98 : i32 to index
      %parallel_loop3A_100 = arith.index_cast %parallel_loop3A_53 : i32 to index
      %parallel_loop3A_101 = tpu.vector_load %arg11[%parallel_loop3A_99, %parallel_loop3A_100] {strides = array<i32>} : memref<16x640xf32, #tpu.memory_space<vmem>>, vector<16xf32>,
      %parallel_loop3A_102 = arith.addf %parallel_loop3A_97, %parallel_loop3A_101 : vector<16xf32>
      %parallel_loop3A_103 = arith.constant 10 : i32
      %parallel_loop3A_104 = arith.index_cast %parallel_loop3A_103 : i32 to index
      %parallel_loop3A_105 = arith.index_cast %parallel_loop3A_53 : i32 to index
      %parallel_loop3A_106 = tpu.vector_load %arg11[%parallel_loop3A_104, %parallel_loop3A_105] {strides = array<i32>} : memref<16x640xf32, #tpu.memory_space<vmem>>, vector<16xf32>,
      %parallel_loop3A_107 = arith.addf %parallel_loop3A_102, %parallel_loop3A_106 : vector<16xf32>
      %parallel_loop3A_108 = arith.constant 11 : i32
      %parallel_loop3A_109 = arith.index_cast %parallel_loop3A_108 : i32 to index
      %parallel_loop3A_110 = arith.index_cast %parallel_loop3A_53 : i32 to index
      %parallel_loop3A_111 = tpu.vector_load %arg11[%parallel_loop3A_109, %parallel_loop3A_110] {strides = array<i32>} : memref<16x640xf32, #tpu.memory_space<vmem>>, vector<16xf32>,
      %parallel_loop3A_112 = arith.addf %parallel_loop3A_107, %parallel_loop3A_111 : vector<16xf32>
      %parallel_loop3A_113 = arith.constant 12 : i32
      %parallel_loop3A_114 = arith.index_cast %parallel_loop3A_113 : i32 to index
      %parallel_loop3A_115 = arith.index_cast %parallel_loop3A_53 : i32 to index
      %parallel_loop3A_116 = tpu.vector_load %arg11[%parallel_loop3A_114, %parallel_loop3A_115] {strides = array<i32>} : memref<16x640xf32, #tpu.memory_space<vmem>>, vector<16xf32>,
      %parallel_loop3A_117 = arith.addf %parallel_loop3A_112, %parallel_loop3A_116 : vector<16xf32>
      %parallel_loop3A_118 = arith.constant 13 : i32
      %parallel_loop3A_119 = arith.index_cast %parallel_loop3A_118 : i32 to index
      %parallel_loop3A_120 = arith.index_cast %parallel_loop3A_53 : i32 to index
      %parallel_loop3A_121 = tpu.vector_load %arg11[%parallel_loop3A_119, %parallel_loop3A_120] {strides = array<i32>} : memref<16x640xf32, #tpu.memory_space<vmem>>, vector<16xf32>,
      %parallel_loop3A_122 = arith.addf %parallel_loop3A_117, %parallel_loop3A_121 : vector<16xf32>
      %parallel_loop3A_123 = arith.constant 14 : i32
      %parallel_loop3A_124 = arith.index_cast %parallel_loop3A_123 : i32 to index
      %parallel_loop3A_125 = arith.index_cast %parallel_loop3A_53 : i32 to index
      %parallel_loop3A_126 = tpu.vector_load %arg11[%parallel_loop3A_124, %parallel_loop3A_125] {strides = array<i32>} : memref<16x640xf32, #tpu.memory_space<vmem>>, vector<16xf32>,
      %parallel_loop3A_127 = arith.addf %parallel_loop3A_122, %parallel_loop3A_126 : vector<16xf32>
      %parallel_loop3A_128 = arith.constant 15 : i32
      %parallel_loop3A_129 = arith.index_cast %parallel_loop3A_128 : i32 to index
      %parallel_loop3A_130 = arith.index_cast %parallel_loop3A_53 : i32 to index
      %parallel_loop3A_131 = tpu.vector_load %arg11[%parallel_loop3A_129, %parallel_loop3A_130] {strides = array<i32>} : memref<16x640xf32, #tpu.memory_space<vmem>>, vector<16xf32>,
      %parallel_loop3A_132 = arith.addf %parallel_loop3A_127, %parallel_loop3A_131 : vector<16xf32>
      %parallel_loop3A_133 = arith.constant 640 : i32
      %parallel_loop3A_134 = arith.muli %arg1, %parallel_loop3A_133 : i32
      %parallel_loop3A_135 = arith.constant 16 : i32
      %parallel_loop3A_136 = arith.muli %parallel_loop3A_51, %parallel_loop3A_135 : i32
      %parallel_loop3A_137 = arith.addi %parallel_loop3A_134, %parallel_loop3A_136 : i32
      %parallel_loop3A_138 = arith.index_cast %parallel_loop3A_137 : i32 to index
      %parallel_loop3A_139 = tpu.vector_load %arg9[%parallel_loop3A_138] {strides = array<i32>} : memref<10240xf32, #tpu.memory_space<vmem>>, vector<16xf32>,
      %parallel_loop3A_140 = arith.index_cast %parallel_loop3A_53 : i32 to index
      %parallel_loop3A_141 = tpu.vector_load %arg13[%parallel_loop3A_140] {strides = array<i32>} : memref<640xf32, #tpu.memory_space<vmem>>, vector<16xf32>,
      %parallel_loop3A_142 = arith.constant 0.899999976 : f32
      %parallel_loop3A_143 = vector.broadcast %parallel_loop3A_142 : f32 to vector<16xf32>
      %parallel_loop3A_144 = arith.mulf %parallel_loop3A_143, %parallel_loop3A_141 : vector<16xf32>
      %parallel_loop3A_145 = arith.addf %parallel_loop3A_132, %parallel_loop3A_139 : vector<16xf32>
      %parallel_loop3A_146 = arith.mulf %parallel_loop3A_144, %parallel_loop3A_145 : vector<16xf32>
      %parallel_loop3A_147 = arith.index_cast %parallel_loop3A_53 : i32 to index
      %parallel_loop3A_148 = tpu.vector_load %arg12[%parallel_loop3A_147] {strides = array<i32>} : memref<640xf32, #tpu.memory_space<vmem>>, vector<16xf32>,
      %parallel_loop3A_149 = arith.constant 1.000000e-01 : f32
      %parallel_loop3A_150 = vector.broadcast %parallel_loop3A_149 : f32 to vector<16xf32>
      %parallel_loop3A_151 = arith.mulf %parallel_loop3A_150, %parallel_loop3A_148 : vector<16xf32>
      %parallel_loop3A_152 = arith.addf %parallel_loop3A_146, %parallel_loop3A_151 : vector<16xf32>
      %parallel_loop3A_153 = arith.index_cast %parallel_loop3A_53 : i32 to index
      %parallel_loop3A_154 = tpu.vector_load %arg14[%parallel_loop3A_153] {strides = array<i32>} : memref<640xf32, #tpu.memory_space<vmem>>, vector<16xf32>,
      %parallel_loop3A_155 = arith.mulf %parallel_loop3A_154, %parallel_loop3A_152 : vector<16xf32>
      %parallel_loop3A_156 = arith.addf %parallel_loop3A_155, %get3A_38 : vector<16xf32>
      %parallel_loop3A_157 = arith.index_cast %parallel_loop3A_53 : i32 to index
      %parallel_loop3A_158 = tpu.vector_load %arg15[%parallel_loop3A_157] {strides = array<i32>} : memref<640xf32, #tpu.memory_space<vmem>>, vector<16xf32>,
      tpu.vector_store %arg15[%parallel_loop3A_157], %parallel_loop3A_156 {strides = array<i32>} : memref<640xf32, #tpu.memory_space<vmem>>, vector<16xf32>,
    } {sc.loop_unroll_factor = 2 : i64, sc.parallel_access}
    %lt3A_42 = arith.constant 15 : i32
    %lt3A_43 = arith.cmpi slt, %arg1, %lt3A_42 : i32
    %convert_element_type3A_44 = arith.extui %lt3A_43 : i1 to i32
    %cond3A_45 = arith.constant 0 : i32
    %cond3A_46 = arith.cmpi ne, %convert_element_type3A_44, %cond3A_45 : i32
    scf.if %cond3A_46 {
      %mul3A_51 = arith.constant 640 : i32
      %mul3A_52 = arith.muli %arg1, %mul3A_51 : i32
      "tpu.region"() ({
        %run_scoped3A = tpu.sem_alloc : memref<!tpu.dma_semaphore, #tpu.memory_space<semaphore_mem>>
        %dma_start3A_53 = tpu.memref_slice %arg6[%mul3A_52] : memref<10000xf32, #tpu.memory_space<hbm>> -> memref<640xf32, #tpu.memory_space<hbm>>
        %dma_start3A_54 = tpu.memref_slice %arg6[%mul3A_52] : memref<10000xf32, #tpu.memory_space<hbm>> -> memref<640xf32, #tpu.memory_space<hbm>>
        tpu.enqueue_dma source(%arg15 : memref<640xf32, #tpu.memory_space<vmem>>) target(%dma_start3A_54 : memref<640xf32, #tpu.memory_space<hbm>>) target_semaphore(%run_scoped3A : memref<!tpu.dma_semaphore, #tpu.memory_space<semaphore_mem>>)
        %dma_wait3A_55 = tpu.memref_slice %arg6[%mul3A_52] : memref<10000xf32, #tpu.memory_space<hbm>> -> memref<640xf32, #tpu.memory_space<hbm>>
        %dma_wait3A_56 = tpu.memref_slice %arg6[%mul3A_52] : memref<10000xf32, #tpu.memory_space<hbm>> -> memref<640xf32, #tpu.memory_space<hbm>>
        tpu.wait_dma2 semaphore(%run_scoped3A : memref<!tpu.dma_semaphore, #tpu.memory_space<semaphore_mem>>) src(%arg15 : memref<640xf32, #tpu.memory_space<vmem>>) dst(%dma_wait3A_56 : memref<640xf32, #tpu.memory_space<hbm>>)
        tpu.yield
      }) : () -> ()
    } else {
    }
    %eq3A = arith.constant 15 : i32
    %eq3A_47 = arith.cmpi eq, %arg1, %eq3A : i32
    %convert_element_type3A_48 = arith.extui %eq3A_47 : i1 to i32
    %cond3A_49 = arith.constant 0 : i32
    %cond3A_50 = arith.cmpi ne, %convert_element_type3A_48, %cond3A_49 : i32
    scf.if %cond3A_50 {
      "tpu.region"() ({
        %run_scoped3A = tpu.sem_alloc : memref<!tpu.dma_semaphore, #tpu.memory_space<semaphore_mem>>
        %dma_start3A_51 = arith.constant 0 : i32
        %dma_start3A_52 = tpu.memref_slice %arg15[%dma_start3A_51] : memref<640xf32, #tpu.memory_space<vmem>> -> memref<400xf32, #tpu.memory_space<vmem>>
        %dma_start3A_53 = arith.constant 9600 : i32
        %dma_start3A_54 = tpu.memref_slice %arg6[%dma_start3A_53] : memref<10000xf32, #tpu.memory_space<hbm>> -> memref<400xf32, #tpu.memory_space<hbm>>
        %dma_start3A_55 = arith.constant 9600 : i32
        %dma_start3A_56 = tpu.memref_slice %arg6[%dma_start3A_55] : memref<10000xf32, #tpu.memory_space<hbm>> -> memref<400xf32, #tpu.memory_space<hbm>>
        %dma_start3A_57 = arith.constant 0 : i32
        %dma_start3A_58 = tpu.memref_slice %arg15[%dma_start3A_57] : memref<640xf32, #tpu.memory_space<vmem>> -> memref<400xf32, #tpu.memory_space<vmem>>
        tpu.enqueue_dma source(%dma_start3A_58 : memref<400xf32, #tpu.memory_space<vmem>>) target(%dma_start3A_56 : memref<400xf32, #tpu.memory_space<hbm>>) target_semaphore(%run_scoped3A : memref<!tpu.dma_semaphore, #tpu.memory_space<semaphore_mem>>)
        %dma_wait3A_59 = arith.constant 0 : i32
        %dma_wait3A_60 = tpu.memref_slice %arg15[%dma_wait3A_59] : memref<640xf32, #tpu.memory_space<vmem>> -> memref<400xf32, #tpu.memory_space<vmem>>
        %dma_wait3A_61 = arith.constant 9600 : i32
        %dma_wait3A_62 = tpu.memref_slice %arg6[%dma_wait3A_61] : memref<10000xf32, #tpu.memory_space<hbm>> -> memref<400xf32, #tpu.memory_space<hbm>>
        %dma_wait3A_63 = arith.constant 9600 : i32
        %dma_wait3A_64 = tpu.memref_slice %arg6[%dma_wait3A_63] : memref<10000xf32, #tpu.memory_space<hbm>> -> memref<400xf32, #tpu.memory_space<hbm>>
        %dma_wait3A_65 = arith.constant 0 : i32
        %dma_wait3A_66 = tpu.memref_slice %arg15[%dma_wait3A_65] : memref<640xf32, #tpu.memory_space<vmem>> -> memref<400xf32, #tpu.memory_space<vmem>>
        tpu.wait_dma2 semaphore(%run_scoped3A : memref<!tpu.dma_semaphore, #tpu.memory_space<semaphore_mem>>) src(%dma_wait3A_66 : memref<400xf32, #tpu.memory_space<vmem>>) dst(%dma_wait3A_64 : memref<400xf32, #tpu.memory_space<hbm>>)
        tpu.yield
      }) : () -> ()
    } else {
    }
    return
  }
}

#map = affine_map<(d0, d1) -> (0, 0)>
#map1 = affine_map<(d0, d1) -> (0)>
module attributes {stable_mosaic.version = 14 : i64} {
  func.func @_deg_body(%arg0: i32, %arg1: i32, %arg2: memref<2x320000xi32, #tpu.memory_space<hbm>>, %arg3: memref<10240xf32, #tpu.memory_space<hbm>>, %arg4: memref<2x20096xi32, #tpu.memory_space<vmem>>, %arg5: memref<10240xf32, #tpu.memory_space<vmem>>, %arg6: memref<16x640xf32, #tpu.memory_space<vmem>>, %arg7: memref<640xf32, #tpu.memory_space<vmem>>, %arg8: memref<16x10240xf32, #tpu.memory_space<vmem_shared>>, %arg9: memref<!tpu.dma_semaphore, #tpu.memory_space<semaphore_mem>>) attributes {dimension_semantics = [#tpu.dimension_semantics<core_parallel>, #tpu.dimension_semantics<subcore_parallel>], iteration_bounds = array<i64: 1, 16>, scalar_prefetch = 0 : i64, scratch_operands = 6 : i64, tpu.core_type = #tpu.core_type<sc_vector_subcore>, window_params = [{transform_indices = #map}, {transform_indices = #map1}]} {
    %broadcast_in_dim3A = arith.constant 0.000000e+00 : f32
    %broadcast_in_dim3A_0 = vector.broadcast %broadcast_in_dim3A : f32 to vector<16xf32>
    %broadcast_in_dim3A_1 = arith.constant 1.000000e+00 : f32
    %broadcast_in_dim3A_2 = vector.broadcast %broadcast_in_dim3A_1 : f32 to vector<16xf32>
    %lt3A = arith.constant 4 : i32
    %lt3A_3 = arith.cmpi slt, %arg1, %lt3A : i32
    %convert_element_type3A = arith.extui %lt3A_3 : i1 to i32
    %cond3A = arith.constant 0 : i32
    %cond3A_4 = arith.cmpi ne, %convert_element_type3A, %cond3A : i32
    scf.if %cond3A_4 {
      %mul3A_20 = arith.constant 20096 : i32
      %mul3A_21 = arith.muli %arg1, %mul3A_20 : i32
      "tpu.region"() ({
        %run_scoped3A = tpu.sem_alloc : memref<!tpu.dma_semaphore, #tpu.memory_space<semaphore_mem>>
        %dma_start3A = arith.constant 0 : i32
        %dma_start3A_22 = tpu.memref_slice %arg2[%dma_start3A, %mul3A_21] : memref<2x320000xi32, #tpu.memory_space<hbm>> -> memref<2x20096xi32, #tpu.memory_space<hbm>>
        %dma_start3A_23 = arith.constant 0 : i32
        %dma_start3A_24 = tpu.memref_slice %arg2[%dma_start3A_23, %mul3A_21] : memref<2x320000xi32, #tpu.memory_space<hbm>> -> memref<2x20096xi32, #tpu.memory_space<hbm>>
        tpu.enqueue_dma source(%dma_start3A_24 : memref<2x20096xi32, #tpu.memory_space<hbm>>) target(%arg4 : memref<2x20096xi32, #tpu.memory_space<vmem>>) target_semaphore(%run_scoped3A : memref<!tpu.dma_semaphore, #tpu.memory_space<semaphore_mem>>)
        %dma_wait3A = arith.constant 0 : i32
        %dma_wait3A_25 = tpu.memref_slice %arg2[%dma_wait3A, %mul3A_21] : memref<2x320000xi32, #tpu.memory_space<hbm>> -> memref<2x20096xi32, #tpu.memory_space<hbm>>
        %dma_wait3A_26 = arith.constant 0 : i32
        %dma_wait3A_27 = tpu.memref_slice %arg2[%dma_wait3A_26, %mul3A_21] : memref<2x320000xi32, #tpu.memory_space<hbm>> -> memref<2x20096xi32, #tpu.memory_space<hbm>>
        tpu.wait_dma2 semaphore(%run_scoped3A : memref<!tpu.dma_semaphore, #tpu.memory_space<semaphore_mem>>) src(%dma_wait3A_27 : memref<2x20096xi32, #tpu.memory_space<hbm>>) dst(%arg4 : memref<2x20096xi32, #tpu.memory_space<vmem>>)
        tpu.yield
      }) : () -> ()
    } else {
    }
    %ge3A = arith.constant 4 : i32
    %ge3A_5 = arith.cmpi sge, %arg1, %ge3A : i32
    %convert_element_type3A_6 = arith.extui %ge3A_5 : i1 to i32
    %cond3A_7 = arith.constant 0 : i32
    %cond3A_8 = arith.cmpi ne, %convert_element_type3A_6, %cond3A_7 : i32
    scf.if %cond3A_8 {
      %sub3A = arith.constant 4 : i32
      %sub3A_20 = arith.subi %arg1, %sub3A : i32
      %mul3A_21 = arith.constant 19968 : i32
      %mul3A_22 = arith.muli %sub3A_20, %mul3A_21 : i32
      %add3A = arith.constant 80384 : i32
      %add3A_23 = arith.addi %add3A, %mul3A_22 : i32
      "tpu.region"() ({
        %run_scoped3A = tpu.sem_alloc : memref<!tpu.dma_semaphore, #tpu.memory_space<semaphore_mem>>
        %dma_start3A = arith.constant 0 : i32
        %dma_start3A_32 = arith.constant 0 : i32
        %dma_start3A_33 = tpu.memref_slice %arg4[%dma_start3A, %dma_start3A_32] : memref<2x20096xi32, #tpu.memory_space<vmem>> -> memref<2x19968xi32, #tpu.memory_space<vmem>>
        %dma_start3A_34 = arith.constant 0 : i32
        %dma_start3A_35 = tpu.memref_slice %arg2[%dma_start3A_34, %add3A_23] : memref<2x320000xi32, #tpu.memory_space<hbm>> -> memref<2x19968xi32, #tpu.memory_space<hbm>>
        %dma_start3A_36 = arith.constant 0 : i32
        %dma_start3A_37 = arith.constant 0 : i32
        %dma_start3A_38 = tpu.memref_slice %arg4[%dma_start3A_36, %dma_start3A_37] : memref<2x20096xi32, #tpu.memory_space<vmem>> -> memref<2x19968xi32, #tpu.memory_space<vmem>>
        %dma_start3A_39 = arith.constant 0 : i32
        %dma_start3A_40 = tpu.memref_slice %arg2[%dma_start3A_39, %add3A_23] : memref<2x320000xi32, #tpu.memory_space<hbm>> -> memref<2x19968xi32, #tpu.memory_space<hbm>>
        tpu.enqueue_dma source(%dma_start3A_40 : memref<2x19968xi32, #tpu.memory_space<hbm>>) target(%dma_start3A_38 : memref<2x19968xi32, #tpu.memory_space<vmem>>) target_semaphore(%run_scoped3A : memref<!tpu.dma_semaphore, #tpu.memory_space<semaphore_mem>>)
        %dma_wait3A = arith.constant 0 : i32
        %dma_wait3A_41 = arith.constant 0 : i32
        %dma_wait3A_42 = tpu.memref_slice %arg4[%dma_wait3A, %dma_wait3A_41] : memref<2x20096xi32, #tpu.memory_space<vmem>> -> memref<2x19968xi32, #tpu.memory_space<vmem>>
        %dma_wait3A_43 = arith.constant 0 : i32
        %dma_wait3A_44 = tpu.memref_slice %arg2[%dma_wait3A_43, %add3A_23] : memref<2x320000xi32, #tpu.memory_space<hbm>> -> memref<2x19968xi32, #tpu.memory_space<hbm>>
        %dma_wait3A_45 = arith.constant 0 : i32
        %dma_wait3A_46 = arith.constant 0 : i32
        %dma_wait3A_47 = tpu.memref_slice %arg4[%dma_wait3A_45, %dma_wait3A_46] : memref<2x20096xi32, #tpu.memory_space<vmem>> -> memref<2x19968xi32, #tpu.memory_space<vmem>>
        %dma_wait3A_48 = arith.constant 0 : i32
        %dma_wait3A_49 = tpu.memref_slice %arg2[%dma_wait3A_48, %add3A_23] : memref<2x320000xi32, #tpu.memory_space<hbm>> -> memref<2x19968xi32, #tpu.memory_space<hbm>>
        tpu.wait_dma2 semaphore(%run_scoped3A : memref<!tpu.dma_semaphore, #tpu.memory_space<semaphore_mem>>) src(%dma_wait3A_49 : memref<2x19968xi32, #tpu.memory_space<hbm>>) dst(%dma_wait3A_47 : memref<2x19968xi32, #tpu.memory_space<vmem>>)
        tpu.yield
      }) : () -> ()
      %broadcast_in_dim3A_24 = arith.constant 10239 : i32
      %broadcast_in_dim3A_25 = vector.broadcast %broadcast_in_dim3A_24 : i32 to vector<16xi32>
      %scan3A = arith.constant 0 : i32
      %scan3A_26 = arith.constant 0 : i32
      %scan3A_27 = arith.constant 8 : i32
      %scan3A_28 = arith.addi %scan3A_26, %scan3A_27 : i32
      %scan3A_29 = arith.constant 1 : i32
      %scan3A_30 = scf.for %scan3A_32 = %scan3A_26 to %scan3A_28 step %scan3A_29 iter_args(%scan3A_33 = %scan3A) -> (i32)  : i32 {
        %mul3A_34 = arith.constant 16 : i32
        %mul3A_35 = arith.muli %scan3A_32, %mul3A_34 : i32
        %add3A_36 = arith.constant 19968 : i32
        %add3A_37 = arith.addi %add3A_36, %mul3A_35 : i32
        %swap3A = arith.constant 0 : i32
        %swap3A_38 = arith.index_cast %swap3A : i32 to index
        %swap3A_39 = arith.index_cast %add3A_37 : i32 to index
        %swap3A_40 = tpu.vector_load %arg4[%swap3A_38, %swap3A_39] {strides = array<i32>} : memref<2x20096xi32, #tpu.memory_space<vmem>>, vector<16xi32>,
        tpu.vector_store %arg4[%swap3A_38, %swap3A_39], %broadcast_in_dim3A_25 {strides = array<i32>} : memref<2x20096xi32, #tpu.memory_space<vmem>>, vector<16xi32>,
        %mul3A_41 = arith.constant 16 : i32
        %mul3A_42 = arith.muli %scan3A_32, %mul3A_41 : i32
        %add3A_43 = arith.constant 19968 : i32
        %add3A_44 = arith.addi %add3A_43, %mul3A_42 : i32
        %swap3A_45 = arith.constant 1 : i32
        %swap3A_46 = arith.index_cast %swap3A_45 : i32 to index
        %swap3A_47 = arith.index_cast %add3A_44 : i32 to index
        %swap3A_48 = tpu.vector_load %arg4[%swap3A_46, %swap3A_47] {strides = array<i32>} : memref<2x20096xi32, #tpu.memory_space<vmem>>, vector<16xi32>,
        tpu.vector_store %arg4[%swap3A_46, %swap3A_47], %broadcast_in_dim3A_25 {strides = array<i32>} : memref<2x20096xi32, #tpu.memory_space<vmem>>, vector<16xi32>,
        %scan3A_49 = arith.constant 0 : i32
        scf.yield %scan3A_49 : i32
      }
      %scan3A_31 = arith.constant 8 : i32
    } else {
    }
    %parallel_loop3A = arith.constant 0 : i32
    %parallel_loop3A_9 = arith.constant 640 : i32
    %parallel_loop3A_10 = arith.constant 1 : i32
    scf.for %parallel_loop3A_20 = %parallel_loop3A to %parallel_loop3A_9 step %parallel_loop3A_10  : i32 {
      %parallel_loop3A_21 = arith.constant 16 : i32
      %parallel_loop3A_22 = arith.muli %parallel_loop3A_20, %parallel_loop3A_21 : i32
      %parallel_loop3A_23 = arith.index_cast %parallel_loop3A_22 : i32 to index
      %parallel_loop3A_24 = tpu.vector_load %arg5[%parallel_loop3A_23] {strides = array<i32>} : memref<10240xf32, #tpu.memory_space<vmem>>, vector<16xf32>,
      tpu.vector_store %arg5[%parallel_loop3A_23], %broadcast_in_dim3A_0 {strides = array<i32>} : memref<10240xf32, #tpu.memory_space<vmem>>, vector<16xf32>,
    } {sc.loop_unroll_factor = 8 : i64, sc.parallel_access}
    %parallel_loop3A_11 = arith.constant 0 : i32
    %parallel_loop3A_12 = arith.constant 1256 : i32
    %parallel_loop3A_13 = arith.constant 1 : i32
    scf.for %parallel_loop3A_20 = %parallel_loop3A_11 to %parallel_loop3A_12 step %parallel_loop3A_13  : i32 {
      %parallel_loop3A_21 = arith.constant 16 : i32
      %parallel_loop3A_22 = arith.muli %parallel_loop3A_20, %parallel_loop3A_21 : i32
      %parallel_loop3A_23 = arith.constant 1 : i32
      %parallel_loop3A_24 = arith.index_cast %parallel_loop3A_23 : i32 to index
      %parallel_loop3A_25 = arith.index_cast %parallel_loop3A_22 : i32 to index
      %parallel_loop3A_26 = tpu.vector_load %arg4[%parallel_loop3A_24, %parallel_loop3A_25] {strides = array<i32>} : memref<2x20096xi32, #tpu.memory_space<vmem>>, vector<16xi32>,
      tpu.vector_store_idx %arg5[%parallel_loop3A_26], %broadcast_in_dim3A_2 {add = true} : memref<10240xf32, #tpu.memory_space<vmem>>[vector<16xi32>], vector<16xf32>,
    } {sc.loop_unroll_factor = 8 : i64, sc.parallel_access}
    "tpu.region"() ({
      %run_scoped3A = tpu.sem_alloc : memref<!tpu.dma_semaphore, #tpu.memory_space<semaphore_mem>>
      %dma_start3A = arith.constant 0 : i32
      %dma_start3A_20 = tpu.memref_slice %arg8[%arg1, %dma_start3A] : memref<16x10240xf32, #tpu.memory_space<vmem_shared>> -> memref<1x10240xf32, #tpu.memory_space<vmem_shared>>
      %dma_start3A_21 = tpu.memref_squeeze %dma_start3A_20 : memref<1x10240xf32, #tpu.memory_space<vmem_shared>> -> memref<10240xf32, #tpu.memory_space<vmem_shared>>
      %dma_start3A_22 = arith.constant 0 : i32
      %dma_start3A_23 = tpu.memref_slice %arg8[%arg1, %dma_start3A_22] : memref<16x10240xf32, #tpu.memory_space<vmem_shared>> -> memref<1x10240xf32, #tpu.memory_space<vmem_shared>>
      %dma_start3A_24 = tpu.memref_squeeze %dma_start3A_23 : memref<1x10240xf32, #tpu.memory_space<vmem_shared>> -> memref<10240xf32, #tpu.memory_space<vmem_shared>>
      tpu.enqueue_dma source(%arg5 : memref<10240xf32, #tpu.memory_space<vmem>>) target(%dma_start3A_24 : memref<10240xf32, #tpu.memory_space<vmem_shared>>) target_semaphore(%run_scoped3A : memref<!tpu.dma_semaphore, #tpu.memory_space<semaphore_mem>>)
      %dma_wait3A = arith.constant 0 : i32
      %dma_wait3A_25 = tpu.memref_slice %arg8[%arg1, %dma_wait3A] : memref<16x10240xf32, #tpu.memory_space<vmem_shared>> -> memref<1x10240xf32, #tpu.memory_space<vmem_shared>>
      %dma_wait3A_26 = tpu.memref_squeeze %dma_wait3A_25 : memref<1x10240xf32, #tpu.memory_space<vmem_shared>> -> memref<10240xf32, #tpu.memory_space<vmem_shared>>
      %dma_wait3A_27 = arith.constant 0 : i32
      %dma_wait3A_28 = tpu.memref_slice %arg8[%arg1, %dma_wait3A_27] : memref<16x10240xf32, #tpu.memory_space<vmem_shared>> -> memref<1x10240xf32, #tpu.memory_space<vmem_shared>>
      %dma_wait3A_29 = tpu.memref_squeeze %dma_wait3A_28 : memref<1x10240xf32, #tpu.memory_space<vmem_shared>> -> memref<10240xf32, #tpu.memory_space<vmem_shared>>
      tpu.wait_dma2 semaphore(%run_scoped3A : memref<!tpu.dma_semaphore, #tpu.memory_space<semaphore_mem>>) src(%arg5 : memref<10240xf32, #tpu.memory_space<vmem>>) dst(%dma_wait3A_29 : memref<10240xf32, #tpu.memory_space<vmem_shared>>)
      tpu.yield
    }) : () -> ()
    %barrier3A = arith.constant 0 : index
    tpu.barrier barrier_id(%barrier3A)
    %mul3A = arith.constant 640 : i32
    %mul3A_14 = arith.muli %arg1, %mul3A : i32
    "tpu.region"() ({
      %run_scoped3A = tpu.sem_alloc : memref<!tpu.dma_semaphore, #tpu.memory_space<semaphore_mem>>
      %dma_start3A = arith.constant 0 : i32
      %dma_start3A_20 = tpu.memref_slice %arg8[%dma_start3A, %mul3A_14] : memref<16x10240xf32, #tpu.memory_space<vmem_shared>> -> memref<16x640xf32, #tpu.memory_space<vmem_shared>>
      %dma_start3A_21 = arith.constant 0 : i32
      %dma_start3A_22 = tpu.memref_slice %arg8[%dma_start3A_21, %mul3A_14] : memref<16x10240xf32, #tpu.memory_space<vmem_shared>> -> memref<16x640xf32, #tpu.memory_space<vmem_shared>>
      tpu.enqueue_dma source(%dma_start3A_22 : memref<16x640xf32, #tpu.memory_space<vmem_shared>>) target(%arg6 : memref<16x640xf32, #tpu.memory_space<vmem>>) target_semaphore(%run_scoped3A : memref<!tpu.dma_semaphore, #tpu.memory_space<semaphore_mem>>)
      %dma_wait3A = arith.constant 0 : i32
      %dma_wait3A_23 = tpu.memref_slice %arg8[%dma_wait3A, %mul3A_14] : memref<16x10240xf32, #tpu.memory_space<vmem_shared>> -> memref<16x640xf32, #tpu.memory_space<vmem_shared>>
      %dma_wait3A_24 = arith.constant 0 : i32
      %dma_wait3A_25 = tpu.memref_slice %arg8[%dma_wait3A_24, %mul3A_14] : memref<16x10240xf32, #tpu.memory_space<vmem_shared>> -> memref<16x640xf32, #tpu.memory_space<vmem_shared>>
      tpu.wait_dma2 semaphore(%run_scoped3A : memref<!tpu.dma_semaphore, #tpu.memory_space<semaphore_mem>>) src(%dma_wait3A_25 : memref<16x640xf32, #tpu.memory_space<vmem_shared>>) dst(%arg6 : memref<16x640xf32, #tpu.memory_space<vmem>>)
      tpu.yield
    }) : () -> ()
    %parallel_loop3A_15 = arith.constant 0 : i32
    %parallel_loop3A_16 = arith.constant 40 : i32
    %parallel_loop3A_17 = arith.constant 1 : i32
    scf.for %parallel_loop3A_20 = %parallel_loop3A_15 to %parallel_loop3A_16 step %parallel_loop3A_17  : i32 {
      %parallel_loop3A_21 = arith.constant 16 : i32
      %parallel_loop3A_22 = arith.muli %parallel_loop3A_20, %parallel_loop3A_21 : i32
      %parallel_loop3A_23 = arith.constant 0 : i32
      %parallel_loop3A_24 = arith.index_cast %parallel_loop3A_23 : i32 to index
      %parallel_loop3A_25 = arith.index_cast %parallel_loop3A_22 : i32 to index
      %parallel_loop3A_26 = tpu.vector_load %arg6[%parallel_loop3A_24, %parallel_loop3A_25] {strides = array<i32>} : memref<16x640xf32, #tpu.memory_space<vmem>>, vector<16xf32>,
      %parallel_loop3A_27 = arith.constant 1 : i32
      %parallel_loop3A_28 = arith.index_cast %parallel_loop3A_27 : i32 to index
      %parallel_loop3A_29 = arith.index_cast %parallel_loop3A_22 : i32 to index
      %parallel_loop3A_30 = tpu.vector_load %arg6[%parallel_loop3A_28, %parallel_loop3A_29] {strides = array<i32>} : memref<16x640xf32, #tpu.memory_space<vmem>>, vector<16xf32>,
      %parallel_loop3A_31 = arith.addf %parallel_loop3A_26, %parallel_loop3A_30 : vector<16xf32>
      %parallel_loop3A_32 = arith.constant 2 : i32
      %parallel_loop3A_33 = arith.index_cast %parallel_loop3A_32 : i32 to index
      %parallel_loop3A_34 = arith.index_cast %parallel_loop3A_22 : i32 to index
      %parallel_loop3A_35 = tpu.vector_load %arg6[%parallel_loop3A_33, %parallel_loop3A_34] {strides = array<i32>} : memref<16x640xf32, #tpu.memory_space<vmem>>, vector<16xf32>,
      %parallel_loop3A_36 = arith.addf %parallel_loop3A_31, %parallel_loop3A_35 : vector<16xf32>
      %parallel_loop3A_37 = arith.constant 3 : i32
      %parallel_loop3A_38 = arith.index_cast %parallel_loop3A_37 : i32 to index
      %parallel_loop3A_39 = arith.index_cast %parallel_loop3A_22 : i32 to index
      %parallel_loop3A_40 = tpu.vector_load %arg6[%parallel_loop3A_38, %parallel_loop3A_39] {strides = array<i32>} : memref<16x640xf32, #tpu.memory_space<vmem>>, vector<16xf32>,
      %parallel_loop3A_41 = arith.addf %parallel_loop3A_36, %parallel_loop3A_40 : vector<16xf32>
      %parallel_loop3A_42 = arith.constant 4 : i32
      %parallel_loop3A_43 = arith.index_cast %parallel_loop3A_42 : i32 to index
      %parallel_loop3A_44 = arith.index_cast %parallel_loop3A_22 : i32 to index
      %parallel_loop3A_45 = tpu.vector_load %arg6[%parallel_loop3A_43, %parallel_loop3A_44] {strides = array<i32>} : memref<16x640xf32, #tpu.memory_space<vmem>>, vector<16xf32>,
      %parallel_loop3A_46 = arith.addf %parallel_loop3A_41, %parallel_loop3A_45 : vector<16xf32>
      %parallel_loop3A_47 = arith.constant 5 : i32
      %parallel_loop3A_48 = arith.index_cast %parallel_loop3A_47 : i32 to index
      %parallel_loop3A_49 = arith.index_cast %parallel_loop3A_22 : i32 to index
      %parallel_loop3A_50 = tpu.vector_load %arg6[%parallel_loop3A_48, %parallel_loop3A_49] {strides = array<i32>} : memref<16x640xf32, #tpu.memory_space<vmem>>, vector<16xf32>,
      %parallel_loop3A_51 = arith.addf %parallel_loop3A_46, %parallel_loop3A_50 : vector<16xf32>
      %parallel_loop3A_52 = arith.constant 6 : i32
      %parallel_loop3A_53 = arith.index_cast %parallel_loop3A_52 : i32 to index
      %parallel_loop3A_54 = arith.index_cast %parallel_loop3A_22 : i32 to index
      %parallel_loop3A_55 = tpu.vector_load %arg6[%parallel_loop3A_53, %parallel_loop3A_54] {strides = array<i32>} : memref<16x640xf32, #tpu.memory_space<vmem>>, vector<16xf32>,
      %parallel_loop3A_56 = arith.addf %parallel_loop3A_51, %parallel_loop3A_55 : vector<16xf32>
      %parallel_loop3A_57 = arith.constant 7 : i32
      %parallel_loop3A_58 = arith.index_cast %parallel_loop3A_57 : i32 to index
      %parallel_loop3A_59 = arith.index_cast %parallel_loop3A_22 : i32 to index
      %parallel_loop3A_60 = tpu.vector_load %arg6[%parallel_loop3A_58, %parallel_loop3A_59] {strides = array<i32>} : memref<16x640xf32, #tpu.memory_space<vmem>>, vector<16xf32>,
      %parallel_loop3A_61 = arith.addf %parallel_loop3A_56, %parallel_loop3A_60 : vector<16xf32>
      %parallel_loop3A_62 = arith.constant 8 : i32
      %parallel_loop3A_63 = arith.index_cast %parallel_loop3A_62 : i32 to index
      %parallel_loop3A_64 = arith.index_cast %parallel_loop3A_22 : i32 to index
      %parallel_loop3A_65 = tpu.vector_load %arg6[%parallel_loop3A_63, %parallel_loop3A_64] {strides = array<i32>} : memref<16x640xf32, #tpu.memory_space<vmem>>, vector<16xf32>,
      %parallel_loop3A_66 = arith.addf %parallel_loop3A_61, %parallel_loop3A_65 : vector<16xf32>
      %parallel_loop3A_67 = arith.constant 9 : i32
      %parallel_loop3A_68 = arith.index_cast %parallel_loop3A_67 : i32 to index
      %parallel_loop3A_69 = arith.index_cast %parallel_loop3A_22 : i32 to index
      %parallel_loop3A_70 = tpu.vector_load %arg6[%parallel_loop3A_68, %parallel_loop3A_69] {strides = array<i32>} : memref<16x640xf32, #tpu.memory_space<vmem>>, vector<16xf32>,
      %parallel_loop3A_71 = arith.addf %parallel_loop3A_66, %parallel_loop3A_70 : vector<16xf32>
      %parallel_loop3A_72 = arith.constant 10 : i32
      %parallel_loop3A_73 = arith.index_cast %parallel_loop3A_72 : i32 to index
      %parallel_loop3A_74 = arith.index_cast %parallel_loop3A_22 : i32 to index
      %parallel_loop3A_75 = tpu.vector_load %arg6[%parallel_loop3A_73, %parallel_loop3A_74] {strides = array<i32>} : memref<16x640xf32, #tpu.memory_space<vmem>>, vector<16xf32>,
      %parallel_loop3A_76 = arith.addf %parallel_loop3A_71, %parallel_loop3A_75 : vector<16xf32>
      %parallel_loop3A_77 = arith.constant 11 : i32
      %parallel_loop3A_78 = arith.index_cast %parallel_loop3A_77 : i32 to index
      %parallel_loop3A_79 = arith.index_cast %parallel_loop3A_22 : i32 to index
      %parallel_loop3A_80 = tpu.vector_load %arg6[%parallel_loop3A_78, %parallel_loop3A_79] {strides = array<i32>} : memref<16x640xf32, #tpu.memory_space<vmem>>, vector<16xf32>,
      %parallel_loop3A_81 = arith.addf %parallel_loop3A_76, %parallel_loop3A_80 : vector<16xf32>
      %parallel_loop3A_82 = arith.constant 12 : i32
      %parallel_loop3A_83 = arith.index_cast %parallel_loop3A_82 : i32 to index
      %parallel_loop3A_84 = arith.index_cast %parallel_loop3A_22 : i32 to index
      %parallel_loop3A_85 = tpu.vector_load %arg6[%parallel_loop3A_83, %parallel_loop3A_84] {strides = array<i32>} : memref<16x640xf32, #tpu.memory_space<vmem>>, vector<16xf32>,
      %parallel_loop3A_86 = arith.addf %parallel_loop3A_81, %parallel_loop3A_85 : vector<16xf32>
      %parallel_loop3A_87 = arith.constant 13 : i32
      %parallel_loop3A_88 = arith.index_cast %parallel_loop3A_87 : i32 to index
      %parallel_loop3A_89 = arith.index_cast %parallel_loop3A_22 : i32 to index
      %parallel_loop3A_90 = tpu.vector_load %arg6[%parallel_loop3A_88, %parallel_loop3A_89] {strides = array<i32>} : memref<16x640xf32, #tpu.memory_space<vmem>>, vector<16xf32>,
      %parallel_loop3A_91 = arith.addf %parallel_loop3A_86, %parallel_loop3A_90 : vector<16xf32>
      %parallel_loop3A_92 = arith.constant 14 : i32
      %parallel_loop3A_93 = arith.index_cast %parallel_loop3A_92 : i32 to index
      %parallel_loop3A_94 = arith.index_cast %parallel_loop3A_22 : i32 to index
      %parallel_loop3A_95 = tpu.vector_load %arg6[%parallel_loop3A_93, %parallel_loop3A_94] {strides = array<i32>} : memref<16x640xf32, #tpu.memory_space<vmem>>, vector<16xf32>,
      %parallel_loop3A_96 = arith.addf %parallel_loop3A_91, %parallel_loop3A_95 : vector<16xf32>
      %parallel_loop3A_97 = arith.constant 15 : i32
      %parallel_loop3A_98 = arith.index_cast %parallel_loop3A_97 : i32 to index
      %parallel_loop3A_99 = arith.index_cast %parallel_loop3A_22 : i32 to index
      %parallel_loop3A_100 = tpu.vector_load %arg6[%parallel_loop3A_98, %parallel_loop3A_99] {strides = array<i32>} : memref<16x640xf32, #tpu.memory_space<vmem>>, vector<16xf32>,
      %parallel_loop3A_101 = arith.addf %parallel_loop3A_96, %parallel_loop3A_100 : vector<16xf32>
      %parallel_loop3A_102 = arith.constant 1.000000e+00 : f32
      %parallel_loop3A_103 = vector.broadcast %parallel_loop3A_102 : f32 to vector<16xf32>
      %parallel_loop3A_104 = arith.addf %parallel_loop3A_101, %parallel_loop3A_103 : vector<16xf32>
      %parallel_loop3A_105 = arith.index_cast %parallel_loop3A_22 : i32 to index
      %parallel_loop3A_106 = tpu.vector_load %arg7[%parallel_loop3A_105] {strides = array<i32>} : memref<640xf32, #tpu.memory_space<vmem>>, vector<16xf32>,
      tpu.vector_store %arg7[%parallel_loop3A_105], %parallel_loop3A_104 {strides = array<i32>} : memref<640xf32, #tpu.memory_space<vmem>>, vector<16xf32>,
    } {sc.loop_unroll_factor = 2 : i64, sc.parallel_access}
    %mul3A_18 = arith.constant 640 : i32
    %mul3A_19 = arith.muli %arg1, %mul3A_18 : i32
    "tpu.region"() ({
      %run_scoped3A = tpu.sem_alloc : memref<!tpu.dma_semaphore, #tpu.memory_space<semaphore_mem>>
      %dma_start3A = tpu.memref_slice %arg3[%mul3A_19] : memref<10240xf32, #tpu.memory_space<hbm>> -> memref<640xf32, #tpu.memory_space<hbm>>
      %dma_start3A_20 = tpu.memref_slice %arg3[%mul3A_19] : memref<10240xf32, #tpu.memory_space<hbm>> -> memref<640xf32, #tpu.memory_space<hbm>>
      tpu.enqueue_dma source(%arg7 : memref<640xf32, #tpu.memory_space<vmem>>) target(%dma_start3A_20 : memref<640xf32, #tpu.memory_space<hbm>>) target_semaphore(%run_scoped3A : memref<!tpu.dma_semaphore, #tpu.memory_space<semaphore_mem>>)
      %dma_wait3A = tpu.memref_slice %arg3[%mul3A_19] : memref<10240xf32, #tpu.memory_space<hbm>> -> memref<640xf32, #tpu.memory_space<hbm>>
      %dma_wait3A_21 = tpu.memref_slice %arg3[%mul3A_19] : memref<10240xf32, #tpu.memory_space<hbm>> -> memref<640xf32, #tpu.memory_space<hbm>>
      tpu.wait_dma2 semaphore(%run_scoped3A : memref<!tpu.dma_semaphore, #tpu.memory_space<semaphore_mem>>) src(%arg7 : memref<640xf32, #tpu.memory_space<vmem>>) dst(%dma_wait3A_21 : memref<640xf32, #tpu.memory_space<hbm>>)
      tpu.yield
    }) : () -> ()
    return
  }
}

module attributes {stable_mosaic.version = 14 : i64} {
  func.func @_mlp_body(%arg0: i32, %arg1: memref<1024x128xf32, #tpu.memory_space<vmem>>, %arg2: memref<64x128xf32, #tpu.memory_space<vmem>>, %arg3: memref<1x64xf32, #tpu.memory_space<vmem>>, %arg4: memref<1x64xf32, #tpu.memory_space<vmem>>, %arg5: memref<1x1x1024xf32, #tpu.memory_space<vmem>>) attributes {dimension_semantics = [#tpu.dimension_semantics<arbitrary>], iteration_bounds = array<i64: 10>, scalar_prefetch = 0 : i64, scratch_operands = 0 : i64, tpu.core_type = #tpu.core_type<tc>, window_params = [{transform_indices = @transform_0, window_bounds = array<i64: 1024, 128>}, {pipeline_mode = #tpu.pipeline_mode<synchronous>, transform_indices = @transform_1, window_bounds = array<i64: 64, 128>}, {pipeline_mode = #tpu.pipeline_mode<synchronous>, transform_indices = @transform_2, window_bounds = array<i64: 1, 64>}, {pipeline_mode = #tpu.pipeline_mode<synchronous>, transform_indices = @transform_3, window_bounds = array<i64: 1, 64>}, {transform_indices = @transform_4, window_bounds = array<i64: 1, 1, 1024>}]} {
    %get3A = arith.constant 0 : index
    %get3A_0 = arith.constant 0 : index
    %get3A_1 = vector.load %arg1[%get3A, %get3A_0] : memref<1024x128xf32, #tpu.memory_space<vmem>>, vector<1024x128xf32>
    %get3A_2 = arith.constant 0 : index
    %get3A_3 = arith.constant 0 : index
    %get3A_4 = vector.load %arg2[%get3A_2, %get3A_3] : memref<64x128xf32, #tpu.memory_space<vmem>>, vector<64x128xf32>
    %dot_general3A = arith.constant dense<0.000000e+00> : vector<1024x64xf32>
    %dot_general3A_5 = tpu.matmul %get3A_1, %get3A_4, %dot_general3A {dimension_numbers = #tpu.dot_dimension_numbers<[1], [1], [0], [0], [0, 0, 1, 0], [], []>, transpose_lhs_hint = false} : vector<1024x128xf32>, vector<64x128xf32>, vector<1024x64xf32> -> vector<1024x64xf32>
    %get3A_6 = arith.constant 0 : index
    %get3A_7 = arith.constant 0 : index
    %get3A_8 = vector.load %arg3[%get3A_6, %get3A_7] : memref<1x64xf32, #tpu.memory_space<vmem>>, vector<1x64xf32>
    %add3A = vector.broadcast %get3A_8 : vector<1x64xf32> to vector<1024x64xf32>
    %add3A_9 = arith.addf %dot_general3A_5, %add3A : vector<1024x64xf32>
    %max3A = arith.constant 0.000000e+00 : f32
    %max3A_10 = vector.broadcast %max3A : f32 to vector<1024x64xf32>
    %max3A_11 = arith.maximumf %add3A_9, %max3A_10 : vector<1024x64xf32>
    %get3A_12 = arith.constant 0 : index
    %get3A_13 = arith.constant 0 : index
    %get3A_14 = vector.load %arg4[%get3A_12, %get3A_13] : memref<1x64xf32, #tpu.memory_space<vmem>>, vector<1x64xf32>
    %dot_general3A_15 = arith.constant dense<0.000000e+00> : vector<1x1024xf32>
    %dot_general3A_16 = tpu.matmul %get3A_14, %max3A_11, %dot_general3A_15 {dimension_numbers = #tpu.dot_dimension_numbers<[1], [1], [0], [0], [0, 0, 1, 0], [], []>, transpose_lhs_hint = false} : vector<1x64xf32>, vector<1024x64xf32>, vector<1x1024xf32> -> vector<1x1024xf32>
    %broadcast_in_dim3A = vector.shape_cast %dot_general3A_16 : vector<1x1024xf32> to vector<1x1x1024xf32>
    %swap3A = arith.constant 0 : index
    %swap3A_17 = arith.constant 0 : index
    %swap3A_18 = arith.constant 0 : index
    %swap3A_19 = vector.load %arg5[%swap3A, %swap3A_17, %swap3A_18] : memref<1x1x1024xf32, #tpu.memory_space<vmem>>, vector<1x1x1024xf32>
    tpu.vector_store %arg5[%swap3A, %swap3A_17, %swap3A_18], %broadcast_in_dim3A {strides = array<i32>} : memref<1x1x1024xf32, #tpu.memory_space<vmem>>, vector<1x1x1024xf32>,
    return
  }
  func.func @transform_0(%arg0: i32) -> (i32, i32) {
    %c0_i32 = arith.constant 0 : i32
    %c0_i32_0 = arith.constant 0 : i32
    return %arg0, %c0_i32 : i32, i32
  }
  func.func @transform_1(%arg0: i32) -> (i32, i32) {
    %c0_i32 = arith.constant 0 : i32
    %c0_i32_0 = arith.constant 0 : i32
    %c0_i32_1 = arith.constant 0 : i32
    return %c0_i32, %c0_i32_0 : i32, i32
  }
  func.func @transform_2(%arg0: i32) -> (i32, i32) {
    %c0_i32 = arith.constant 0 : i32
    %c0_i32_0 = arith.constant 0 : i32
    %c0_i32_1 = arith.constant 0 : i32
    return %c0_i32, %c0_i32_0 : i32, i32
  }
  func.func @transform_3(%arg0: i32) -> (i32, i32) {
    %c0_i32 = arith.constant 0 : i32
    %c0_i32_0 = arith.constant 0 : i32
    %c0_i32_1 = arith.constant 0 : i32
    return %c0_i32, %c0_i32_0 : i32, i32
  }
  func.func @transform_4(%arg0: i32) -> (i32, i32, i32) {
    %c0_i32 = arith.constant 0 : i32
    %c0_i32_0 = arith.constant 0 : i32
    %c0_i32_1 = arith.constant 0 : i32
    return %arg0, %c0_i32, %c0_i32_0 : i32, i32, i32
  }
}

</mosaic_0001>

<sc_bundles>
// kernel: kernel.5.cloned.1.call-start
scs
__scs_entry_jumppad:
0x0: {  	(pc) =	sbr.rel $0x88, $3  }
0x1: {  	(tag) =	ssettag $0x0;
	lr =	simm.s32 $0x1  }
0x2: {  	[smem:$0x3F9B] =	sst lr;
	_ =	strace $0xD0000000  }
0x3: {  	_ = 	snop  }
0x4: {  	_ = 	snop  }
0x5: {  	_ = 	snop  }
0x6: {  	_ = 	snop  }
0x7: {  	_ = 	snop  }
__scs_overlays_trampoline_lowered:
0x8: {  	[smem:$0x3FAA] =	sst s0  }
0x9: {  	[smem:$0x3FAB] =	sst s1  }
0xa: {  	[smem:$0x3FAC] =	sst s2  }
0xb: {  	[smem:$0x3FAD] =	sst s3  }
0xc: {  	[smem:$0x3FAE] =	sst s4  }
0xd: {  	[smem:$0x3FAF] =	sst s5  }
0xe: {  	[smem:$0x3FB0] =	sst s6  }
0xf: {  	[smem:$0x3FB1] =	sst s7  }
0x10: {  	[smem:$0x3FB2] =	sst s8  }
0x11: {  	[smem:$0x3FB3] =	sst s9;
	s0 =	simm.s32 @!p0 $0x0  }
0x12: {  	s1 =	sld [smem:$0x3F99];
	s0 =	simm.s32 @p0 $0x1  }
0x13: {  	[smem:$0x3FB4] =	sst s0;
	s0 =	simm.s32 @!p1 $0x0  }
0x14: {  	s2 =	sld [smem:$0x3F98];
	s0 =	simm.s32 @p1 $0x1  }
0x15: {  	[smem:$0x3FB5] =	sst s0;
	s0 =	simm.s32 @!p2 $0x0  }
0x16: {  	s3 =	sld [smem:$0x3FDB];
	s0 =	simm.s32 @p2 $0x1  }
0x17: {  	s4 =	simm.s32 $0x1BF5;
	[smem:$0x3FB7] =	sst s0  }
0x18: {  	s0 =	sld [smem:$0x3F9A];
	_ =	swait.ge [sflag:s4], $0x0  }
0x19: {  	s7 =	sld [smem:$0x3F9B]  }
0x1a: {  	s8 =	sadd.s32 $0xFFFFE003, lr  }
0x1b: {  	s9 =	sadd.s32 $0xFFFFFEF7, lr;
	s5 =	simm.s32 $0xFFFFFFFF;
	p2 =	slt.u32 s8, $0xFFFFF086  }
0x1c: {  	p1 =	slt.u32 s9, $0xF7A;
	s5 =	simm.s32 @!p2 $0x0  }
0x1d: {  	s5 =	simm.s32 @p1 $0x1;
	p0 =	seq.s32 s7, s2  }
0x1e: {  	s7 =	smul.u32 @!p0 $0xF7A, s2;
	p2 =	seq.s32 @!p0 s5, $0x0  }
0x1f: {  	s9 =	smul.u32 $0xF7A, s1;
	s8 =	simm.s32 @!p0 $0x1BF5;
	p2 =	por !p2, p0  }
0x20: {  	[sflag:s8] =	ssyncset.s32 @!p0 $0xFFFFF086;
	s6 =	sadd.s32 @!p0 s3, s7;
	s7 =	simm.s32 @!p0 $0x108  }
0x21: {  	s3 =	sadd.s32 s3, s9;
	s6 =	sadd.s32 @!p0 $0x88, s6;
	s7 =	simm.s32 @p2 $0x1082  }
0x22: {  	[simem:s7], [sflag:s8] =	dma.local @!p0 [hbm:s6], $0xF7A  }
0x23: {  	s9 =	sor.u32 $0xD0000000, s2;
	s6 =	simm.s32 $0x108;
	_ =	swait.ge @!p0 [sflag:s8], $0x0  }
0x24: {  	s3 =	sadd.s32 $0x88, s3;
	s6 =	simm.s32 @!p1 $0x1082;
	[sflag:s4] =	ssyncset.s32 $0xFFFFF086  }
0x25: {  	[simem:s6], [sflag:s4] =	dma.local [hbm:s3], $0xF7A  }
0x26: {  	[smem:$0x3F9B] =	sst s1;
	(tag) =	ssettag s2;
	_ =	strace s9  }
0x27: {  	s1 =	sld [smem:$0x3FAB]  }
0x28: {  	s2 =	sld [smem:$0x3FAC]  }
0x29: {  	s4 =	sld [smem:$0x3FAE]  }
0x2a: {  	p0 =	seq.s32 s5, $0x0;
	s5 =	sld [smem:$0x3FAF]  }
0x2b: {  	s6 =	sld [smem:$0x3FB0]  }
0x2c: {  	s7 =	sld [smem:$0x3FB1]  }
0x2d: {  	s3 =	simm.s32 $0x108;
	s8 =	sld [smem:$0x3FB2]  }
0x2e: {  	s3 =	simm.s32 @!p0 $0x1082;
	s9 =	sld [smem:$0x3FB3]  }
0x2f: {  	lr =	sadd.s32 s0, s3;
	s0 =	sld [smem:$0x3FAA]  }
0x30: {  	s3 =	sld [smem:$0x3FAD]  }
0x31: {  	[smem:$0x3FB6] =	sst s10  }
0x32: {  	s10 =	sld [smem:$0x3FB4];
	_ =	sdelay $0x3  }
0x33: {  	p0 =	seq.s32 s10, $0x1;
	s10 =	sld [smem:$0x3FB6];
	_ =	sdelay $0x3  }
0x34: {  	[smem:$0x3FB6] =	sst s10  }
0x35: {  	s10 =	sld [smem:$0x3FB5];
	_ =	sdelay $0x3  }
0x36: {  	p1 =	seq.s32 s10, $0x1;
	s10 =	sld [smem:$0x3FB6];
	_ =	sdelay $0x3  }
0x37: {  	[smem:$0x3FB6] =	sst s10  }
0x38: {  	s10 =	sld [smem:$0x3FB7]  }
0x39: {  	_ = 	snop;
	(pc) =	sbr.ind lr, $3  }
0x3a: {  	_ = 	snop  }
0x3b: {  	_ = 	snop  }
0x3c: {  	p2 =	seq.s32 s10, $0x1;
	s10 =	sld [smem:$0x3FB6]  }
0x3d: {  	_ =	shalt  }
0x3e: {  	_ =	shalt  }
0x3f: {  	_ =	shalt  }
0x40: {  	_ =	shalt  }
0x41: {  	_ =	shalt  }
0x42: {  	_ =	shalt  }
0x43: {  	_ =	shalt  }
0x44: {  	_ =	shalt  }
0x45: {  	_ =	shalt  }
0x46: {  	_ =	shalt  }
0x47: {  	_ =	shalt  }
0x48: {  	_ =	shalt  }
0x49: {  	_ =	shalt  }
0x4a: {  	_ =	shalt  }
0x4b: {  	_ =	shalt  }
0x4c: {  	_ =	shalt  }
0x4d: {  	_ =	shalt  }
0x4e: {  	_ =	shalt  }
0x4f: {  	_ =	shalt  }
0x50: {  	_ =	shalt  }
0x51: {  	_ =	shalt  }
0x52: {  	_ =	shalt  }
0x53: {  	_ =	shalt  }
0x54: {  	_ =	shalt  }
0x55: {  	_ =	shalt  }
0x56: {  	_ =	shalt  }
0x57: {  	_ =	shalt  }
0x58: {  	_ =	shalt  }
0x59: {  	_ =	shalt  }
0x5a: {  	_ =	shalt  }
0x5b: {  	_ =	shalt  }
0x5c: {  	_ =	shalt  }
0x5d: {  	_ =	shalt  }
0x5e: {  	_ =	shalt  }
0x5f: {  	_ =	shalt  }
0x60: {  	_ =	shalt  }
0x61: {  	_ =	shalt  }
0x62: {  	_ =	shalt  }
0x63: {  	_ =	shalt  }
0x64: {  	_ =	shalt  }
0x65: {  	_ =	shalt  }
0x66: {  	_ =	shalt  }
0x67: {  	_ =	shalt  }
0x68: {  	_ =	shalt  }
0x69: {  	_ =	shalt  }
0x6a: {  	_ =	shalt  }
0x6b: {  	_ =	shalt  }
0x6c: {  	_ =	shalt  }
0x6d: {  	_ =	shalt  }
0x6e: {  	_ =	shalt  }
0x6f: {  	_ =	shalt  }
0x70: {  	_ =	shalt  }
0x71: {  	_ =	shalt  }
0x72: {  	_ =	shalt  }
0x73: {  	_ =	shalt  }
0x74: {  	_ =	shalt  }
0x75: {  	_ =	shalt  }
0x76: {  	_ =	shalt  }
0x77: {  	_ =	shalt  }
0x78: {  	_ =	shalt  }
0x79: {  	_ =	shalt  }
0x7a: {  	_ =	shalt  }
0x7b: {  	_ =	shalt  }
0x7c: {  	_ =	shalt  }
0x7d: {  	_ =	shalt  }
0x7e: {  	_ =	shalt  }
0x7f: {  	_ =	shalt  }
0x80: {  	_ =	shalt  }
0x81: {  	_ =	shalt  }
0x82: {  	_ =	shalt  }
0x83: {  	_ =	shalt  }
0x84: {  	_ =	shalt  }
0x85: {  	_ =	shalt  }
0x86: {  	_ =	shalt  }
0x87: {  	_ =	shalt  }
.Lfunc_end0:
.L_simem_size_0:
called_computation_lowered:
.L_overlay_start_0:
0x88: {  	s0 =	sld [smem:$0x3FD9]  }
0x89: {  	s1 =	sld [smem:$0x3FFE];
	_ =	sdelay $0x3  }
0x8a: {  	s0 =	sadd.s32 s1, s0  }
0x8b: {  	[smem:$0x3FC2] =	sst s0  }
0x8c: {  	_ = 	snop  }
0x8d: {  	s0 =	sld [smem:$0x3FC8];
	(tm) =	ssettm $0x1  }
0x8e: {  	s16 =	sld [smem:$0x3FFB];
	_ =	sdelay $0x3  }
0x8f: {  	_ =	strace s16  }
0x90: {  	s1 =	sld [smem:$0x3FFC];
	_ =	sdelay $0x3  }
0x91: {  	_ =	strace s1  }
0x92: {  	s1 =	sld [smem:$0x3FFD];
	_ =	sdelay $0x3  }
0x93: {  	_ =	strace s1  }
0x94: {  	_ =	strace $0x8FFFFFFF  }
0x95: {  	s17 =	sld [smem:$0x3FDB];
	_ =	sdelay $0x1  }
0x96: {  	s2 =	simm.s32 $_scs_section_size  }
0x97: {  	s3 =	simm.s32 $_size__tile_overlayer_lowered;
	s4 =	simm.s32 $_tile_overlayer_lowered  }
0x98: {  	s20 =	simm.s32 $0x1BFF;
	s19 =	sshll.u32 s4, $0x1;
	s1 =	sadd.s32 s2, s17  }
0x99: {  	s5 =	simm.s32 $0x0;
	s18 =	sshll.u32 s3, $0x1;
	s3 =	sadd.s32 s19, s1  }
0x9a: {  	[timem:s5], [sflag:s20] =	dma.local [hbm:s3], s18  }
0x9b: {  	_ =	swait.ge [sflag:s20], s18  }
0x9c: {  	s2 =	ssub.s32 $0x0, s18;
	[sflag:s20] =	ssyncset.done $0x0  }
0x9d: {  	[sflag:s20] =	ssyncadd.s32 s2;
	_ =	sdelay $0x1  }
0x9e: {  	s21 =	simm.s32 $0x1B8B  }
0x9f: {  	_ =	swait.ge [sflag:s21], $0x1  }
0xa0: {  	[sflag:s21] =	ssyncset.done $0x0  }
0xa1: {  	s23 =	simm.s32 $0x1B8E;
	s22 =	sld [smem:$0x3FFE];
	[sflag:s21] =	ssyncadd.s32 $0xFFFFFFFF  }
0xa2: {  	s24 =	simm.s32 $execute0_lowered;
	[smem:$0x3FD2] =	sst s23  }
0xa3: {  	s3 =	sshll.u32 s24, $0x1;
	_ =	strace $0x80000046;
	[dreg:$0x1] =	wrdreg $0xFFFFFFFF  }
0xa4: {  	s25 =	simm.s32 $_size_execute0_lowered;
	s1 =	sadd.s32 s1, s3;
	[dreg:$0x0] =	wrdreg $0x0  }
0xa5: {  	s3 =	sshll.u32 s25, $0x1;
	[dreg:$0x2] =	wrdreg s1  }
0xa6: {  	[dreg:$0x3] =	wrdreg s3  }
0xa7: {  	[dreg:$0x4] =	wrdreg $0xC0  }
0xa8: {  	_ =	task [dreg:s5], $0x5FFFF  }
0xa9: {  	[dreg:$0x1] =	wrdreg $0xFFFFFFFF  }
0xaa: {  	[dreg:$0x0] =	wrdreg $0x60  }
0xab: {  	[dreg:$0x2] =	wrdreg s0  }
0xac: {  	[dreg:$0x3] =	wrdreg s22  }
0xad: {  	[dreg:$0x4] =	wrdreg $0xEF800  }
0xae: {  	[dreg:$0x5] =	wrdreg $0x9  }
0xaf: {  	_ =	task.clear_ibuf [dreg:s5], $0x6FFFF;
	_ =	strace $0x90000046  }
0xb0: {  	s26 =	simm.s32 $0x9;
	_ =	strace $0x80000048  }
0xb1: {  	_ =	swait.ge [sflag:s26], $0x1  }
0xb2: {  	[sflag:s26] =	ssyncadd.s32 $0xFFFFFFFF  }
0xb3: {  	_ =	strace $0x90000048  }
0xb4: {  	_ =	sfence  }
0xb5: {  	s28 =	sld [smem:$0x0];
	_ =	sdelay $0x1  }
0xb6: {  	s29 =	srdreg.scid  }
0xb7: {  	s30 =	sshll.u32 s29, $0xD;
	s31 =	sshrl.u32 s29, $0x2  }
0xb8: {  	s2 =	sand.u32 $0x4000, s30;
	s1 =	sand.u32 $0x1, s29;
	s0 =	sadd.s32 s31, s28  }
0xb9: {  	s1 =	sor.u32 s2, s1;
	s0 =	sshll.u32 s0, $0x11  }
0xba: {  	s0 =	sor.u32 s0, s1  }
0xbb: {  	s0 =	sadd.s32 $0x8F2B, s0  }
0xbc: {  	[sflag:s0] =	ssyncadd.remote.s32 $0x1  }
0xbd: {  	_ =	sfence.sel $0xFFFF  }
0xbe: {  	[dreg:$0x0] =	wrdreg $0xFFFFFFFF;
	(pc) =	sbr.abs _section_cstart, $3  }
0xbf: {  	[dreg:$0x1] =	wrdreg $0xFFFFFFFF  }
0xc0: {  	_ =	task.clear_ibuf [dreg:s5], $0x2FFFF;
	_ =	strace $0x9FFFFFFF  }
0xc1: {  	(tm) =	ssettm $0x7FFFFFFF  }
tec
execute0_lowered:
.L_overlay_start_1:
0x0: {  	(tag) =	ssettag $0x1  }
0x1: {  	s0 =	stileid.u32  }
0x2: {  	s2 =	rddreg [dreg:$0x0];
	p0 =	sgt.u32 s0, $0x3  }
0x3: {  	s3 =	rddreg [dreg:$0x1];
	s4 =	smul.u32 @p0 $0x9C00, s0  }
0x4: {  	s6 =	rddreg [dreg:$0x2]  }
0x5: {  	s1 =	rddreg [dreg:$0x3];
	s5 =	simm.s32 $0x0;
	s4 =	sshrl.u32 @p0 s4, $0x3  }
0x6: {  	[smem:$0x7FF] =	sst s5;
	s4 =	sadd.s32 @p0 s2, s4  }
0x7: {  	_ =	strace $0x80000047;
	s5 =	simm.s32 @p0 $0x0;
	s4 =	sadd.s32 @p0 $0x80, s4  }
0x8: {  	[tilespmem:s5], [sflag:$0x1] =	stream.linear.gather @p0 [hbm4b:s4+s5], $0x9C00, $0x38;
	[tilespmem:$0x11780] =	vst v63  }
0x9: {  	s4 =	simm.s32 @p0 $0x1  }
0xa: {  	_ =	swait.ge @p0 [sflag:s4], $0x9C00  }
0xb: {  	[sflag:s4] =	ssyncset.done @p0 $0x0  }
0xc: {  	v0 =	vimm.s32 @p0 $0x27FF;
	[sflag:s4] =	ssyncadd.s32 @p0 $0xFFFF6400  }
0xd: {  	[tilespmem:$0x9C00] =	vst @p0 v0  }
0xe: {  	[tilespmem:$0x9C80] =	vst @p0 v0  }
0xf: {  	[tilespmem:$0x9C10] =	vst @p0 v0  }
0x10: {  	[tilespmem:$0x9C90] =	vst @p0 v0  }
0x11: {  	[tilespmem:$0x9C20] =	vst @p0 v0  }
0x12: {  	[tilespmem:$0x9CA0] =	vst @p0 v0  }
0x13: {  	[tilespmem:$0x9C30] =	vst @p0 v0  }
0x14: {  	[tilespmem:$0x9CB0] =	vst @p0 v0  }
0x15: {  	[tilespmem:$0x9C40] =	vst @p0 v0  }
0x16: {  	[tilespmem:$0x9CC0] =	vst @p0 v0  }
0x17: {  	[tilespmem:$0x9C50] =	vst @p0 v0  }
0x18: {  	[tilespmem:$0x9CD0] =	vst @p0 v0  }
0x19: {  	[tilespmem:$0x9C60] =	vst @p0 v0  }
0x1a: {  	s4 =	smul.u32 @!p0 $0x13A0, s0;
	[tilespmem:$0x9CE0] =	vst @p0 v0  }
0x1b: {  	[tilespmem:$0x9C70] =	vst @p0 v0  }
0x1c: {  	[tilespmem:$0x9CF0] =	vst @p0 v0;
	s2 =	sadd.s32 @!p0 s2, s4;
	s4 =	simm.s32 @!p0 $0x0  }
0x1d: {  	[tilespmem:s4], [sflag:$0x1] =	stream.linear.gather @!p0 [hbm4b:s2+s4], $0x9D00, $0x38;
	[tilespmem:$0x11780] =	vst v63  }
0x1e: {  	s2 =	simm.s32 @!p0 $0x1  }
0x1f: {  	_ =	swait.ge @!p0 [sflag:s2], $0x9D00  }
0x20: {  	[sflag:s2] =	ssyncset.done @!p0 $0x0  }
0x21: {  	s5 =	simm.s32 $0x9D40;
	v0 =	vimm.f32 $0.0e+00;
	[sflag:s2] =	ssyncadd.s32 @!p0 $0xFFFF6300  }
0x22: {  	[tilespmem:s5+$0xFFFFFFC0] =	vst v0  }
0x23: {  	s29 =	sshrl.u32 s0, $0x3;
	s8 =	smul.u32 $0x5000, s0;
	[tilespmem:s5+$0x30] =	vst v0  }
0x24: {  	s2 =	smul.u32 $0x50000, s29;
	[tilespmem:s5+$0x20] =	vst v0  }
0x25: {  	s30 =	smul.u32 $0x50, s0;
	s7 =	sshll.u32 s0, $0x7;
	[tilespmem:s5+$0x10] =	vst v0  }
0x26: {  	s7 =	sand.u32 $0x380, s7;
	s31 =	sshrl.u32 s8, $0x2;
	[tilespmem:s5+$0x0] =	vst v0;
	s2 =	sshrl.u32 s2, $0x2  }
0x27: {  	s9 =	sadd.s32 s30, s3;
	s3 =	sadd.s32 s31, s6;
	[tilespmem:s5+$0xFFFFFFF0] =	vst v0;
	s2 =	sadd.s32 s2, s6  }
0x28: {  	[tilespmem:s5+$0xFFFFFFE0] =	vst v0;
	s6 =	simm.s32 $0x0;
	s4 =	sadd.s32 s7, s2;
	s2 =	sadd.s32 $0x1200, s9  }
.LBB2_1:
0x29: {  	s6 =	sadd.s32 $0x8, s6;
	[tilespmem:s5+$0xFFFFFFD0] =	vst v0;
	s5 =	sadd.s32 $0x80, s5  }
0x2a: {  	[tilespmem:s5+$0xFFFFFFC0] =	vst v0;
	p0 =	slt.u32 s6, $0x278  }
0x2b: {  	[tilespmem:s5+$0x30] =	vst v0  }
.Ltmp0:
0x2c: {  	[tilespmem:s5+$0x20] =	vst v0;
	(pc) =	sbr.rel @p0 .LBB2_1-.Ltmp0, $4  }
0x2d: {  	[tilespmem:s5+$0x10] =	vst v0  }
0x2e: {  	[tilespmem:s5+$0x0] =	vst v0  }
0x2f: {  	[tilespmem:s5+$0xFFFFFFF0] =	vst v0  }
0x30: {  	[tilespmem:s5+$0xFFFFFFE0] =	vst v0  }
0x31: {  	[tilespmem:s5+$0xFFFFFFD0] =	vst v0;
	s5 =	simm.s32 $0xF0  }
0x32: {  	v2 =	vld [tilespmem:s5+$0xFFFFFF90]  }
0x33: {  	v3 =	vld [tilespmem:s5+$0x0]  }
0x34: {  	v4 =	vld [tilespmem:s5+$0xFFFFFFF0]  }
0x35: {  	v5 =	vld [tilespmem:s5+$0xFFFFFFE0]  }
0x36: {  	v6 =	vld [tilespmem:s5+$0xFFFFFFD0]  }
0x37: {  	v7 =	vld [tilespmem:s5+$0xFFFFFFC0]  }
0x38: {  	v8 =	vld [tilespmem:s5+$0xFFFFFFB0]  }
0x39: {  	v0 =	vimm.f32 $1.000000000e+00;
	s6 =	simm.s32 $0x9D00;
	v1 =	vld [tilespmem:s5+$0xFFFFFFA0]  }
0x3a: {  	[tilespmem:v2+s6+$0x0] =	vst.idx.add.f32.msk $0xffff, v0  }
0x3b: {  	[tilespmem:v3+s6+$0x0] =	vst.idx.add.f32.msk $0xffff, v0  }
0x3c: {  	[tilespmem:v4+s6+$0x0] =	vst.idx.add.f32.msk $0xffff, v0  }
0x3d: {  	[tilespmem:v5+s6+$0x0] =	vst.idx.add.f32.msk $0xffff, v0  }
0x3e: {  	[tilespmem:v6+s6+$0x0] =	vst.idx.add.f32.msk $0xffff, v0  }
0x3f: {  	[tilespmem:v7+s6+$0x0] =	vst.idx.add.f32.msk $0xffff, v0  }
0x40: {  	s7 =	simm.s32 $0x0;
	[tilespmem:v8+s6+$0x0] =	vst.idx.add.f32.msk $0xffff, v0  }
.LBB2_3:
0x41: {  	s7 =	sadd.s32 $0x8, s7;
	[tilespmem:v1+s6+$0x0] =	vst.idx.add.f32.msk $0xffff, v0;
	s5 =	sadd.s32 $0x100, s5  }
0x42: {  	v2 =	vld [tilespmem:s5+$0xFFFFFF90];
	p0 =	slt.u32 s7, $0x4E0  }
0x43: {  	v3 =	vld [tilespmem:s5+$0x0]  }
0x44: {  	v4 =	vld [tilespmem:s5+$0xFFFFFFF0]  }
0x45: {  	v5 =	vld [tilespmem:s5+$0xFFFFFFE0]  }
0x46: {  	v6 =	vld [tilespmem:s5+$0xFFFFFFD0]  }
0x47: {  	v7 =	vld [tilespmem:s5+$0xFFFFFFC0]  }
0x48: {  	v8 =	vld [tilespmem:s5+$0xFFFFFFB0]  }
0x49: {  	v1 =	vld [tilespmem:s5+$0xFFFFFFA0]  }
0x4a: {  	[tilespmem:v2+s6+$0x0] =	vst.idx.add.f32.msk $0xffff, v0  }
0x4b: {  	[tilespmem:v3+s6+$0x0] =	vst.idx.add.f32.msk $0xffff, v0  }
.Ltmp1:
0x4c: {  	[tilespmem:v4+s6+$0x0] =	vst.idx.add.f32.msk $0xffff, v0;
	(pc) =	sbr.rel @p0 .LBB2_3-.Ltmp1, $4  }
0x4d: {  	[tilespmem:v5+s6+$0x0] =	vst.idx.add.f32.msk $0xffff, v0  }
0x4e: {  	[tilespmem:v6+s6+$0x0] =	vst.idx.add.f32.msk $0xffff, v0  }
0x4f: {  	[tilespmem:v7+s6+$0x0] =	vst.idx.add.f32.msk $0xffff, v0  }
0x50: {  	[tilespmem:v8+s6+$0x0] =	vst.idx.add.f32.msk $0xffff, v0  }
0x51: {  	_ =	sdelay $0x2  }
0x52: {  	s5 =	simm.s32 $0x80  }
0x53: {  	[tilespmem:v1+s6+$0x0] =	vst.idx.add.f32.msk $0xffff, v0;
	s25 =	simm.s32 $0x400;
	s7 =	simm.s32 $0x9D00;
	s26 =	simm.s32 $0x1  }
0x54: {  	[spmem:s4] =	stream.strided.scatter [tilespmem:s7], [sflag:$0x1], $0x2800, s25, s5, $0x38;
	[tilespmem:$0x11780] =	vst v63  }
0x55: {  	_ =	swait.ge [sflag:s26], $0x2800  }
0x56: {  	[sflag:s26] =	ssyncset.done $0x0  }
0x57: {  	s28 =	simm.s32 $0x1400;
	s29 =	simm.s32 $0x14000;
	[sflag:s26] =	ssyncadd.s32 $0xFFFFD800  }
0x58: {  	s30 =	simm.s32 $0xC500;
	s7 =	simm.s32 $0x0;
	[bflag:$0x0] =	sbarrier.arrive $0xFFFF  }
0x59: {  	[tilespmem:s30], [sflag:$0x1] =	stream.strided.gather [spmem:s3], $0x2800, s29, s28, $0x38;
	[tilespmem:$0x11780] =	vst v63  }
0x5a: {  	s4 =	sand.u32 $0x60, s7;
	s31 =	sand.u32 $0x1C00, s7;
	_ =	swait.ge [sflag:s26], $0x2800  }
0x5b: {  	s9 =	sadd.s32 $0xC500, s31;
	s8 =	sor.u32 $0x10, s4;
	[sflag:s26] =	ssyncset.done $0x0  }
0x5c: {  	s10 =	sor.u32 s8, s9;
	[sflag:s26] =	ssyncadd.s32 $0xFFFFD800  }
0x5d: {  	v0 =	vld [tilespmem:s10+$0x0]  }
0x5e: {  	s6 =	sor.u32 s4, s9;
	v1 =	vld [tilespmem:s10+$0x80]  }
0x5f: {  	v2 =	vld [tilespmem:s6+$0x0]  }
0x60: {  	v3 =	vld [tilespmem:s10+$0x100]  }
0x61: {  	v4 =	vld [tilespmem:s6+$0x80]  }
0x62: {  	v5 =	vld [tilespmem:s10+$0x180]  }
0x63: {  	v6 =	vld [tilespmem:s6+$0x100]  }
0x64: {  	v7 =	vld [tilespmem:s10+$0x200]  }
0x65: {  	v8 =	vld [tilespmem:s6+$0x180]  }
0x66: {  	v9 =	vld [tilespmem:s10+$0x280]  }
0x67: {  	v10 =	vld [tilespmem:s6+$0x200]  }
0x68: {  	v11 =	vld [tilespmem:s10+$0x300]  }
0x69: {  	v12 =	vld [tilespmem:s6+$0x280]  }
0x6a: {  	s9 =	sadd.s32 $0xD900, s31;
	v13 =	vld [tilespmem:s10+$0x380]  }
0x6b: {  	s11 =	sor.u32 s8, s9;
	v14 =	vld [tilespmem:s6+$0x300]  }
0x6c: {  	v15 =	vld [tilespmem:s11+$0x0]  }
0x6d: {  	s14 =	sadd.s32 $0xDA00, s31;
	s13 =	sor.u32 s4, s9;
	v16 =	vld [tilespmem:s6+$0x380]  }
0x6e: {  	s17 =	sadd.s32 $0xDA80, s31;
	s15 =	sor.u32 s8, s14;
	v18 =	vld [tilespmem:s13+$0x0]  }
0x6f: {  	s18 =	sor.u32 s8, s17;
	v19 =	vld [tilespmem:s15+$0x0]  }
0x70: {  	s20 =	sadd.s32 $0xDB00, s31;
	s19 =	sor.u32 s4, s14;
	v21 =	vld [tilespmem:s18+$0x0]  }
0x71: {  	s21 =	sor.u32 s8, s20;
	v22 =	vld [tilespmem:s19+$0x0]  }
0x72: {  	s23 =	sadd.s32 $0xDB80, s31;
	s22 =	sor.u32 s4, s17;
	v23 =	vld [tilespmem:s21+$0x0]  }
0x73: {  	s24 =	sor.u32 s8, s23;
	v24 =	vld [tilespmem:s22+$0x0]  }
0x74: {  	s25 =	sor.u32 s4, s20;
	s10 =	sadd.s32 $0xD980, s31;
	v25 =	vld [tilespmem:s24+$0x0];
	s11 =	simm.s32 $0x100  }
0x75: {  	s3 =	simm.s32 $0x20;
	v26 =	vld [tilespmem:s25+$0x0];
	s12 =	sor.u32 s8, s10;
	s9 =	sand.u32 $0x1C00, s11  }
0x76: {  	s5 =	sand.u32 $0x60, s3;
	s16 =	sor.u32 s4, s10;
	v17 =	vld [tilespmem:s12+$0x0];
	s11 =	sadd.s32 $0xC500, s9  }
0x77: {  	v20 =	vld [tilespmem:s16+$0x0];
	s13 =	sor.u32 s5, s11  }
0x78: {  	v46 =	vld [tilespmem:s13+$0x0];
	v0 =	vadd.f32 v1, v0  }
0x79: {  	v48 =	vld [tilespmem:s13+$0x80];
	v2 =	vadd.f32 v4, v2  }
0x7a: {  	s29 =	sor.u32 s4, s23;
	s30 =	sadd.s32 $0xDC80, s31;
	s26 =	sadd.s32 $0xDC00, s31;
	v51 =	vld [tilespmem:s13+$0x180];
	v0 =	vadd.f32 v3, v0  }
0x7b: {  	s10 =	sor.u32 s4, s30;
	s12 =	sor.u32 s4, s26;
	s4 =	sor.u32 $0x10, s5;
	v53 =	vld [tilespmem:s13+$0x200];
	v2 =	vadd.f32 v6, v2  }
0x7c: {  	v6 =	vld [tilespmem:s12+$0x0];
	s12 =	sor.u32 s4, s11;
	v0 =	vadd.f32 v5, v0  }
0x7d: {  	v2 =	vadd.f32 v8, v2;
	v8 =	vld [tilespmem:s12+$0x0]  }
0x7e: {  	v0 =	vadd.f32 v7, v0;
	v7 =	vld [tilespmem:s12+$0x80]  }
0x7f: {  	v55 =	vld [tilespmem:s13+$0x280];
	v2 =	vadd.f32 v10, v2  }
0x80: {  	v47 =	vld [tilespmem:s12+$0x100];
	v0 =	vadd.f32 v9, v0  }
0x81: {  	v57 =	vld [tilespmem:s13+$0x300];
	v2 =	vadd.f32 v12, v2  }
0x82: {  	v49 =	vld [tilespmem:s12+$0x180];
	v0 =	vadd.f32 v11, v0  }
0x83: {  	s14 =	sadd.s32 $0xD900, s9;
	v2 =	vadd.f32 v14, v2;
	v7 =	vadd.f32 v7, v8;
	v8 =	vld [tilespmem:s13+$0x100]  }
0x84: {  	s15 =	sor.u32 s4, s14;
	v50 =	vld [tilespmem:s12+$0x200];
	v0 =	vadd.f32 v13, v0  }
0x85: {  	v58 =	vld [tilespmem:s15+$0x0];
	v2 =	vadd.f32 v16, v2;
	v7 =	vadd.f32 v47, v7  }
0x86: {  	v52 =	vld [tilespmem:s12+$0x280];
	v10 =	vadd.f32 v48, v46;
	v0 =	vadd.f32 v15, v0  }
0x87: {  	s16 =	sadd.s32 $0xD980, s9;
	v59 =	vld [tilespmem:s13+$0x380];
	v2 =	vadd.f32 v18, v2;
	v7 =	vadd.f32 v49, v7  }
0x88: {  	s17 =	sor.u32 s4, s16;
	v54 =	vld [tilespmem:s12+$0x300];
	v0 =	vadd.f32 v17, v0;
	v8 =	vadd.f32 v8, v10  }
0x89: {  	v60 =	vld [tilespmem:s17+$0x0];
	v2 =	vadd.f32 v20, v2;
	v7 =	vadd.f32 v50, v7  }
0x8a: {  	s28 =	sor.u32 s8, s26;
	v56 =	vld [tilespmem:s12+$0x380];
	v0 =	vadd.f32 v19, v0;
	v8 =	vadd.f32 v51, v8  }
0x8b: {  	v1 =	vld [tilespmem:s28+$0x0];
	v2 =	vadd.f32 v22, v2;
	v7 =	vadd.f32 v52, v7  }
0x8c: {  	s31 =	sor.u32 s8, s30;
	v4 =	vld [tilespmem:s29+$0x0];
	v0 =	vadd.f32 v21, v0;
	v8 =	vadd.f32 v53, v8  }
0x8d: {  	v3 =	vld [tilespmem:s31+$0x0];
	v2 =	vadd.f32 v24, v2;
	v7 =	vadd.f32 v54, v7  }
0x8e: {  	s18 =	sadd.s32 $0xDA00, s9;
	v5 =	vld [tilespmem:s10+$0x0];
	s10 =	sor.u32 s5, s14;
	v0 =	vadd.f32 v23, v0;
	v8 =	vadd.f32 v55, v8  }
0x8f: {  	s19 =	sor.u32 s4, s18;
	v61 =	vld [tilespmem:s10+$0x0];
	v2 =	vadd.f32 v26, v2;
	v7 =	vadd.f32 v56, v7  }
0x90: {  	s21 =	sadd.s32 $0xDA80, s9;
	s20 =	sor.u32 s5, s16;
	v62 =	vld [tilespmem:s19+$0x0];
	v0 =	vadd.f32 v25, v0;
	v8 =	vadd.f32 v57, v8  }
0x91: {  	s22 =	sor.u32 s4, s21;
	v2 =	vadd.f32 v4, v2;
	v4 =	vadd.f32 v58, v7;
	v7 =	vld [tilespmem:s20+$0x0]  }
0x92: {  	s24 =	sadd.s32 $0xDB00, s9;
	s23 =	sor.u32 s5, s18;
	v0 =	vadd.f32 v1, v0;
	v1 =	vadd.f32 v59, v8;
	v8 =	vld [tilespmem:s22+$0x0]  }
0x93: {  	s25 =	sor.u32 s4, s24;
	v2 =	vadd.f32 v6, v2;
	v6 =	vld [tilespmem:s23+$0x0];
	v4 =	vadd.f32 v60, v4  }
0x94: {  	s26 =	sor.u32 s5, s21;
	v63 =	vld [tilespmem:s25+$0x0];
	s28 =	sadd.s32 $0xDB80, s9;
	v3 =	vadd.f32 v3, v0;
	v1 =	vadd.f32 v61, v1  }
0x95: {  	s6 =	simm.s32 $0xED00;
	s29 =	sor.u32 s4, s28;
	v2 =	vadd.f32 v5, v2;
	v0 =	vld [tilespmem:s26+$0x0];
	v4 =	vadd.f32 v62, v4  }
0x96: {  	s11 =	sor.u32 s5, s24;
	s14 =	sadd.s32 $0xDC00, s9;
	s13 =	sand.u32 $0x380, s7;
	v3 =	vadd.f32 $1.000000000e+00, v3;
	v5 =	vadd.f32 v7, v1;
	v1 =	vld [tilespmem:s29+$0x0]  }
0x97: {  	s31 =	sor.u32 s5, s28;
	s30 =	sor.u32 s4, s14;
	s8 =	sor.u32 s8, s13;
	v7 =	vadd.f32 $1.000000000e+00, v2;
	v2 =	vld [tilespmem:s11+$0x0];
	v8 =	vadd.f32 v8, v4  }
0x98: {  	s12 =	sadd.s32 $0xDC80, s9;
	s9 =	simm.s32 $0x40;
	s7 =	simm.s32 $0x2;
	[tilespmem:s8+$0xED00] =	vst v3;
	v3 =	vld [tilespmem:s30+$0x0];
	v6 =	vadd.f32 v6, v5  }
0x99: {  	s13 =	sor.u32 s4, s12;
	s11 =	sor.u32 s5, s14;
	v4 =	vld [tilespmem:s31+$0x0];
	[tilespmem:s6+$0x0] =	vst v7;
	s8 =	simm.s32 $0x200;
	v5 =	vadd.f32 v63, v8  }
.LBB2_5:
0x9a: {  	s10 =	sand.u32 $0x1C00, s8;
	v0 =	vadd.f32 v0, v6;
	s12 =	sor.u32 s5, s12;
	s5 =	sand.u32 $0x60, s9;
	v6 =	vld [tilespmem:s13+$0x0]  }
0x9b: {  	s7 =	sadd.s32 $0x2, s7;
	s13 =	sadd.s32 $0xC500, s10;
	s14 =	sor.u32 $0x10, s5;
	v7 =	vld [tilespmem:s11+$0x0];
	v1 =	vadd.f32 v1, v5  }
0x9c: {  	p0 =	slt.u32 s7, $0x26;
	s11 =	sor.u32 s5, s13;
	s13 =	sor.u32 s14, s13;
	v0 =	vadd.f32 v2, v0;
	v2 =	vld [tilespmem:s12+$0x0]  }
0x9d: {  	v5 =	vld [tilespmem:s13+$0x0];
	v1 =	vadd.f32 v3, v1  }
0x9e: {  	v3 =	vld [tilespmem:s13+$0x80];
	v0 =	vadd.f32 v4, v0  }
0x9f: {  	v4 =	vld [tilespmem:s11+$0x0];
	v1 =	vadd.f32 v6, v1  }
0xa0: {  	v6 =	vld [tilespmem:s13+$0x100];
	v0 =	vadd.f32 v7, v0  }
0xa1: {  	s12 =	sand.u32 $0x380, s3;
	s3 =	smov.u32 s9;
	v7 =	vld [tilespmem:s11+$0x80];
	v1 =	vadd.f32 $1.000000000e+00, v1  }
0xa2: {  	s12 =	sor.u32 s4, s12;
	s4 =	smov.u32 s14;
	v8 =	vld [tilespmem:s13+$0x180];
	v0 =	vadd.f32 v2, v0  }
0xa3: {  	v2 =	vld [tilespmem:s11+$0x100];
	v3 =	vadd.f32 v3, v5;
	[tilespmem:s12+$0xED00] =	vst v1  }
0xa4: {  	v1 =	vld [tilespmem:s13+$0x200];
	v0 =	vadd.f32 $1.000000000e+00, v0  }
0xa5: {  	s6 =	sadd.s32 $0x20, s6;
	v5 =	vld [tilespmem:s11+$0x180];
	v3 =	vadd.f32 v6, v3  }
0xa6: {  	v4 =	vadd.f32 v7, v4;
	v6 =	vld [tilespmem:s13+$0x280];
	[tilespmem:s6+$0x0] =	vst v0  }
0xa7: {  	v0 =	vld [tilespmem:s11+$0x200];
	v3 =	vadd.f32 v8, v3  }
0xa8: {  	v2 =	vadd.f32 v2, v4;
	v4 =	vld [tilespmem:s13+$0x300]  }
0xa9: {  	v7 =	vld [tilespmem:s11+$0x280];
	v1 =	vadd.f32 v1, v3  }
0xaa: {  	s12 =	sadd.s32 $0xD900, s10;
	v2 =	vadd.f32 v5, v2;
	v3 =	vld [tilespmem:s13+$0x380]  }
0xab: {  	s13 =	sor.u32 s5, s12;
	s12 =	sor.u32 s4, s12;
	v5 =	vld [tilespmem:s11+$0x300];
	v1 =	vadd.f32 v6, v1  }
0xac: {  	s14 =	sadd.s32 $0xD980, s10;
	v0 =	vadd.f32 v0, v2;
	v2 =	vld [tilespmem:s12+$0x0]  }
0xad: {  	s12 =	sor.u32 s4, s14;
	v6 =	vld [tilespmem:s11+$0x380];
	s11 =	sor.u32 s5, s14;
	v1 =	vadd.f32 v4, v1  }
0xae: {  	s14 =	sadd.s32 $0xDA00, s10;
	v0 =	vadd.f32 v7, v0;
	v4 =	vld [tilespmem:s12+$0x0]  }
0xaf: {  	s12 =	sor.u32 s5, s14;
	v7 =	vld [tilespmem:s13+$0x0];
	v1 =	vadd.f32 v3, v1;
	s13 =	sor.u32 s4, s14  }
0xb0: {  	s14 =	sadd.s32 $0xDA80, s10;
	v0 =	vadd.f32 v5, v0;
	v3 =	vld [tilespmem:s13+$0x0]  }
0xb1: {  	s13 =	sor.u32 s4, s14;
	v5 =	vld [tilespmem:s11+$0x0];
	s11 =	sor.u32 s5, s14;
	v1 =	vadd.f32 v2, v1  }
0xb2: {  	s14 =	sadd.s32 $0xDB00, s10;
	v0 =	vadd.f32 v6, v0;
	v6 =	vld [tilespmem:s13+$0x0]  }
0xb3: {  	s13 =	sor.u32 s4, s14;
	v8 =	vld [tilespmem:s12+$0x0];
	s12 =	sor.u32 s5, s14;
	v1 =	vadd.f32 v4, v1  }
0xb4: {  	s14 =	sadd.s32 $0xDB80, s10;
	v2 =	vadd.f32 v7, v0;
	v7 =	vld [tilespmem:s13+$0x0]  }
.Ltmp2:
0xb5: {  	s13 =	sor.u32 s5, s14;
	v0 =	vld [tilespmem:s11+$0x0];
	v3 =	vadd.f32 v3, v1;
	s11 =	sor.u32 s4, s14;
	(pc) =	sbr.rel @p0 .LBB2_5-.Ltmp2, $4  }
0xb6: {  	s14 =	sadd.s32 $0xDC00, s10;
	v4 =	vadd.f32 v5, v2;
	v1 =	vld [tilespmem:s11+$0x0]  }
0xb7: {  	s11 =	sor.u32 s5, s14;
	s14 =	sor.u32 s4, s14;
	v2 =	vld [tilespmem:s12+$0x0];
	v5 =	vadd.f32 v6, v3  }
0xb8: {  	s12 =	sadd.s32 $0xDC80, s10;
	v6 =	vadd.f32 v8, v4;
	v3 =	vld [tilespmem:s14+$0x0]  }
0xb9: {  	s8 =	sadd.s32 $0x100, s8;
	s9 =	sadd.s32 $0x20, s9;
	v4 =	vld [tilespmem:s13+$0x0];
	v5 =	vadd.f32 v7, v5;
	s13 =	sor.u32 s4, s12  }
0xba: {  	v0 =	vadd.f32 v0, v6  }
0xbb: {  	v62 =	vld [tilespmem:s11+$0x0]  }
0xbc: {  	s5 =	sor.u32 s5, s12;
	v7 =	vld [tilespmem:s13+$0x0];
	v0 =	vadd.f32 v2, v0  }
0xbd: {  	v1 =	vadd.f32 v1, v5;
	v63 =	vld [tilespmem:s5+$0x0]  }
0xbe: {  	v0 =	vadd.f32 v4, v0  }
0xbf: {  	v1 =	vadd.f32 v3, v1  }
0xc0: {  	v0 =	vadd.f32 v62, v0  }
0xc1: {  	v1 =	vadd.f32 v7, v1  }
0xc2: {  	v0 =	vadd.f32 v63, v0  }
0xc3: {  	s3 =	sand.u32 $0x380, s3;
	v1 =	vadd.f32 $1.000000000e+00, v1  }
0xc4: {  	s3 =	sor.u32 s4, s3;
	v0 =	vadd.f32 $1.000000000e+00, v0  }
0xc5: {  	s28 =	sadd.s32 $0x20, s6;
	[tilespmem:s3+$0xED00] =	vst v1  }
0xc6: {  	s29 =	simm.s32 $0x0;
	s30 =	simm.s32 $0xED00;
	s31 =	simm.s32 $0x1;
	[tilespmem:s28+$0x0] =	vst v0  }
0xc7: {  	[hbm4b:s2+s29] =	stream.linear.scatter [tilespmem:s30], [sflag:$0x1], $0x280, $0x38;
	[tilespmem:$0x11780] =	vst v63  }
0xc8: {  	_ =	swait.ge [sflag:s31], $0x280  }
0xc9: {  	[sflag:s31] =	ssyncset.done $0x0  }
0xca: {  	[sflag:s31] =	ssyncadd.s32 $0xFFFFFD80  }
0xcb: {  	_ =	sfence.sel $0x180000  }
0xcc: {  	[bflag:$0x0] =	sbarrier.arrive $0xFFFF  }
0xcd: {  	p0 =	sne.s32 s0, $0x0;
	_ =	strace $0x90000047  }
0xce: {  	s0 =	sadd.s32 @!p0 $0x100000, s1;
	[bflag:$0x2] =	sbarrier.arrive $0xFFFF  }
0xcf: {  	[sflag:s0] =	ssyncadd.tile.s32 @!p0 $0x1;
	_ =	shalt  }
.Lfunc_end2:
_tile_overlayer_lowered:
.L_overlay_start_2:
0xd0: {  	(tag) =	ssettag $0x2  }
0xd1: {  	s0 =	rddreg [dreg:$0x0];
	s2 =	stileid.u32  }
0xd2: {  	s1 =	rddreg [dreg:$0x1];
	p0 =	sne.s32 s2, $0x0  }
0xd3: {  	s3 =	rddreg [dreg:$0x2];
	[bflag:$0x3] =	sbarrier.arrive $0xFFFF;
	s2 =	simm.s32 @!p0 $0x1C01  }
0xd4: {  	[timem:s3], [sflag:s2] =	dma.local @!p0 [hbm:s0], s1  }
0xd5: {  	s0 =	simm.s32 @!p0 $0x1  }
0xd6: {  	_ =	swait.ge @!p0 [sflag:s0], s1  }
0xd7: {  	s1 =	ssub.s32 @!p0 $0x0, s1;
	[sflag:s0] =	ssyncset.done @!p0 $0x0  }
0xd8: {  	[sflag:s0] =	ssyncadd.s32 @!p0 s1  }
0xd9: {  	[bflag:$0x3] =	sbarrier.arrive $0xFFFF  }
0xda: {  	_ =	shalt  }

// kernel: kernel.8.cloned.1.call-start
scs
__scs_entry_jumppad:
0x0: {  	(pc) =	sbr.rel $0x88, $3  }
0x1: {  	(tag) =	ssettag $0x0;
	lr =	simm.s32 $0x1  }
0x2: {  	[smem:$0x3F9B] =	sst lr;
	_ =	strace $0xD0000000  }
0x3: {  	_ = 	snop  }
0x4: {  	_ = 	snop  }
0x5: {  	_ = 	snop  }
0x6: {  	_ = 	snop  }
0x7: {  	_ = 	snop  }
__scs_overlays_trampoline_lowered:
0x8: {  	[smem:$0x3FAA] =	sst s0  }
0x9: {  	[smem:$0x3FAB] =	sst s1  }
0xa: {  	[smem:$0x3FAC] =	sst s2  }
0xb: {  	[smem:$0x3FAD] =	sst s3  }
0xc: {  	[smem:$0x3FAE] =	sst s4  }
0xd: {  	[smem:$0x3FAF] =	sst s5  }
0xe: {  	[smem:$0x3FB0] =	sst s6  }
0xf: {  	[smem:$0x3FB1] =	sst s7  }
0x10: {  	[smem:$0x3FB2] =	sst s8  }
0x11: {  	[smem:$0x3FB3] =	sst s9;
	s0 =	simm.s32 @!p0 $0x0  }
0x12: {  	s1 =	sld [smem:$0x3F99];
	s0 =	simm.s32 @p0 $0x1  }
0x13: {  	[smem:$0x3FB4] =	sst s0;
	s0 =	simm.s32 @!p1 $0x0  }
0x14: {  	s2 =	sld [smem:$0x3F98];
	s0 =	simm.s32 @p1 $0x1  }
0x15: {  	[smem:$0x3FB5] =	sst s0;
	s0 =	simm.s32 @!p2 $0x0  }
0x16: {  	s3 =	sld [smem:$0x3FDB];
	s0 =	simm.s32 @p2 $0x1  }
0x17: {  	s4 =	simm.s32 $0x1BF5;
	[smem:$0x3FB7] =	sst s0  }
0x18: {  	s0 =	sld [smem:$0x3F9A];
	_ =	swait.ge [sflag:s4], $0x0  }
0x19: {  	s7 =	sld [smem:$0x3F9B]  }
0x1a: {  	s8 =	sadd.s32 $0xFFFFE003, lr  }
0x1b: {  	s9 =	sadd.s32 $0xFFFFFEF7, lr;
	s5 =	simm.s32 $0xFFFFFFFF;
	p2 =	slt.u32 s8, $0xFFFFF086  }
0x1c: {  	p1 =	slt.u32 s9, $0xF7A;
	s5 =	simm.s32 @!p2 $0x0  }
0x1d: {  	s5 =	simm.s32 @p1 $0x1;
	p0 =	seq.s32 s7, s2  }
0x1e: {  	s7 =	smul.u32 @!p0 $0xF7A, s2;
	p2 =	seq.s32 @!p0 s5, $0x0  }
0x1f: {  	s9 =	smul.u32 $0xF7A, s1;
	s8 =	simm.s32 @!p0 $0x1BF5;
	p2 =	por !p2, p0  }
0x20: {  	[sflag:s8] =	ssyncset.s32 @!p0 $0xFFFFF086;
	s6 =	sadd.s32 @!p0 s3, s7;
	s7 =	simm.s32 @!p0 $0x108  }
0x21: {  	s3 =	sadd.s32 s3, s9;
	s6 =	sadd.s32 @!p0 $0x88, s6;
	s7 =	simm.s32 @p2 $0x1082  }
0x22: {  	[simem:s7], [sflag:s8] =	dma.local @!p0 [hbm:s6], $0xF7A  }
0x23: {  	s9 =	sor.u32 $0xD0000000, s2;
	s6 =	simm.s32 $0x108;
	_ =	swait.ge @!p0 [sflag:s8], $0x0  }
0x24: {  	s3 =	sadd.s32 $0x88, s3;
	s6 =	simm.s32 @!p1 $0x1082;
	[sflag:s4] =	ssyncset.s32 $0xFFFFF086  }
0x25: {  	[simem:s6], [sflag:s4] =	dma.local [hbm:s3], $0xF7A  }
0x26: {  	[smem:$0x3F9B] =	sst s1;
	(tag) =	ssettag s2;
	_ =	strace s9  }
0x27: {  	s1 =	sld [smem:$0x3FAB]  }
0x28: {  	s2 =	sld [smem:$0x3FAC]  }
0x29: {  	s4 =	sld [smem:$0x3FAE]  }
0x2a: {  	p0 =	seq.s32 s5, $0x0;
	s5 =	sld [smem:$0x3FAF]  }
0x2b: {  	s6 =	sld [smem:$0x3FB0]  }
0x2c: {  	s7 =	sld [smem:$0x3FB1]  }
0x2d: {  	s3 =	simm.s32 $0x108;
	s8 =	sld [smem:$0x3FB2]  }
0x2e: {  	s3 =	simm.s32 @!p0 $0x1082;
	s9 =	sld [smem:$0x3FB3]  }
0x2f: {  	lr =	sadd.s32 s0, s3;
	s0 =	sld [smem:$0x3FAA]  }
0x30: {  	s3 =	sld [smem:$0x3FAD]  }
0x31: {  	[smem:$0x3FB6] =	sst s10  }
0x32: {  	s10 =	sld [smem:$0x3FB4];
	_ =	sdelay $0x3  }
0x33: {  	p0 =	seq.s32 s10, $0x1;
	s10 =	sld [smem:$0x3FB6];
	_ =	sdelay $0x3  }
0x34: {  	[smem:$0x3FB6] =	sst s10  }
0x35: {  	s10 =	sld [smem:$0x3FB5];
	_ =	sdelay $0x3  }
0x36: {  	p1 =	seq.s32 s10, $0x1;
	s10 =	sld [smem:$0x3FB6];
	_ =	sdelay $0x3  }
0x37: {  	[smem:$0x3FB6] =	sst s10  }
0x38: {  	s10 =	sld [smem:$0x3FB7]  }
0x39: {  	_ = 	snop;
	(pc) =	sbr.ind lr, $3  }
0x3a: {  	_ = 	snop  }
0x3b: {  	_ = 	snop  }
0x3c: {  	p2 =	seq.s32 s10, $0x1;
	s10 =	sld [smem:$0x3FB6]  }
0x3d: {  	_ =	shalt  }
0x3e: {  	_ =	shalt  }
0x3f: {  	_ =	shalt  }
0x40: {  	_ =	shalt  }
0x41: {  	_ =	shalt  }
0x42: {  	_ =	shalt  }
0x43: {  	_ =	shalt  }
0x44: {  	_ =	shalt  }
0x45: {  	_ =	shalt  }
0x46: {  	_ =	shalt  }
0x47: {  	_ =	shalt  }
0x48: {  	_ =	shalt  }
0x49: {  	_ =	shalt  }
0x4a: {  	_ =	shalt  }
0x4b: {  	_ =	shalt  }
0x4c: {  	_ =	shalt  }
0x4d: {  	_ =	shalt  }
0x4e: {  	_ =	shalt  }
0x4f: {  	_ =	shalt  }
0x50: {  	_ =	shalt  }
0x51: {  	_ =	shalt  }
0x52: {  	_ =	shalt  }
0x53: {  	_ =	shalt  }
0x54: {  	_ =	shalt  }
0x55: {  	_ =	shalt  }
0x56: {  	_ =	shalt  }
0x57: {  	_ =	shalt  }
0x58: {  	_ =	shalt  }
0x59: {  	_ =	shalt  }
0x5a: {  	_ =	shalt  }
0x5b: {  	_ =	shalt  }
0x5c: {  	_ =	shalt  }
0x5d: {  	_ =	shalt  }
0x5e: {  	_ =	shalt  }
0x5f: {  	_ =	shalt  }
0x60: {  	_ =	shalt  }
0x61: {  	_ =	shalt  }
0x62: {  	_ =	shalt  }
0x63: {  	_ =	shalt  }
0x64: {  	_ =	shalt  }
0x65: {  	_ =	shalt  }
0x66: {  	_ =	shalt  }
0x67: {  	_ =	shalt  }
0x68: {  	_ =	shalt  }
0x69: {  	_ =	shalt  }
0x6a: {  	_ =	shalt  }
0x6b: {  	_ =	shalt  }
0x6c: {  	_ =	shalt  }
0x6d: {  	_ =	shalt  }
0x6e: {  	_ =	shalt  }
0x6f: {  	_ =	shalt  }
0x70: {  	_ =	shalt  }
0x71: {  	_ =	shalt  }
0x72: {  	_ =	shalt  }
0x73: {  	_ =	shalt  }
0x74: {  	_ =	shalt  }
0x75: {  	_ =	shalt  }
0x76: {  	_ =	shalt  }
0x77: {  	_ =	shalt  }
0x78: {  	_ =	shalt  }
0x79: {  	_ =	shalt  }
0x7a: {  	_ =	shalt  }
0x7b: {  	_ =	shalt  }
0x7c: {  	_ =	shalt  }
0x7d: {  	_ =	shalt  }
0x7e: {  	_ =	shalt  }
0x7f: {  	_ =	shalt  }
0x80: {  	_ =	shalt  }
0x81: {  	_ =	shalt  }
0x82: {  	_ =	shalt  }
0x83: {  	_ =	shalt  }
0x84: {  	_ =	shalt  }
0x85: {  	_ =	shalt  }
0x86: {  	_ =	shalt  }
0x87: {  	_ =	shalt  }
.Lfunc_end0:
.L_simem_size_0:
called_computation.1_lowered:
.L_overlay_start_0:
0x88: {  	s0 =	sld [smem:$0x3FD9]  }
0x89: {  	s1 =	sld [smem:$0x3FFE];
	_ =	sdelay $0x3  }
0x8a: {  	s0 =	sadd.s32 s1, s0  }
0x8b: {  	[smem:$0x3FC2] =	sst s0  }
0x8c: {  	_ = 	snop  }
0x8d: {  	s0 =	sld [smem:$0x3FC8];
	(tm) =	ssettm $0x1  }
0x8e: {  	s16 =	sld [smem:$0x3FFB];
	_ =	sdelay $0x3  }
0x8f: {  	_ =	strace s16  }
0x90: {  	s1 =	sld [smem:$0x3FFC];
	_ =	sdelay $0x3  }
0x91: {  	_ =	strace s1  }
0x92: {  	s1 =	sld [smem:$0x3FFD];
	_ =	sdelay $0x3  }
0x93: {  	_ =	strace s1  }
0x94: {  	_ =	strace $0x8FFFFFFF  }
0x95: {  	s17 =	sld [smem:$0x3FDB];
	_ =	sdelay $0x1  }
0x96: {  	s2 =	simm.s32 $_scs_section_size  }
0x97: {  	s3 =	simm.s32 $_size__tile_overlayer_lowered;
	s4 =	simm.s32 $_tile_overlayer_lowered  }
0x98: {  	s20 =	simm.s32 $0x1BFF;
	s19 =	sshll.u32 s4, $0x1;
	s1 =	sadd.s32 s2, s17  }
0x99: {  	s5 =	simm.s32 $0x0;
	s18 =	sshll.u32 s3, $0x1;
	s3 =	sadd.s32 s19, s1  }
0x9a: {  	[timem:s5], [sflag:s20] =	dma.local [hbm:s3], s18  }
0x9b: {  	_ =	swait.ge [sflag:s20], s18  }
0x9c: {  	s2 =	ssub.s32 $0x0, s18;
	[sflag:s20] =	ssyncset.done $0x0  }
0x9d: {  	[sflag:s20] =	ssyncadd.s32 s2;
	_ =	sdelay $0x1  }
0x9e: {  	s21 =	simm.s32 $0x1B8B  }
0x9f: {  	_ =	swait.ge [sflag:s21], $0x1  }
0xa0: {  	[sflag:s21] =	ssyncset.done $0x0  }
0xa1: {  	s23 =	simm.s32 $0x1B8E;
	s22 =	sld [smem:$0x3FFE];
	[sflag:s21] =	ssyncadd.s32 $0xFFFFFFFF  }
0xa2: {  	s24 =	simm.s32 $execute0_lowered;
	[smem:$0x3FD2] =	sst s23  }
0xa3: {  	s3 =	sshll.u32 s24, $0x1;
	_ =	strace $0x80000049;
	[dreg:$0x1] =	wrdreg $0xFFFFFFFF  }
0xa4: {  	s25 =	simm.s32 $_size_execute0_lowered;
	s1 =	sadd.s32 s1, s3;
	[dreg:$0x0] =	wrdreg $0x0  }
0xa5: {  	s3 =	sshll.u32 s25, $0x1;
	[dreg:$0x2] =	wrdreg s1  }
0xa6: {  	[dreg:$0x3] =	wrdreg s3  }
0xa7: {  	[dreg:$0x4] =	wrdreg $0xC0  }
0xa8: {  	_ =	task [dreg:s5], $0x5FFFF  }
0xa9: {  	[dreg:$0x1] =	wrdreg $0xFFFFFFFF  }
0xaa: {  	[dreg:$0x0] =	wrdreg $0x60  }
0xab: {  	[dreg:$0x2] =	wrdreg s0  }
0xac: {  	[dreg:$0x3] =	wrdreg s22  }
0xad: {  	[dreg:$0x4] =	wrdreg $0x172000  }
0xae: {  	[dreg:$0x5] =	wrdreg $0x16F800  }
0xaf: {  	[dreg:$0x6] =	wrdreg $0x147800  }
0xb0: {  	[dreg:$0x7] =	wrdreg $0x9  }
0xb1: {  	_ =	task.clear_ibuf [dreg:s5], $0x8FFFF;
	_ =	strace $0x90000049  }
0xb2: {  	s26 =	simm.s32 $0x9;
	_ =	strace $0x8000004B  }
0xb3: {  	_ =	swait.ge [sflag:s26], $0x1  }
0xb4: {  	[sflag:s26] =	ssyncadd.s32 $0xFFFFFFFF  }
0xb5: {  	_ =	strace $0x9000004B  }
0xb6: {  	_ =	sfence  }
0xb7: {  	s28 =	sld [smem:$0x0];
	_ =	sdelay $0x1  }
0xb8: {  	s29 =	srdreg.scid  }
0xb9: {  	s30 =	sshll.u32 s29, $0xD;
	s31 =	sshrl.u32 s29, $0x2  }
0xba: {  	s2 =	sand.u32 $0x4000, s30;
	s1 =	sand.u32 $0x1, s29;
	s0 =	sadd.s32 s31, s28  }
0xbb: {  	s1 =	sor.u32 s2, s1;
	s0 =	sshll.u32 s0, $0x11  }
0xbc: {  	s0 =	sor.u32 s0, s1  }
0xbd: {  	s0 =	sadd.s32 $0x8F2B, s0  }
0xbe: {  	[sflag:s0] =	ssyncadd.remote.s32 $0x1  }
0xbf: {  	_ =	sfence.sel $0xFFFF  }
0xc0: {  	[dreg:$0x0] =	wrdreg $0xFFFFFFFF;
	(pc) =	sbr.abs _section_cstart, $3  }
0xc1: {  	[dreg:$0x1] =	wrdreg $0xFFFFFFFF  }
0xc2: {  	_ =	task.clear_ibuf [dreg:s5], $0x2FFFF;
	_ =	strace $0x9FFFFFFF  }
0xc3: {  	(tm) =	ssettm $0x7FFFFFFF  }
tec
execute0_lowered:
.L_overlay_start_1:
0x0: {  	(tag) =	ssettag $0x1  }
0x1: {  	s5 =	rddreg [dreg:$0x0]  }
0x2: {  	s4 =	rddreg [dreg:$0x1]  }
0x3: {  	s7 =	rddreg [dreg:$0x2]  }
0x4: {  	s8 =	rddreg [dreg:$0x3];
	s1 =	stileid.u32  }
0x5: {  	s3 =	rddreg [dreg:$0x4];
	s6 =	simm.s32 $0x0;
	s2 =	smul.u32 $0x280, s1  }
0x6: {  	s12 =	simm.s32 $0x14700;
	s20 =	simm.s32 $0x9D00;
	[smem:$0x7FF] =	sst s6  }
0x7: {  	s10 =	sadd.s32 $0x1E00, s4;
	_ =	strace $0x8000004A;
	s11 =	sshrl.u32 s2, $0x3  }
0x8: {  	[tilespmem:s12], [sflag:$0x1] =	stream.linear.gather [hbm4b:s10+s6], $0x80, $0x38;
	[tilespmem:$0x17480] =	vst v63  }
0x9: {  	s9 =	sadd.s32 $0x1800, s4;
	p0 =	sgt.u32 s1, $0x3;
	s19 =	sadd.s32 s11, s4  }
0xa: {  	[tilespmem:s20], [sflag:$0x1] =	stream.linear.gather [hbm4b:s9+s6], $0x2800, $0x38;
	[tilespmem:$0x17480] =	vst v63  }
0xb: {  	s22 =	simm.s32 $0x14200;
	s12 =	smul.u32 @p0 $0x9C00, s1;
	s21 =	sadd.s32 $0x1200, s19  }
0xc: {  	[tilespmem:s22], [sflag:$0x1] =	stream.linear.gather [hbm4b:s21+s6], $0x280, $0x38;
	[tilespmem:$0x17480] =	vst v63  }
0xd: {  	s6 =	sshrl.u32 @p0 s12, $0x3  }
0xe: {  	s6 =	sadd.s32 @p0 s5, s6  }
0xf: {  	s9 =	simm.s32 @p0 $0x0;
	s6 =	sadd.s32 @p0 $0x80, s6  }
0x10: {  	[tilespmem:s9], [sflag:$0x2] =	stream.linear.gather @p0 [hbm4b:s6+s9], $0x9C00, $0x38;
	[tilespmem:$0x17480] =	vst v63  }
0x11: {  	s6 =	simm.s32 @p0 $0x2  }
0x12: {  	_ =	swait.ge @p0 [sflag:s6], $0x9C00  }
0x13: {  	[sflag:s6] =	ssyncset.done @p0 $0x0  }
0x14: {  	v0 =	vimm.s32 @p0 $0x27FF;
	[sflag:s6] =	ssyncadd.s32 @p0 $0xFFFF6400  }
0x15: {  	[tilespmem:$0x9C00] =	vst @p0 v0  }
0x16: {  	[tilespmem:$0x9C80] =	vst @p0 v0  }
0x17: {  	[tilespmem:$0x9C10] =	vst @p0 v0  }
0x18: {  	[tilespmem:$0x9C90] =	vst @p0 v0  }
0x19: {  	[tilespmem:$0x9C20] =	vst @p0 v0  }
0x1a: {  	[tilespmem:$0x9CA0] =	vst @p0 v0  }
0x1b: {  	[tilespmem:$0x9C30] =	vst @p0 v0  }
0x1c: {  	[tilespmem:$0x9CB0] =	vst @p0 v0  }
0x1d: {  	[tilespmem:$0x9C40] =	vst @p0 v0  }
0x1e: {  	[tilespmem:$0x9CC0] =	vst @p0 v0  }
0x1f: {  	[tilespmem:$0x9C50] =	vst @p0 v0  }
0x20: {  	[tilespmem:$0x9CD0] =	vst @p0 v0  }
0x21: {  	[tilespmem:$0x9C60] =	vst @p0 v0  }
0x22: {  	s6 =	smul.u32 @!p0 $0x13A0, s1;
	[tilespmem:$0x9CE0] =	vst @p0 v0  }
0x23: {  	[tilespmem:$0x9C70] =	vst @p0 v0  }
0x24: {  	[tilespmem:$0x9CF0] =	vst @p0 v0;
	s5 =	sadd.s32 @!p0 s5, s6;
	s6 =	simm.s32 @!p0 $0x0  }
0x25: {  	[tilespmem:s6], [sflag:$0x2] =	stream.linear.gather @!p0 [hbm4b:s5+s6], $0x9D00, $0x38;
	[tilespmem:$0x17480] =	vst v63  }
0x26: {  	s5 =	simm.s32 @!p0 $0x2  }
0x27: {  	_ =	swait.ge @!p0 [sflag:s5], $0x9D00  }
0x28: {  	[sflag:s5] =	ssyncset.done @!p0 $0x0  }
0x29: {  	v0 =	vimm.f32 $0.0e+00;
	[sflag:s5] =	ssyncadd.s32 @!p0 $0xFFFF6300  }
0x2a: {  	[tilespmem:$0x14480] =	vst v0  }
0x2b: {  	[tilespmem:$0x14490] =	vst v0  }
0x2c: {  	[tilespmem:$0x144A0] =	vst v0  }
0x2d: {  	[tilespmem:$0x144B0] =	vst v0  }
0x2e: {  	[tilespmem:$0x144C0] =	vst v0  }
0x2f: {  	[tilespmem:$0x144D0] =	vst v0  }
0x30: {  	[tilespmem:$0x144E0] =	vst v0  }
0x31: {  	[tilespmem:$0x144F0] =	vst v0  }
0x32: {  	[tilespmem:$0x14500] =	vst v0  }
0x33: {  	[tilespmem:$0x14510] =	vst v0  }
0x34: {  	[tilespmem:$0x14520] =	vst v0  }
0x35: {  	[tilespmem:$0x14530] =	vst v0  }
0x36: {  	[tilespmem:$0x14540] =	vst v0  }
0x37: {  	[tilespmem:$0x14550] =	vst v0  }
0x38: {  	[tilespmem:$0x14560] =	vst v0  }
0x39: {  	[tilespmem:$0x14570] =	vst v0  }
0x3a: {  	[tilespmem:$0x14580] =	vst v0  }
0x3b: {  	[tilespmem:$0x14590] =	vst v0  }
0x3c: {  	[tilespmem:$0x145A0] =	vst v0  }
0x3d: {  	[tilespmem:$0x145B0] =	vst v0  }
0x3e: {  	[tilespmem:$0x145C0] =	vst v0  }
0x3f: {  	[tilespmem:$0x145D0] =	vst v0  }
0x40: {  	[tilespmem:$0x145E0] =	vst v0  }
0x41: {  	[tilespmem:$0x145F0] =	vst v0  }
0x42: {  	[tilespmem:$0x14600] =	vst v0  }
0x43: {  	[tilespmem:$0x14610] =	vst v0  }
0x44: {  	[tilespmem:$0x14620] =	vst v0  }
0x45: {  	[tilespmem:$0x14630] =	vst v0  }
0x46: {  	[tilespmem:$0x14640] =	vst v0  }
0x47: {  	[tilespmem:$0x14650] =	vst v0  }
0x48: {  	[tilespmem:$0x14660] =	vst v0  }
0x49: {  	[tilespmem:$0x14670] =	vst v0  }
0x4a: {  	[tilespmem:$0x14680] =	vst v0  }
0x4b: {  	[tilespmem:$0x14690] =	vst v0  }
0x4c: {  	[tilespmem:$0x146A0] =	vst v0  }
0x4d: {  	[tilespmem:$0x146B0] =	vst v0  }
0x4e: {  	[tilespmem:$0x146C0] =	vst v0  }
0x4f: {  	[tilespmem:$0x146D0] =	vst v0  }
0x50: {  	[tilespmem:$0x146E0] =	vst v0  }
0x51: {  	s24 =	simm.s32 $0x14480;
	s25 =	simm.s32 $0x2;
	s23 =	sadd.s32 s2, s7;
	[tilespmem:$0x146F0] =	vst v0  }
0x52: {  	[spmem:s23] =	stream.linear.scatter [tilespmem:s24], [sflag:$0x2], $0x280, $0x38;
	[tilespmem:$0x17480] =	vst v63  }
0x53: {  	_ =	swait.ge [sflag:s25], $0x280  }
0x54: {  	[sflag:s25] =	ssyncset.done $0x0  }
0x55: {  	s11 =	simm.s32 $0xED40;
	[sflag:s25] =	ssyncadd.s32 $0xFFFFFD80  }
0x56: {  	[tilespmem:s11+$0xFFFFFFC0] =	vst v0  }
0x57: {  	[tilespmem:s11+$0x30] =	vst v0  }
0x58: {  	[tilespmem:s11+$0x20] =	vst v0  }
0x59: {  	s26 =	sshrl.u32 s1, $0x3;
	s28 =	smul.u32 $0x5000, s1;
	[tilespmem:s11+$0x10] =	vst v0  }
0x5a: {  	s29 =	sshll.u32 s1, $0x7;
	s5 =	smul.u32 $0x50000, s26;
	[tilespmem:s11+$0x0] =	vst v0  }
0x5b: {  	s31 =	sadd.s32 $0x24B0, s4;
	s30 =	sand.u32 $0x380, s29;
	s0 =	sadd.s32 $0x2000, s19;
	[tilespmem:s11+$0xFFFFFFF0] =	vst v0  }
0x5c: {  	s13 =	sshrl.u32 s28, $0x2;
	s5 =	sshrl.u32 s5, $0x2;
	[dreg:$0x6] =	wrdreg s0  }
0x5d: {  	s10 =	simm.s32 $0x0;
	s5 =	sadd.s32 s5, s3;
	[dreg:$0x7] =	wrdreg s31  }
0x5e: {  	s9 =	sadd.s32 s2, s8;
	s6 =	sadd.s32 s30, s5;
	s5 =	sadd.s32 s13, s3;
	[tilespmem:s11+$0xFFFFFFE0] =	vst v0  }
.LBB2_1:
0x5f: {  	s10 =	sadd.s32 $0x8, s10;
	[tilespmem:s11+$0xFFFFFFD0] =	vst v0;
	s11 =	sadd.s32 $0x80, s11  }
0x60: {  	[tilespmem:s11+$0xFFFFFFC0] =	vst v0;
	p0 =	slt.u32 s10, $0x278  }
0x61: {  	[tilespmem:s11+$0x30] =	vst v0  }
.Ltmp0:
0x62: {  	[tilespmem:s11+$0x20] =	vst v0;
	(pc) =	sbr.rel @p0 .LBB2_1-.Ltmp0, $4  }
0x63: {  	[tilespmem:s11+$0x10] =	vst v0  }
0x64: {  	[tilespmem:s11+$0x0] =	vst v0  }
0x65: {  	[tilespmem:s11+$0xFFFFFFF0] =	vst v0  }
0x66: {  	[tilespmem:s11+$0xFFFFFFE0] =	vst v0  }
0x67: {  	[tilespmem:s11+$0xFFFFFFD0] =	vst v0;
	s10 =	simm.s32 $0x1  }
0x68: {  	_ =	swait.ge [sflag:s10], $0x80  }
0x69: {  	[sflag:s10] =	ssyncset.done $0x0  }
0x6a: {  	[sflag:s10] =	ssyncadd.s32 $0xFFFFFF80  }
0x6b: {  	_ =	swait.ge [sflag:s10], $0x2800  }
0x6c: {  	[sflag:s10] =	ssyncset.done $0x0  }
0x6d: {  	[sflag:s10] =	ssyncadd.s32 $0xFFFFD800  }
0x6e: {  	_ =	swait.ge [sflag:s10], $0x280  }
0x6f: {  	[sflag:s10] =	ssyncset.done $0x0  }
0x70: {  	s16 =	simm.s32 $0x14210;
	[sflag:s10] =	ssyncadd.s32 $0xFFFFFD80  }
0x71: {  	v0 =	vld [tilespmem:s16+$0x0];
	_ =	sdelay $0x2  }
0x72: {  	v3 =	vld [tilespmem:s16+$0xFFFFFFF0];
	_ =	sdelay $0x1  }
0x73: {  	v1 =	vshra.s32 v0, $0x1;
	v2 =	vmul.f32 $5.000000000e-01, v0  }
0x74: {  	v1 =	vsub.s32 $0x5F3759DF, v1  }
0x75: {  	v4 =	vmul.f32 v1, v2  }
0x76: {  	v5 =	vshra.s32 v3, $0x1;
	v6 =	vmul.f32 $5.000000000e-01, v3  }
0x77: {  	v5 =	vsub.s32 $0x5F3759DF, v5;
	v4 =	vmul.f32 v1, v4  }
0x78: {  	v7 =	vmul.f32 v5, v6  }
0x79: {  	v4 =	vsub.f32 $1.500000000e+00, v4  }
0x7a: {  	s10 =	simm.s32 $0x14230;
	v7 =	vmul.f32 v5, v7  }
0x7b: {  	v9 =	vld [tilespmem:s10+$0xFFFFFFF0];
	v1 =	vmul.f32 v1, v4  }
0x7c: {  	v4 =	vsub.f32 $1.500000000e+00, v7;
	v7 =	vld [tilespmem:s10+$0x0]  }
0x7d: {  	v8 =	vmul.f32 v1, v2;
	_ =	sdelay $0x1  }
0x7e: {  	v4 =	vmul.f32 v5, v4;
	v5 =	vmul.f32 v8, v1  }
0x7f: {  	v12 =	vshra.s32 v9, $0x1  }
0x80: {  	v10 =	vshra.s32 v7, $0x1;
	v11 =	vmul.f32 $5.000000000e-01, v7;
	v5 =	vsub.f32 $1.500000000e+00, v5  }
0x81: {  	v13 =	vmul.f32 $5.000000000e-01, v9;
	v8 =	vmul.f32 v4, v6;
	v10 =	vsub.s32 $0x5F3759DF, v10  }
0x82: {  	v12 =	vsub.s32 $0x5F3759DF, v12;
	v14 =	vmul.f32 v10, v11;
	v5 =	vmul.f32 v5, v1  }
0x83: {  	v1 =	vmul.f32 v8, v4;
	v8 =	vmul.f32 v12, v13  }
0x84: {  	v14 =	vmul.f32 v10, v14;
	v2 =	vmul.f32 v5, v2  }
0x85: {  	v1 =	vsub.f32 $1.500000000e+00, v1;
	v8 =	vmul.f32 v12, v8  }
0x86: {  	v14 =	vsub.f32 $1.500000000e+00, v14;
	v2 =	vmul.f32 v2, v5  }
0x87: {  	v4 =	vmul.f32 v1, v4;
	v1 =	vsub.f32 $1.500000000e+00, v8  }
0x88: {  	s11 =	simm.s32 $0x14250;
	v8 =	vmul.f32 v10, v14;
	v10 =	vsub.f32 $1.500000000e+00, v2  }
0x89: {  	v6 =	vmul.f32 v4, v6;
	v2 =	vld [tilespmem:s11+$0x0];
	v12 =	vmul.f32 v12, v1  }
0x8a: {  	v1 =	vld [tilespmem:s11+$0xFFFFFFF0];
	v14 =	vmul.f32 v8, v11;
	v5 =	vmul.f32 v10, v5  }
0x8b: {  	v6 =	vmul.f32 v6, v4;
	v10 =	vmul.f32 v12, v13  }
0x8c: {  	v14 =	vmul.f32 v14, v8;
	v15 =	vmul.f32 v5, v5  }
0x8d: {  	v6 =	vsub.f32 $1.500000000e+00, v6;
	v10 =	vmul.f32 v10, v12;
	v0 =	vmul.f32 v5, v0  }
0x8e: {  	s12 =	simm.s32 $0x10;
	s17 =	simm.s32 $0x13F90;
	s18 =	sadd.s32 $0x10, s2;
	v16 =	vshra.s32 v2, $0x1;
	v17 =	vmul.f32 $5.000000000e-01, v2;
	v14 =	vsub.f32 $1.500000000e+00, v14  }
0x8f: {  	s12 =	sand.u32 $0x70, s12;
	s13 =	sand.u32 $0x7F80, s18;
	v18 =	vmul.f32 $5.000000000e-01, v1;
	[tilespmem:s17+$0x0] =	vst v15;
	v15 =	vshra.s32 v1, $0x1;
	v16 =	vsub.s32 $0x5F3759DF, v16  }
0x90: {  	s12 =	sor.u32 s12, s13;
	[tilespmem:s16+$0x0] =	vst v0;
	v15 =	vsub.s32 $0x5F3759DF, v15;
	v19 =	vmul.f32 v16, v17;
	v8 =	vmul.f32 v14, v8  }
0x91: {  	v10 =	vsub.f32 $1.500000000e+00, v10;
	v0 =	vmul.f32 v6, v4;
	v14 =	vld [tilespmem:s12+$0x9D00];
	v20 =	vmul.f32 v15, v18  }
0x92: {  	v4 =	vmul.f32 v16, v19;
	v6 =	vmul.f32 v8, v11  }
0x93: {  	v10 =	vmul.f32 v10, v12;
	v11 =	vmul.f32 v15, v20  }
0x94: {  	v4 =	vsub.f32 $1.500000000e+00, v4;
	v6 =	vmul.f32 v6, v8  }
0x95: {  	v12 =	vmul.f32 v0, v0;
	v13 =	vmul.f32 v10, v13;
	v11 =	vsub.f32 $1.500000000e+00, v11  }
0x96: {  	s12 =	simm.s32 $0x14270;
	v14 =	vmul.f32 v5, v14;
	v16 =	vmul.f32 v16, v4;
	v5 =	vsub.f32 $1.500000000e+00, v6  }
0x97: {  	v6 =	vmul.f32 v0, v3;
	v4 =	vld [tilespmem:s12+$0x0];
	v15 =	vmul.f32 v15, v11  }
0x98: {  	v3 =	vld [tilespmem:s12+$0xFFFFFFF0];
	v11 =	vmul.f32 v16, v17;
	v19 =	vmul.f32 v5, v8  }
0x99: {  	v5 =	vmul.f32 v13, v10;
	v8 =	vmul.f32 v15, v18  }
0x9a: {  	v11 =	vmul.f32 v11, v16;
	v13 =	vmul.f32 v19, v19  }
0x9b: {  	s14 =	simm.s32 $0x30;
	s20 =	sadd.s32 $0x30, s2;
	s15 =	simm.s32 $0x13FB0;
	v58 =	vsub.f32 $1.500000000e+00, v5;
	v21 =	vmul.f32 v8, v15;
	v8 =	vmul.f32 v19, v7  }
0x9c: {  	s25 =	sand.u32 $0x70, s14;
	s19 =	sand.u32 $0x7F80, s20;
	v22 =	vshra.s32 v4, $0x1;
	v5 =	vmul.f32 $5.000000000e-01, v4;
	v11 =	vsub.f32 $1.500000000e+00, v11;
	[tilespmem:s15+$0x0] =	vst v13  }
0x9d: {  	s19 =	sor.u32 s25, s19;
	v7 =	vmul.f32 $5.000000000e-01, v3;
	v13 =	vshra.s32 v3, $0x1;
	v22 =	vsub.s32 $0x5F3759DF, v22;
	[tilespmem:s10+$0x0] =	vst v8  }
0x9e: {  	s21 =	simm.s32 $0x0;
	s29 =	simm.s32 $0x20;
	s22 =	sadd.s32 $0xFFFFFFF0, s18;
	v13 =	vsub.s32 $0x5F3759DF, v13;
	v23 =	vmul.f32 v22, v5;
	v11 =	vmul.f32 v11, v16;
	v16 =	vld [tilespmem:s19+$0x9D00]  }
0x9f: {  	s26 =	sand.u32 $0x60, s21;
	p1 =	slt.u32 s18, $0x2710;
	s18 =	simm.s32 $0x6;
	v8 =	vmul.f32 v58, v10;
	v59 =	vsub.f32 $1.500000000e+00, v21;
	v10 =	vmul.f32 v13, v7  }
0xa0: {  	s30 =	sadd.s32 $0xFFFFFFF0, s20;
	p3 =	slt.u32 s20, $0x2710;
	s28 =	sand.u32 $0x7F80, s22;
	[tilespmem:s17+$0xFFFFFFF0] =	vst v12;
	v60 =	vmul.f32 v22, v23;
	v17 =	vmul.f32 v11, v17  }
0xa1: {  	s13 =	simm.s32 $0x13D10;
	p0 =	slt.u32 s22, $0x2710;
	v12 =	vpsel !p1, $0x0, v14;
	[tilespmem:s16+$0xFFFFFFF0] =	vst v6;
	s19 =	sor.u32 s26, s28;
	v14 =	vmul.f32 v13, v10;
	v10 =	vmul.f32 v59, v15  }
0xa2: {  	s31 =	sand.u32 $0x7F80, s30;
	p0 =	por p0, p0;
	s17 =	sand.u32 $0x60, s29;
	v63 =	vmul.f32 v8, v8;
	v6 =	vld [tilespmem:s19+$0x9D00];
	v61 =	vsub.f32 $1.500000000e+00, v60;
	v62 =	vmul.f32 v17, v11  }
0xa3: {  	p2 =	slt.u32 s30, $0x2710;
	s17 =	sor.u32 s17, s31;
	p1 =	por p0, p0;
	[tilespmem:s13+$0x0] =	vst v12;
	v17 =	vsub.f32 $1.500000000e+00, v14;
	v15 =	vmul.f32 v10, v18;
	v12 =	vmul.f32 v19, v16  }
0xa4: {  	p0 =	por p2, p2;
	s16 =	simm.s32 $0x13D10;
	s19 =	simm.s32 $0x14290;
	v9 =	vmul.f32 v8, v9;
	[tilespmem:s15+$0xFFFFFFF0] =	vst v63;
	v14 =	vmul.f32 v22, v61;
	v16 =	vsub.f32 $1.500000000e+00, v62  }
.LBB2_3:
0xa5: {  	v18 =	vld [tilespmem:s19+$0x0];
	v17 =	vmul.f32 v13, v17;
	v13 =	vmul.f32 v15, v10;
	v12 =	vpsel !p3, $0x0, v12;
	s13 =	sadd.s32 $0x20, s13;
	v19 =	vmovc v3  }
0xa6: {  	s18 =	sadd.s32 $0x2, s18;
	v3 =	vld [tilespmem:s19+$0xFFFFFFF0];
	v15 =	vmul.f32 v14, v5;
	v16 =	vmul.f32 v16, v11;
	[tilespmem:s13+$0x0] =	vst v12  }
0xa7: {  	p2 =	slt.u32 s18, $0x26;
	v11 =	vmul.f32 v17, v7;
	v12 =	vsub.f32 $1.500000000e+00, v13;
	[tilespmem:s10+$0xFFFFFFF0] =	vst v9;
	v9 =	vmul.f32 v0, v6;
	v0 =	vmovc v8;
	s10 =	smov.u32 s11;
	s11 =	smov.u32 s12  }
0xa8: {  	s14 =	sadd.s32 $0x20, s14;
	s12 =	smov.u32 s19;
	v8 =	vmul.f32 v15, v14;
	v13 =	vmul.f32 v16, v16;
	v6 =	vld [tilespmem:s17+$0x9D00]  }
0xa9: {  	s15 =	sadd.s32 $0x20, s15;
	s20 =	sadd.s32 s14, s2;
	s17 =	sadd.s32 $0xFFFFFFF0, s14;
	v15 =	vmul.f32 v11, v17;
	v11 =	vmul.f32 v16, v2;
	v9 =	vpsel !p1, $0x0, v9;
	v2 =	vmovc v4  }
0xaa: {  	s22 =	sand.u32 $0x70, s14;
	s21 =	sadd.s32 $0xFFFFFFF0, s20;
	s23 =	sand.u32 $0x7F80, s20;
	v20 =	vshra.s32 v18, $0x1;
	v21 =	vmul.f32 $5.000000000e-01, v18;
	v8 =	vsub.f32 $1.500000000e+00, v8;
	[tilespmem:s15+$0x0] =	vst v13;
	v4 =	vmovc v18  }
0xab: {  	s24 =	sand.u32 $0x7F80, s21;
	s22 =	sor.u32 s22, s23;
	s17 =	sand.u32 $0x60, s17;
	v13 =	vshra.s32 v3, $0x1;
	v18 =	vmul.f32 $5.000000000e-01, v3;
	v20 =	vsub.s32 $0x5F3759DF, v20;
	[tilespmem:s10+$0x0] =	vst v11  }
0xac: {  	p3 =	slt.u32 s21, $0x2710;
	s17 =	sor.u32 s17, s24;
	v13 =	vsub.s32 $0x5F3759DF, v13;
	v22 =	vmul.f32 v20, v21;
	v11 =	vmul.f32 v8, v14;
	v14 =	vld [tilespmem:s22+$0x9D00];
	[tilespmem:s16+$0xFFFFFFF0] =	vst v9;
	s16 =	smov.u32 s13  }
0xad: {  	p1 =	por p0, p0;
	p0 =	por p3, p3;
	v15 =	vsub.f32 $1.500000000e+00, v15;
	v8 =	vmul.f32 v12, v10;
	v9 =	vmul.f32 v13, v18  }
.Ltmp1:
0xae: {  	v12 =	vmul.f32 v20, v22;
	v22 =	vmul.f32 v11, v5;
	v5 =	vmov v21;
	(pc) =	sbr.rel @p2 .LBB2_3-.Ltmp1, $4  }
0xaf: {  	v10 =	vmul.f32 v15, v17;
	v9 =	vmul.f32 v13, v9  }
0xb0: {  	v23 =	vmul.f32 v8, v8;
	v21 =	vsub.f32 $1.500000000e+00, v12;
	v22 =	vmul.f32 v22, v11  }
0xb1: {  	v15 =	vmul.f32 v10, v7;
	v7 =	vmovc v18;
	v17 =	vsub.f32 $1.500000000e+00, v9;
	v12 =	vmul.f32 v16, v14  }
0xb2: {  	s19 =	sadd.s32 $0x20, s19;
	p3 =	slt.u32 s20, $0x2710;
	v9 =	vmul.f32 v8, v1;
	v1 =	vmovc v19;
	v14 =	vmul.f32 v20, v21;
	v16 =	vsub.f32 $1.500000000e+00, v22;
	[tilespmem:s15+$0xFFFFFFF0] =	vst v23  }
0xb3: {  	_ = 	snop  }
0xb4: {  	v13 =	vmul.f32 v13, v17;
	v42 =	vmul.f32 v14, v5;
	_ =	sdelay $0x1  }
0xb5: {  	v18 =	vmul.f32 v13, v7;
	v17 =	vmul.f32 v42, v14;
	_ =	sdelay $0x1  }
0xb6: {  	v18 =	vmul.f32 v18, v13;
	v17 =	vsub.f32 $1.500000000e+00, v17;
	_ =	sdelay $0x1  }
0xb7: {  	v44 =	vsub.f32 $1.500000000e+00, v18;
	v43 =	vmul.f32 v17, v14  }
0xb8: {  	v15 =	vmul.f32 v15, v10  }
0xb9: {  	v13 =	vmul.f32 v44, v13;
	v45 =	vmul.f32 v43, v5  }
0xba: {  	v11 =	vmul.f32 v16, v11  }
0xbb: {  	v15 =	vsub.f32 $1.500000000e+00, v15;
	v46 =	vmul.f32 v13, v7;
	v5 =	vmul.f32 v45, v43  }
0xbc: {  	v16 =	vmul.f32 v11, v11  }
0xbd: {  	v47 =	vmul.f32 v15, v10;
	v7 =	vmul.f32 v46, v13;
	v5 =	vsub.f32 $1.500000000e+00, v5  }
0xbe: {  	s30 =	sadd.s32 $0x20, s14;
	s31 =	sadd.s32 $0x20, s15;
	[tilespmem:s10+$0xFFFFFFF0] =	vst v9;
	v2 =	vmul.f32 v11, v2  }
0xbf: {  	s0 =	sadd.s32 s30, s2;
	[tilespmem:s31+$0x0] =	vst v16;
	v48 =	vmul.f32 v47, v47;
	v7 =	vsub.f32 $1.500000000e+00, v7;
	v5 =	vmul.f32 v5, v43  }
0xc0: {  	s18 =	sadd.s32 $0xFFFFFFF0, s30;
	s20 =	sand.u32 $0x70, s30;
	s10 =	sadd.s32 $0x20, s30;
	[tilespmem:s11+$0x0] =	vst v2;
	v1 =	vmul.f32 v47, v1  }
0xc1: {  	s14 =	sadd.s32 $0x20, s31;
	s19 =	sadd.s32 $0xFFFFFFF0, s0;
	s21 =	sand.u32 $0x7F80, s0;
	[tilespmem:s31+$0xFFFFFFF0] =	vst v48;
	v7 =	vmul.f32 v7, v13;
	v49 =	vmul.f32 v5, v5  }
0xc2: {  	s18 =	sand.u32 $0x60, s18;
	s3 =	sadd.s32 s10, s2;
	s4 =	sand.u32 $0x7F80, s19;
	[tilespmem:s11+$0xFFFFFFF0] =	vst v1;
	v50 =	vmul.f32 v5, v4  }
0xc3: {  	s23 =	sand.u32 $0x70, s10;
	v53 =	vld [tilespmem:s17+$0x9D00];
	s10 =	sadd.s32 $0xFFFFFFF0, s10;
	s18 =	sor.u32 s18, s4;
	v52 =	vmul.f32 v7, v7;
	[tilespmem:s14+$0x0] =	vst v49  }
0xc4: {  	s20 =	sor.u32 s20, s21;
	s22 =	sand.u32 $0x7F80, s3;
	s25 =	sadd.s32 $0xFFFFFFF0, s3;
	v56 =	vld [tilespmem:s18+$0x9D00];
	v54 =	vmul.f32 v7, v3;
	[tilespmem:s12+$0x0] =	vst v50  }
0xc5: {  	s10 =	sand.u32 $0x60, s10;
	s24 =	sor.u32 s23, s22;
	s26 =	sand.u32 $0x7F80, s25;
	v51 =	vld [tilespmem:s20+$0x9D00];
	[tilespmem:s14+$0xFFFFFFF0] =	vst v52  }
0xc6: {  	s10 =	sor.u32 s10, s26;
	v55 =	vld [tilespmem:s24+$0x9D00];
	[tilespmem:s12+$0xFFFFFFF0] =	vst v54  }
0xc7: {  	v0 =	vmul.f32 v0, v6;
	v1 =	vld [tilespmem:s10+$0x9D00]  }
0xc8: {  	v57 =	vpsel !p3, $0x0, v12;
	s28 =	sadd.s32 $0x20, s13;
	p2 =	slt.u32 s19, $0x2710;
	v58 =	vmul.f32 v8, v53  }
0xc9: {  	p0 =	por p0, p0;
	[tilespmem:s28+$0x0] =	vst v57;
	v0 =	vpsel !p1, $0x0, v0;
	p4 =	por p2, p2;
	v2 =	vmul.f32 v47, v56  }
0xca: {  	[tilespmem:s16+$0xFFFFFFF0] =	vst v0;
	p1 =	por p4, p4;
	v60 =	vpsel !p0, $0x0, v58;
	v4 =	vmul.f32 v11, v51  }
0xcb: {  	s29 =	sadd.s32 $0x20, s28;
	p3 =	slt.u32 s0, $0x2710;
	p5 =	slt.u32 s25, $0x2710;
	[tilespmem:s28+$0xFFFFFFF0] =	vst v60;
	v62 =	vpsel !p1, $0x0, v2;
	v3 =	vmul.f32 v5, v55  }
0xcc: {  	p6 =	slt.u32 s3, $0x2710;
	p0 =	por p5, p5;
	[tilespmem:s29+$0xFFFFFFF0] =	vst v62;
	v59 =	vpsel !p3, $0x0, v4;
	v1 =	vmul.f32 v7, v1  }
0xcd: {  	s30 =	sadd.s32 $0x20, s29;
	p0 =	por p0, p0;
	[tilespmem:s29+$0x0] =	vst v59;
	v61 =	vpsel !p6, $0x0, v3  }
0xce: {  	[tilespmem:s30+$0x0] =	vst v61;
	v63 =	vpsel !p0, $0x0, v1  }
0xcf: {  	s31 =	simm.s32 $0x13D00;
	s10 =	simm.s32 $0x2;
	[tilespmem:s30+$0xFFFFFFF0] =	vst v63  }
0xd0: {  	[spmem:s9] =	stream.linear.scatter [tilespmem:s31], [sflag:$0x2], $0x280, $0x38;
	[tilespmem:$0x17480] =	vst v63  }
0xd1: {  	_ =	swait.ge [sflag:s10], $0x280  }
0xd2: {  	[sflag:s10] =	ssyncset.done $0x0  }
0xd3: {  	s13 =	simm.s32 $0xED00;
	s15 =	simm.s32 $0x400;
	[sflag:s10] =	ssyncadd.s32 $0xFFFFFD80  }
0xd4: {  	s17 =	simm.s32 $0x14000;
	s11 =	simm.s32 $0xC500;
	[bflag:$0x0] =	sbarrier.arrive $0xFFFF  }
0xd5: {  	[tilespmem:s11], [sflag:$0x2] =	stream.linear.gather [spmem:s8], $0x2800, $0x38;
	[tilespmem:$0x17480] =	vst v63  }
0xd6: {  	s16 =	simm.s32 $0x1400;
	s19 =	simm.s32 $0x14480;
	_ =	swait.ge [sflag:s10], $0x2800  }
0xd7: {  	s20 =	simm.s32 $0x1;
	s18 =	simm.s32 $0x11500;
	[sflag:s10] =	ssyncset.done $0x0  }
0xd8: {  	s14 =	simm.s32 $0x80;
	s12 =	simm.s32 $0x0;
	[sflag:s10] =	ssyncadd.s32 $0xFFFFD800  }
.LBB2_5:
0xd9: {  	s21 =	simm.s32 $0x100  }
0xda: {  	v0 =	vld [tilespmem:s21+$0xFFFFFFE0]  }
0xdb: {  	v1 =	vld [tilespmem:s21+$0xFFFFFFD0]  }
0xdc: {  	v2 =	vld [tilespmem:s21+$0xFFFFFFB0]  }
0xdd: {  	v3 =	vld [tilespmem:s21+$0xFFFFFF90]  }
0xde: {  	v4 =	vld [tilespmem:s21+$0xFFFFFFF0]  }
0xdf: {  	v5 =	vld [tilespmem:s21+$0xFFFFFFA0]  }
0xe0: {  	v6 =	vld [tilespmem:s21+$0xFFFFFF50]  }
0xe1: {  	v7 =	vld [tilespmem:s21+$0x80]  }
0xe2: {  	v14 =	vld [tilespmem:s21+$0x90]  }
0xe3: {  	v15 =	vld [tilespmem:s21+$0xFFFFFFC0]  }
0xe4: {  	v13 =	vld [tilespmem:s21+$0xC0]  }
0xe5: {  	v11 =	vld [tilespmem:s21+$0xB0]  }
0xe6: {  	v8 =	vld [tilespmem:s21+$0x40]  }
0xe7: {  	v9 =	vld [tilespmem:s21+$0x50]  }
0xe8: {  	v10 =	vld [tilespmem:s21+$0xF0]  }
0xe9: {  	v12 =	vld [tilespmem:s21+$0xFFFFFF80]  }
0xea: {  	v16 =	vld [tilespmem:s21+$0xFFFFFF00]  }
0xeb: {  	v17 =	vld [tilespmem:s21+$0x70]  }
0xec: {  	v18 =	vld [tilespmem:s21+$0xA0]  }
0xed: {  	v19 =	vld [tilespmem:s21+$0xE0]  }
0xee: {  	v20 =	vld [tilespmem:s21+$0xFFFFFF40]  }
0xef: {  	v21 =	vld [tilespmem:s21+$0xFFFFFF30]  }
0xf0: {  	v22 =	vld [tilespmem:s21+$0xFFFFFF20]  }
0xf1: {  	v23 =	vld [tilespmem:s21+$0xFFFFFF10]  }
0xf2: {  	v24 =	vld [tilespmem:s21+$0xD0]  }
0xf3: {  	v26 =	vld [tilespmem:s21+$0x60]  }
0xf4: {  	v25 =	vld [tilespmem:s21+$0xFFFFFF60]  }
0xf5: {  	v62 =	vld [tilespmem:s21+$0x10]  }
0xf6: {  	v63 =	vld [tilespmem:s21+$0x0]  }
0xf7: {  	v27 =	vld [tilespmem:s21+$0xFFFFFF70]  }
0xf8: {  	v16 =	vld.idx.msk [tilespmem:v16+s11+$0x0], $0xffff  }
0xf9: {  	v17 =	vld.idx.msk [tilespmem:v17+s11+$0x0], $0xffff  }
0xfa: {  	v20 =	vld.idx.msk [tilespmem:v20+s11+$0x0], $0xffff  }
0xfb: {  	v26 =	vld.idx.msk [tilespmem:v26+s11+$0x0], $0xffff  }
0xfc: {  	v28 =	vld.idx.msk [tilespmem:v9+s11+$0x0], $0xffff  }
0xfd: {  	v29 =	vld.idx.msk [tilespmem:v8+s11+$0x0], $0xffff  }
0xfe: {  	[tilespmem:v12+s13+$0x0] =	vst.idx.add.f32.msk $0xffff, v16  }
0xff: {  	[tilespmem:v10+s13+$0x0] =	vst.idx.add.f32.msk $0xffff, v17  }
0x100: {  	v10 =	vld [tilespmem:s21+$0x30]  }
0x101: {  	v12 =	vld [tilespmem:s21+$0x20]  }
0x102: {  	v9 =	vld.idx.msk [tilespmem:v63+s11+$0x0], $0xffff  }
0x103: {  	v8 =	vld.idx.msk [tilespmem:v25+s11+$0x0], $0xffff  }
0x104: {  	v16 =	vld.idx.msk [tilespmem:v62+s11+$0x0], $0xffff  }
0x105: {  	[tilespmem:v19+s13+$0x0] =	vst.idx.add.f32.msk $0xffff, v26  }
0x106: {  	[tilespmem:v24+s13+$0x0] =	vst.idx.add.f32.msk $0xffff, v28  }
0x107: {  	[tilespmem:v13+s13+$0x0] =	vst.idx.add.f32.msk $0xffff, v29  }
0x108: {  	v30 =	vld.idx.msk [tilespmem:v10+s11+$0x0], $0xffff  }
0x109: {  	v10 =	vld.idx.msk [tilespmem:v12+s11+$0x0], $0xffff  }
0x10a: {  	v13 =	vld.idx.msk [tilespmem:v23+s11+$0x0], $0xffff  }
0x10b: {  	[tilespmem:v15+s13+$0x0] =	vst.idx.add.f32.msk $0xffff, v20  }
0x10c: {  	[tilespmem:v14+s13+$0x0] =	vst.idx.add.f32.msk $0xffff, v16  }
0x10d: {  	v12 =	vld.idx.msk [tilespmem:v22+s11+$0x0], $0xffff  }
0x10e: {  	[tilespmem:v18+s13+$0x0] =	vst.idx.add.f32.msk $0xffff, v10  }
0x10f: {  	v10 =	vld.idx.msk [tilespmem:v27+s11+$0x0], $0xffff  }
0x110: {  	[tilespmem:v11+s13+$0x0] =	vst.idx.add.f32.msk $0xffff, v30  }
0x111: {  	s23 =	simm.s32 $0x0;
	v11 =	vld.idx.msk [tilespmem:v21+s11+$0x0], $0xffff  }
.LBB2_6:
0x112: {  	s23 =	sadd.s32 $0x10, s23;
	[tilespmem:v7+s13+$0x0] =	vst.idx.add.f32.msk $0xffff, v9;
	s21 =	sadd.s32 $0x200, s21;
	s22 =	simm.s32 $0x9C00  }
0x113: {  	p0 =	slt.u32 s23, $0x4D0;
	v6 =	vld.idx.msk [tilespmem:v6+s11+$0x0], $0xffff  }
0x114: {  	[tilespmem:v5+s13+$0x0] =	vst.idx.add.f32.msk $0xffff, v12  }
0x115: {  	[tilespmem:v4+s13+$0x0] =	vst.idx.add.f32.msk $0xffff, v10  }
0x116: {  	[tilespmem:v3+s13+$0x0] =	vst.idx.add.f32.msk $0xffff, v13  }
0x117: {  	[tilespmem:v2+s13+$0x0] =	vst.idx.add.f32.msk $0xffff, v11  }
0x118: {  	[tilespmem:v0+s13+$0x0] =	vst.idx.add.f32.msk $0xffff, v8  }
0x119: {  	[tilespmem:v1+s13+$0x0] =	vst.idx.add.f32.msk $0xffff, v6  }
0x11a: {  	v0 =	vld [tilespmem:s21+$0xFFFFFFE0]  }
0x11b: {  	v1 =	vld [tilespmem:s21+$0xFFFFFFD0]  }
0x11c: {  	v2 =	vld [tilespmem:s21+$0xFFFFFFB0]  }
0x11d: {  	v3 =	vld [tilespmem:s21+$0xFFFFFF90]  }
0x11e: {  	v4 =	vld [tilespmem:s21+$0xFFFFFFF0]  }
0x11f: {  	v5 =	vld [tilespmem:s21+$0xFFFFFFA0]  }
0x120: {  	v6 =	vld [tilespmem:s21+$0xFFFFFF50]  }
0x121: {  	v7 =	vld [tilespmem:s21+$0x80]  }
0x122: {  	v14 =	vld [tilespmem:s21+$0x90]  }
0x123: {  	v15 =	vld [tilespmem:s21+$0xFFFFFFC0]  }
0x124: {  	v13 =	vld [tilespmem:s21+$0xC0]  }
0x125: {  	v11 =	vld [tilespmem:s21+$0xB0]  }
0x126: {  	v8 =	vld [tilespmem:s21+$0x40]  }
0x127: {  	v9 =	vld [tilespmem:s21+$0x50]  }
0x128: {  	v10 =	vld [tilespmem:s21+$0xF0]  }
0x129: {  	v12 =	vld [tilespmem:s21+$0xFFFFFF80]  }
0x12a: {  	v16 =	vld [tilespmem:s21+$0xFFFFFF00]  }
0x12b: {  	v17 =	vld [tilespmem:s21+$0x70]  }
0x12c: {  	v18 =	vld [tilespmem:s21+$0xA0]  }
0x12d: {  	v19 =	vld [tilespmem:s21+$0xE0]  }
0x12e: {  	v20 =	vld [tilespmem:s21+$0xFFFFFF40]  }
0x12f: {  	v21 =	vld [tilespmem:s21+$0xFFFFFF30]  }
0x130: {  	v22 =	vld [tilespmem:s21+$0xFFFFFF20]  }
0x131: {  	v23 =	vld [tilespmem:s21+$0xFFFFFF10]  }
0x132: {  	v16 =	vld.idx.msk [tilespmem:v16+s11+$0x0], $0xffff  }
0x133: {  	v17 =	vld.idx.msk [tilespmem:v17+s11+$0x0], $0xffff  }
0x134: {  	v24 =	vld [tilespmem:s21+$0xD0]  }
0x135: {  	v25 =	vld [tilespmem:s21+$0xFFFFFF60]  }
0x136: {  	v20 =	vld.idx.msk [tilespmem:v20+s11+$0x0], $0xffff  }
0x137: {  	v26 =	vld [tilespmem:s21+$0x60]  }
0x138: {  	[tilespmem:v12+s13+$0x0] =	vst.idx.add.f32.msk $0xffff, v16  }
0x139: {  	[tilespmem:v10+s13+$0x0] =	vst.idx.add.f32.msk $0xffff, v17  }
0x13a: {  	v10 =	vld [tilespmem:s21+$0x30]  }
0x13b: {  	v12 =	vld [tilespmem:s21+$0x20]  }
0x13c: {  	v16 =	vld [tilespmem:s21+$0x10]  }
0x13d: {  	v17 =	vld [tilespmem:s21+$0x0]  }
0x13e: {  	v27 =	vld [tilespmem:s21+$0xFFFFFF70]  }
0x13f: {  	v26 =	vld.idx.msk [tilespmem:v26+s11+$0x0], $0xffff  }
0x140: {  	v28 =	vld.idx.msk [tilespmem:v9+s11+$0x0], $0xffff  }
0x141: {  	v29 =	vld.idx.msk [tilespmem:v8+s11+$0x0], $0xffff  }
0x142: {  	v30 =	vld.idx.msk [tilespmem:v10+s11+$0x0], $0xffff  }
0x143: {  	v10 =	vld.idx.msk [tilespmem:v12+s11+$0x0], $0xffff  }
0x144: {  	v16 =	vld.idx.msk [tilespmem:v16+s11+$0x0], $0xffff  }
0x145: {  	[tilespmem:v19+s13+$0x0] =	vst.idx.add.f32.msk $0xffff, v26  }
0x146: {  	v9 =	vld.idx.msk [tilespmem:v17+s11+$0x0], $0xffff  }
0x147: {  	[tilespmem:v24+s13+$0x0] =	vst.idx.add.f32.msk $0xffff, v28  }
0x148: {  	v8 =	vld.idx.msk [tilespmem:v25+s11+$0x0], $0xffff  }
0x149: {  	[tilespmem:v18+s13+$0x0] =	vst.idx.add.f32.msk $0xffff, v10  }
0x14a: {  	v10 =	vld.idx.msk [tilespmem:v27+s11+$0x0], $0xffff  }
0x14b: {  	[tilespmem:v11+s13+$0x0] =	vst.idx.add.f32.msk $0xffff, v30  }
0x14c: {  	v11 =	vld.idx.msk [tilespmem:v21+s11+$0x0], $0xffff  }
.Ltmp2:
0x14d: {  	v12 =	vld.idx.msk [tilespmem:v22+s11+$0x0], $0xffff;
	(pc) =	sbr.rel @p0 .LBB2_6-.Ltmp2, $4  }
0x14e: {  	[tilespmem:v13+s13+$0x0] =	vst.idx.add.f32.msk $0xffff, v29  }
0x14f: {  	v13 =	vld.idx.msk [tilespmem:v23+s11+$0x0], $0xffff  }
0x150: {  	[tilespmem:v15+s13+$0x0] =	vst.idx.add.f32.msk $0xffff, v20  }
0x151: {  	s24 =	simm.s32 $0x80;
	s25 =	simm.s32 $0x0;
	[tilespmem:v14+s13+$0x0] =	vst.idx.add.f32.msk $0xffff, v16  }
0x152: {  	_ =	sdelay $0x3  }
0x153: {  	[tilespmem:v7+s13+$0x0] =	vst.idx.add.f32.msk $0xffff, v9  }
0x154: {  	v6 =	vld.idx.msk [tilespmem:v6+s11+$0x0], $0xffff  }
0x155: {  	[tilespmem:v5+s13+$0x0] =	vst.idx.add.f32.msk $0xffff, v12  }
0x156: {  	[tilespmem:v4+s13+$0x0] =	vst.idx.add.f32.msk $0xffff, v10  }
0x157: {  	[tilespmem:v2+s13+$0x0] =	vst.idx.add.f32.msk $0xffff, v11  }
0x158: {  	[tilespmem:v0+s13+$0x0] =	vst.idx.add.f32.msk $0xffff, v8  }
0x159: {  	[tilespmem:v3+s13+$0x0] =	vst.idx.add.f32.msk $0xffff, v13  }
0x15a: {  	[tilespmem:v1+s13+$0x0] =	vst.idx.add.f32.msk $0xffff, v6  }
.LBB2_8:
0x15b: {  	s21 =	sand.u32 $0x3FFFFF00, s22  }
0x15c: {  	s23 =	sadd.s32 s21, s25  }
0x15d: {  	v0 =	vld [tilespmem:s23+$0x0];
	_ =	sdelay $0x3  }
0x15e: {  	s21 =	sadd.s32 s21, s24  }
0x15f: {  	v1 =	vld [tilespmem:s21+$0x0];
	_ =	sdelay $0x2  }
0x160: {  	p0 =	sne.s32 s22, $0x9CE0;
	v0 =	vld.idx.msk [tilespmem:v0+s11+$0x0], $0xffff  }
.Ltmp3:
0x161: {  	_ = 	snop;
	(pc) =	sbr.rel @p0 .LBB2_8-.Ltmp3, $2  }
0x162: {  	_ =	sdelay $0x2  }
0x163: {  	s22 =	sadd.s32 $0x20, s22;
	s24 =	sadd.s32 $0x10, s24;
	s25 =	sadd.s32 $0x10, s25;
	[tilespmem:v1+s13+$0x0] =	vst.idx.add.f32.msk $0xffff, v0  }
0x164: {  	[spmem:s6] =	stream.strided.scatter [tilespmem:s13], [sflag:$0x2], $0x2800, s15, s14, $0x38;
	[tilespmem:$0x17480] =	vst v63  }
0x165: {  	_ =	swait.ge [sflag:s10], $0x2800  }
0x166: {  	[sflag:s10] =	ssyncset.done $0x0  }
0x167: {  	[sflag:s10] =	ssyncadd.s32 $0xFFFFD800  }
0x168: {  	s21 =	simm.s32 $0x0;
	[bflag:$0x0] =	sbarrier.arrive $0xFFFF  }
0x169: {  	[tilespmem:s18], [sflag:$0x2] =	stream.strided.gather [spmem:s5], $0x2800, s17, s16, $0x38;
	[tilespmem:$0x17480] =	vst v63  }
0x16a: {  	s23 =	simm.s32 $0x10;
	s22 =	sand.u32 $0x1C00, s21;
	_ =	swait.ge [sflag:s10], $0x2800  }
0x16b: {  	s23 =	sand.u32 $0x70, s23;
	s24 =	sadd.s32 $0x11500, s22;
	[sflag:s10] =	ssyncset.done $0x0  }
0x16c: {  	s25 =	sor.u32 s23, s24;
	[sflag:s10] =	ssyncadd.s32 $0xFFFFD800  }
0x16d: {  	[tilespmem:s13], [sflag:$0x1] =	stream.linear.gather [spmem:s7], $0x2800, $0x38;
	[tilespmem:$0x17480] =	vst v63  }
0x16e: {  	s21 =	sand.u32 $0x60, s21;
	v0 =	vld [tilespmem:s25+$0x0]  }
0x16f: {  	s24 =	sor.u32 s21, s24;
	v1 =	vld [tilespmem:s25+$0x80]  }
0x170: {  	v2 =	vld [tilespmem:s24+$0x0]  }
0x171: {  	v3 =	vld [tilespmem:s25+$0x100]  }
0x172: {  	v4 =	vld [tilespmem:s24+$0x80]  }
0x173: {  	v5 =	vld [tilespmem:s25+$0x180]  }
0x174: {  	v6 =	vld [tilespmem:s24+$0x100]  }
0x175: {  	v7 =	vld [tilespmem:s25+$0x200]  }
0x176: {  	v8 =	vld [tilespmem:s24+$0x180]  }
0x177: {  	v9 =	vld [tilespmem:s25+$0x280]  }
0x178: {  	v10 =	vld [tilespmem:s24+$0x200]  }
0x179: {  	v11 =	vld [tilespmem:s25+$0x300]  }
0x17a: {  	v12 =	vld [tilespmem:s24+$0x280]  }
0x17b: {  	s26 =	sadd.s32 $0x12900, s22;
	v13 =	vld [tilespmem:s25+$0x380]  }
0x17c: {  	s30 =	sor.u32 s23, s26;
	v14 =	vld [tilespmem:s24+$0x300]  }
0x17d: {  	s28 =	sadd.s32 $0x12980, s22;
	v15 =	vld [tilespmem:s30+$0x0]  }
0x17e: {  	s0 =	sor.u32 s23, s28;
	v16 =	vld [tilespmem:s24+$0x380]  }
0x17f: {  	s3 =	sor.u32 s21, s26;
	v17 =	vld [tilespmem:s0+$0x0]  }
0x180: {  	s29 =	sor.u32 s21, s28;
	v18 =	vld [tilespmem:s3+$0x0]  }
0x181: {  	s4 =	sadd.s32 $0x12A00, s22;
	s28 =	simm.s32 $0x13F90;
	v20 =	vld [tilespmem:s29+$0x0]  }
0x182: {  	s25 =	sor.u32 s23, s4;
	v30 =	vld [tilespmem:s28+$0x0]  }
0x183: {  	s30 =	sadd.s32 $0x12A80, s22;
	s3 =	sor.u32 s21, s4;
	v19 =	vld [tilespmem:s25+$0x0]  }
0x184: {  	s4 =	sadd.s32 $0x12B00, s22;
	s0 =	sor.u32 s23, s30;
	v22 =	vld [tilespmem:s3+$0x0]  }
0x185: {  	s29 =	sor.u32 s23, s4;
	v21 =	vld [tilespmem:s0+$0x0]  }
0x186: {  	s30 =	sor.u32 s21, s30;
	v23 =	vld [tilespmem:s29+$0x0]  }
0x187: {  	s26 =	sadd.s32 $0x12C00, s22;
	s4 =	sor.u32 s21, s4;
	v24 =	vld [tilespmem:s30+$0x0]  }
0x188: {  	s0 =	sadd.s32 $0x12B80, s22;
	v26 =	vld [tilespmem:s4+$0x0];
	s29 =	sor.u32 s23, s26  }
0x189: {  	s3 =	sor.u32 s23, s0;
	v27 =	vld [tilespmem:s29+$0x0]  }
0x18a: {  	s22 =	sadd.s32 $0x12C80, s22;
	s30 =	sor.u32 s21, s0;
	v25 =	vld [tilespmem:s3+$0x0]  }
0x18b: {  	s4 =	sor.u32 s23, s22;
	v28 =	vld [tilespmem:s30+$0x0]  }
0x18c: {  	s29 =	sor.u32 s21, s26;
	v29 =	vld [tilespmem:s4+$0x0]  }
0x18d: {  	s0 =	sadd.s32 $0x0, s2;
	s22 =	sor.u32 s21, s22;
	v32 =	vld [tilespmem:s29+$0x0]  }
0x18e: {  	s3 =	sand.u32 $0x7F80, s0;
	s30 =	simm.s32 $0x13D10;
	v33 =	vld [tilespmem:s22+$0x0]  }
0x18f: {  	s24 =	sadd.s32 $0xC500, s3;
	v0 =	vadd.f32 v1, v0;
	v1 =	vld [tilespmem:s30+$0x0]  }
0x190: {  	s0 =	simm.s32 $0x100;
	v2 =	vadd.f32 v4, v2;
	v4 =	vld [tilespmem:s28+$0xFFFFFFF0];
	s23 =	sor.u32 s23, s24  }
0x191: {  	s22 =	sand.u32 $0x1C00, s0;
	s3 =	simm.s32 $0x30;
	s21 =	sor.u32 s21, s24;
	v31 =	vld [tilespmem:s23+$0x0];
	v0 =	vadd.f32 v3, v0  }
0x192: {  	s4 =	sadd.s32 $0x11500, s22;
	v3 =	vld [tilespmem:s21+$0x0];
	s21 =	sand.u32 $0x70, s3  }
0x193: {  	v2 =	vadd.f32 v6, v2;
	s29 =	sor.u32 s21, s4;
	v0 =	vadd.f32 v5, v0;
	v5 =	vld [tilespmem:s30+$0xFFFFFFF0]  }
0x194: {  	v6 =	vld [tilespmem:s29+$0x0]  }
0x195: {  	s25 =	simm.s32 $0x20;
	v2 =	vadd.f32 v8, v2;
	v0 =	vadd.f32 v7, v0;
	v7 =	vld [tilespmem:s29+$0x80]  }
0x196: {  	s25 =	sand.u32 $0x60, s25;
	v42 =	vld [tilespmem:s29+$0x100]  }
0x197: {  	s30 =	sor.u32 s25, s4;
	v44 =	vld [tilespmem:s29+$0x180];
	v2 =	vadd.f32 v10, v2;
	v0 =	vadd.f32 v9, v0  }
0x198: {  	v8 =	vld [tilespmem:s30+$0x0]  }
0x199: {  	v43 =	vld [tilespmem:s30+$0x80];
	v2 =	vadd.f32 v12, v2;
	v0 =	vadd.f32 v11, v0  }
0x19a: {  	v45 =	vld [tilespmem:s29+$0x200];
	v6 =	vadd.f32 v7, v6  }
0x19b: {  	v2 =	vadd.f32 v14, v2;
	v7 =	vld [tilespmem:s30+$0x100];
	v0 =	vadd.f32 v13, v0  }
0x19c: {  	v47 =	vld [tilespmem:s29+$0x280];
	v6 =	vadd.f32 v42, v6  }
0x19d: {  	v46 =	vld [tilespmem:s30+$0x180];
	v2 =	vadd.f32 v16, v2;
	v0 =	vadd.f32 v15, v0  }
0x19e: {  	v49 =	vld [tilespmem:s29+$0x300];
	v8 =	vadd.f32 v43, v8;
	v6 =	vadd.f32 v44, v6  }
0x19f: {  	v48 =	vld [tilespmem:s30+$0x200];
	v2 =	vadd.f32 v18, v2;
	v0 =	vadd.f32 v17, v0  }
0x1a0: {  	s0 =	sadd.s32 $0x12900, s22;
	v50 =	vld [tilespmem:s29+$0x380];
	v7 =	vadd.f32 v7, v8;
	v6 =	vadd.f32 v45, v6  }
0x1a1: {  	s3 =	sor.u32 s21, s0;
	v8 =	vld [tilespmem:s30+$0x280];
	v2 =	vadd.f32 v20, v2;
	v0 =	vadd.f32 v19, v0  }
0x1a2: {  	v52 =	vld [tilespmem:s3+$0x0];
	v7 =	vadd.f32 v46, v7;
	v6 =	vadd.f32 v47, v6  }
0x1a3: {  	s4 =	sadd.s32 $0x12980, s22;
	v51 =	vld [tilespmem:s30+$0x300];
	v2 =	vadd.f32 v22, v2;
	v0 =	vadd.f32 v21, v0  }
0x1a4: {  	v53 =	vld [tilespmem:s30+$0x380];
	s29 =	sor.u32 s21, s4;
	s30 =	sadd.s32 $0x12A00, s22;
	v7 =	vadd.f32 v48, v7;
	v6 =	vadd.f32 v49, v6  }
0x1a5: {  	s24 =	sor.u32 s25, s0;
	v54 =	vld [tilespmem:s29+$0x0];
	s0 =	sor.u32 s21, s30;
	v2 =	vadd.f32 v24, v2;
	v0 =	vadd.f32 v23, v0  }
0x1a6: {  	v55 =	vld [tilespmem:s0+$0x0];
	v7 =	vadd.f32 v8, v7;
	v6 =	vadd.f32 v50, v6  }
0x1a7: {  	s3 =	sor.u32 s25, s4;
	s4 =	sadd.s32 $0x12A80, s22;
	v8 =	vld [tilespmem:s24+$0x0];
	v2 =	vadd.f32 v26, v2;
	v0 =	vadd.f32 v25, v0  }
0x1a8: {  	v56 =	vld [tilespmem:s3+$0x0];
	s24 =	sor.u32 s21, s4;
	v7 =	vadd.f32 v51, v7;
	v6 =	vadd.f32 v52, v6  }
0x1a9: {  	s29 =	sor.u32 s25, s30;
	s30 =	sadd.s32 $0x12B00, s22;
	v57 =	vld [tilespmem:s24+$0x0];
	v2 =	vadd.f32 v28, v2;
	v0 =	vadd.f32 v27, v0  }
0x1aa: {  	s3 =	sor.u32 s25, s4;
	v58 =	vld [tilespmem:s29+$0x0];
	s0 =	sor.u32 s21, s30;
	s4 =	sadd.s32 $0x12B80, s22;
	v7 =	vadd.f32 v53, v7;
	v6 =	vadd.f32 v54, v6  }
0x1ab: {  	v59 =	vld [tilespmem:s0+$0x0];
	s24 =	sor.u32 s21, s4;
	v2 =	vadd.f32 v32, v2;
	v0 =	vadd.f32 v29, v0  }
0x1ac: {  	v61 =	vld [tilespmem:s24+$0x0];
	v7 =	vadd.f32 v8, v7;
	v6 =	vadd.f32 v55, v6  }
0x1ad: {  	v60 =	vmul.f32 $8.999999760e-01, v30;
	s26 =	sadd.s32 $0x12C00, s22;
	s29 =	sor.u32 s25, s30;
	v8 =	vld [tilespmem:s3+$0x0];
	v2 =	vadd.f32 v33, v2;
	v0 =	vadd.f32 v31, v0  }
0x1ae: {  	s30 =	sor.u32 s21, s26;
	v62 =	vld [tilespmem:s29+$0x0];
	s3 =	sadd.s32 $0x12C80, s22;
	v7 =	vadd.f32 v56, v7;
	v6 =	vadd.f32 v57, v6  }
0x1af: {  	s0 =	sor.u32 s25, s4;
	s4 =	sadd.s32 $0x20, s2;
	s24 =	sor.u32 s21, s3;
	v2 =	vadd.f32 v3, v2;
	v3 =	vld [tilespmem:s30+$0x0];
	v12 =	vmul.f32 v60, v0;
	v0 =	vmul.f32 $8.999999760e-01, v4  }
0x1b0: {  	v1 =	vmul.f32 $1.000000010e-01, v1;
	s22 =	sand.u32 $0x7F80, s4;
	v63 =	vld [tilespmem:s24+$0x0];
	v4 =	vadd.f32 v58, v7;
	v6 =	vadd.f32 v59, v6  }
0x1b1: {  	v5 =	vmul.f32 $1.000000010e-01, v5;
	s29 =	sadd.s32 $0xC500, s22;
	s22 =	simm.s32 $0x13FB0;
	v7 =	vld [tilespmem:s0+$0x0];
	v2 =	vmul.f32 v0, v2  }
0x1b2: {  	s21 =	sor.u32 s21, s29;
	v4 =	vadd.f32 v8, v4;
	v0 =	vld [tilespmem:s22+$0x0];
	v6 =	vadd.f32 v61, v6  }
0x1b3: {  	s26 =	sor.u32 s25, s26;
	v8 =	vadd.f32 v1, v12;
	v1 =	vld [tilespmem:s21+$0x0];
	v5 =	vadd.f32 v5, v2  }
0x1b4: {  	s23 =	simm.s32 $0x13D30;
	s21 =	simm.s32 $0x14490;
	v4 =	vadd.f32 v62, v4;
	v6 =	vadd.f32 v3, v6;
	v3 =	vld [tilespmem:s26+$0x0]  }
0x1b5: {  	s24 =	simm.s32 $0x2;
	s30 =	sor.u32 s25, s3;
	[tilespmem:s21+$0x0] =	vst v8;
	v2 =	vld [tilespmem:s23+$0x0]  }
0x1b6: {  	s31 =	sor.u32 s25, s29;
	s25 =	simm.s32 $0x200;
	s26 =	simm.s32 $0x40;
	[tilespmem:s21+$0xFFFFFFF0] =	vst v5;
	v5 =	vadd.f32 v7, v4;
	v4 =	vld [tilespmem:s30+$0x0];
	v6 =	vadd.f32 v63, v6  }
.LBB2_10:
0x1b7: {  	s28 =	sand.u32 $0x60, s26;
	s30 =	sand.u32 $0x1C00, s25;
	s29 =	sadd.s32 $0x10, s26;
	v7 =	vld [tilespmem:s31+$0x0]  }
0x1b8: {  	s24 =	sadd.s32 $0x2, s24;
	v0 =	vmul.f32 $8.999999760e-01, v0;
	s0 =	sadd.s32 $0x11500, s30;
	s29 =	sand.u32 $0x70, s29;
	v8 =	vld [tilespmem:s22+$0xFFFFFFF0];
	v1 =	vadd.f32 v1, v6  }
0x1b9: {  	p0 =	slt.u32 s24, $0x26;
	s31 =	sor.u32 s28, s0;
	s0 =	sor.u32 s29, s0;
	v3 =	vadd.f32 v3, v5;
	v5 =	vld [tilespmem:s23+$0xFFFFFFF0]  }
0x1ba: {  	v6 =	vld [tilespmem:s0+$0x0];
	v0 =	vmul.f32 v0, v1;
	v1 =	vmul.f32 $1.000000010e-01, v2  }
0x1bb: {  	v2 =	vld [tilespmem:s0+$0x80];
	v3 =	vadd.f32 v4, v3  }
0x1bc: {  	v4 =	vld [tilespmem:s31+$0x0];
	v0 =	vadd.f32 v1, v0  }
0x1bd: {  	s21 =	sadd.s32 $0x20, s21;
	v1 =	vld [tilespmem:s0+$0x100];
	v8 =	vmul.f32 $8.999999760e-01, v8;
	v3 =	vadd.f32 v7, v3  }
0x1be: {  	v7 =	vld [tilespmem:s31+$0x80];
	v5 =	vmul.f32 $1.000000010e-01, v5;
	[tilespmem:s21+$0x0] =	vst v0  }
0x1bf: {  	v0 =	vld [tilespmem:s0+$0x180];
	v3 =	vmul.f32 v8, v3  }
0x1c0: {  	v8 =	vld [tilespmem:s31+$0x100];
	v2 =	vadd.f32 v2, v6  }
0x1c1: {  	v6 =	vld [tilespmem:s0+$0x200];
	v3 =	vadd.f32 v5, v3  }
0x1c2: {  	v5 =	vld [tilespmem:s31+$0x180];
	v1 =	vadd.f32 v1, v2  }
0x1c3: {  	v2 =	vadd.f32 v7, v4;
	v4 =	vld [tilespmem:s0+$0x280];
	[tilespmem:s21+$0xFFFFFFF0] =	vst v3  }
0x1c4: {  	v3 =	vld [tilespmem:s31+$0x200];
	v0 =	vadd.f32 v0, v1  }
0x1c5: {  	v1 =	vadd.f32 v8, v2;
	v2 =	vld [tilespmem:s0+$0x300]  }
0x1c6: {  	v7 =	vld [tilespmem:s31+$0x280];
	v0 =	vadd.f32 v6, v0  }
0x1c7: {  	s3 =	sadd.s32 $0x12900, s30;
	v1 =	vadd.f32 v5, v1;
	v5 =	vld [tilespmem:s0+$0x380]  }
0x1c8: {  	s0 =	sor.u32 s28, s3;
	s3 =	sor.u32 s29, s3;
	v6 =	vld [tilespmem:s31+$0x300];
	v0 =	vadd.f32 v4, v0  }
0x1c9: {  	s4 =	sadd.s32 $0x12980, s30;
	v1 =	vadd.f32 v3, v1;
	v3 =	vld [tilespmem:s3+$0x0]  }
0x1ca: {  	s3 =	sor.u32 s28, s4;
	s4 =	sor.u32 s29, s4;
	v4 =	vld [tilespmem:s31+$0x380];
	v0 =	vadd.f32 v2, v0  }
0x1cb: {  	s31 =	sadd.s32 $0x12A00, s30;
	v1 =	vadd.f32 v7, v1;
	v2 =	vld [tilespmem:s4+$0x0]  }
0x1cc: {  	s4 =	sor.u32 s29, s31;
	v7 =	vld [tilespmem:s0+$0x0];
	s0 =	sor.u32 s28, s31;
	v0 =	vadd.f32 v5, v0  }
0x1cd: {  	s31 =	sadd.s32 $0x12A80, s30;
	v1 =	vadd.f32 v6, v1;
	v5 =	vld [tilespmem:s4+$0x0]  }
0x1ce: {  	s4 =	sor.u32 s29, s31;
	v6 =	vld [tilespmem:s3+$0x0];
	s3 =	sor.u32 s28, s31;
	v0 =	vadd.f32 v3, v0  }
0x1cf: {  	s31 =	sadd.s32 $0x12B00, s30;
	v1 =	vadd.f32 v4, v1;
	v3 =	vld [tilespmem:s4+$0x0]  }
0x1d0: {  	s4 =	sor.u32 s29, s31;
	v4 =	vld [tilespmem:s0+$0x0];
	s0 =	sor.u32 s28, s31;
	v0 =	vadd.f32 v2, v0  }
0x1d1: {  	s31 =	sadd.s32 $0x12B80, s30;
	v1 =	vadd.f32 v7, v1;
	v2 =	vld [tilespmem:s4+$0x0]  }
0x1d2: {  	s4 =	sor.u32 s29, s31;
	v7 =	vld [tilespmem:s3+$0x0];
	s3 =	sor.u32 s28, s31;
	v0 =	vadd.f32 v5, v0  }
0x1d3: {  	s31 =	sadd.s32 $0x12C00, s30;
	v1 =	vadd.f32 v6, v1;
	v5 =	vld [tilespmem:s4+$0x0]  }
0x1d4: {  	s4 =	sor.u32 s29, s31;
	v6 =	vld [tilespmem:s0+$0x0];
	s0 =	sor.u32 s28, s31;
	v0 =	vadd.f32 v3, v0  }
0x1d5: {  	s30 =	sadd.s32 $0x12C80, s30;
	s31 =	sadd.s32 s26, s2;
	v1 =	vadd.f32 v4, v1;
	v4 =	vld [tilespmem:s4+$0x0]  }
0x1d6: {  	s4 =	sand.u32 $0x7F80, s31;
	v8 =	vld [tilespmem:s3+$0x0];
	s3 =	sor.u32 s28, s30;
	v0 =	vadd.f32 v2, v0;
	s30 =	sor.u32 s29, s30  }
0x1d7: {  	s22 =	sadd.s32 $0x20, s22;
	s4 =	sadd.s32 $0xC500, s4;
	v1 =	vadd.f32 v7, v1;
	v7 =	vld [tilespmem:s30+$0x0]  }
.Ltmp4:
0x1d8: {  	s31 =	sor.u32 s28, s4;
	s4 =	sor.u32 s29, s4;
	v2 =	vadd.f32 v5, v0;
	v0 =	vld [tilespmem:s22+$0x0];
	(pc) =	sbr.rel @p0 .LBB2_10-.Ltmp4, $4  }
0x1d9: {  	v5 =	vadd.f32 v6, v1;
	v1 =	vld [tilespmem:s4+$0x0]  }
0x1da: {  	s23 =	sadd.s32 $0x20, s23;
	v3 =	vld [tilespmem:s0+$0x0];
	v6 =	vadd.f32 v4, v2  }
0x1db: {  	v5 =	vadd.f32 v8, v5;
	v2 =	vld [tilespmem:s23+$0x0]  }
0x1dc: {  	s25 =	sadd.s32 $0x100, s25;
	s26 =	sadd.s32 $0x20, s26;
	v4 =	vld [tilespmem:s3+$0x0];
	v6 =	vadd.f32 v7, v6  }
0x1dd: {  	v7 =	vld [tilespmem:s31+$0x0]  }
0x1de: {  	v8 =	vld [tilespmem:s22+$0xFFFFFFF0]  }
0x1df: {  	v3 =	vadd.f32 v3, v5  }
0x1e0: {  	v59 =	vld [tilespmem:s23+$0xFFFFFFF0]  }
0x1e1: {  	v3 =	vadd.f32 v4, v3  }
0x1e2: {  	v0 =	vmul.f32 $8.999999760e-01, v0;
	v1 =	vadd.f32 v1, v6  }
0x1e3: {  	v60 =	vmul.f32 $8.999999760e-01, v8;
	v3 =	vadd.f32 v7, v3  }
0x1e4: {  	v0 =	vmul.f32 v0, v1;
	v61 =	vmul.f32 $1.000000010e-01, v2  }
0x1e5: {  	v62 =	vmul.f32 $1.000000010e-01, v59;
	v3 =	vmul.f32 v60, v3  }
0x1e6: {  	v0 =	vadd.f32 v61, v0  }
0x1e7: {  	s0 =	sadd.s32 $0x20, s21;
	v63 =	vadd.f32 v62, v3  }
0x1e8: {  	[tilespmem:s0+$0x0] =	vst v0  }
0x1e9: {  	[tilespmem:s0+$0xFFFFFFF0] =	vst v63  }
0x1ea: {  	[spmem:s9] =	stream.linear.scatter [tilespmem:s19], [sflag:$0x2], $0x280, $0x38;
	[tilespmem:$0x17480] =	vst v63  }
0x1eb: {  	_ =	swait.ge [sflag:s10], $0x280  }
0x1ec: {  	[sflag:s10] =	ssyncset.done $0x0  }
0x1ed: {  	[sflag:s10] =	ssyncadd.s32 $0xFFFFFD80  }
0x1ee: {  	s12 =	sadd.s32 $0x1, s12;
	[bflag:$0x0] =	sbarrier.arrive $0xFFFF  }
0x1ef: {  	[tilespmem:s11], [sflag:$0x2] =	stream.linear.gather [spmem:s8], $0x2800, $0x38;
	[tilespmem:$0x17480] =	vst v63  }
0x1f0: {  	p0 =	sne.s32 s12, $0x9;
	_ =	swait.ge [sflag:s10], $0x2800  }
.Ltmp5:
0x1f1: {  	[sflag:s10] =	ssyncset.done $0x0;
	(pc) =	sbr.rel @p0 .LBB2_5-.Ltmp5, $4  }
0x1f2: {  	[sflag:s10] =	ssyncadd.s32 $0xFFFFD800  }
0x1f3: {  	_ =	swait.ge [sflag:s20], $0x2800  }
0x1f4: {  	[sflag:s20] =	ssyncset.done $0x0  }
0x1f5: {  	[sflag:s20] =	ssyncadd.s32 $0xFFFFD800  }
0x1f6: {  	s7 =	simm.s32 $0x100  }
0x1f7: {  	v1 =	vld [tilespmem:s7+$0xFFFFFFE0]  }
0x1f8: {  	v0 =	vld [tilespmem:s7+$0xFFFFFFD0]  }
0x1f9: {  	v2 =	vld [tilespmem:s7+$0xFFFFFFB0]  }
0x1fa: {  	v3 =	vld [tilespmem:s7+$0xFFFFFF90]  }
0x1fb: {  	v4 =	vld [tilespmem:s7+$0xFFFFFFF0]  }
0x1fc: {  	v5 =	vld [tilespmem:s7+$0xFFFFFFA0]  }
0x1fd: {  	v6 =	vld [tilespmem:s7+$0xFFFFFF50]  }
0x1fe: {  	v7 =	vld [tilespmem:s7+$0x80]  }
0x1ff: {  	v14 =	vld [tilespmem:s7+$0x90]  }
0x200: {  	v15 =	vld [tilespmem:s7+$0xFFFFFFC0]  }
0x201: {  	v13 =	vld [tilespmem:s7+$0xC0]  }
0x202: {  	v11 =	vld [tilespmem:s7+$0xB0]  }
0x203: {  	v8 =	vld [tilespmem:s7+$0x40]  }
0x204: {  	v9 =	vld [tilespmem:s7+$0x50]  }
0x205: {  	v10 =	vld [tilespmem:s7+$0xF0]  }
0x206: {  	v12 =	vld [tilespmem:s7+$0xFFFFFF80]  }
0x207: {  	v16 =	vld [tilespmem:s7+$0xFFFFFF00]  }
0x208: {  	v17 =	vld [tilespmem:s7+$0x70]  }
0x209: {  	v18 =	vld [tilespmem:s7+$0xA0]  }
0x20a: {  	v19 =	vld [tilespmem:s7+$0xE0]  }
0x20b: {  	v20 =	vld [tilespmem:s7+$0xFFFFFF40]  }
0x20c: {  	v21 =	vld [tilespmem:s7+$0xFFFFFF30]  }
0x20d: {  	v22 =	vld [tilespmem:s7+$0xFFFFFF20]  }
0x20e: {  	v23 =	vld [tilespmem:s7+$0xFFFFFF10]  }
0x20f: {  	v24 =	vld [tilespmem:s7+$0xD0]  }
0x210: {  	v26 =	vld [tilespmem:s7+$0x60]  }
0x211: {  	v25 =	vld [tilespmem:s7+$0xFFFFFF60]  }
0x212: {  	v62 =	vld [tilespmem:s7+$0x10]  }
0x213: {  	v63 =	vld [tilespmem:s7+$0x0]  }
0x214: {  	s9 =	simm.s32 $0xC500;
	v27 =	vld [tilespmem:s7+$0xFFFFFF70]  }
0x215: {  	v16 =	vld.idx.msk [tilespmem:v16+s9+$0x0], $0xffff  }
0x216: {  	v17 =	vld.idx.msk [tilespmem:v17+s9+$0x0], $0xffff  }
0x217: {  	v20 =	vld.idx.msk [tilespmem:v20+s9+$0x0], $0xffff  }
0x218: {  	v26 =	vld.idx.msk [tilespmem:v26+s9+$0x0], $0xffff  }
0x219: {  	v28 =	vld.idx.msk [tilespmem:v9+s9+$0x0], $0xffff  }
0x21a: {  	s8 =	simm.s32 $0xED00;
	v29 =	vld.idx.msk [tilespmem:v8+s9+$0x0], $0xffff  }
0x21b: {  	[tilespmem:v12+s8+$0x0] =	vst.idx.add.f32.msk $0xffff, v16  }
0x21c: {  	[tilespmem:v10+s8+$0x0] =	vst.idx.add.f32.msk $0xffff, v17  }
0x21d: {  	v10 =	vld [tilespmem:s7+$0x30]  }
0x21e: {  	v12 =	vld [tilespmem:s7+$0x20]  }
0x21f: {  	v9 =	vld.idx.msk [tilespmem:v63+s9+$0x0], $0xffff  }
0x220: {  	v8 =	vld.idx.msk [tilespmem:v25+s9+$0x0], $0xffff  }
0x221: {  	v16 =	vld.idx.msk [tilespmem:v62+s9+$0x0], $0xffff  }
0x222: {  	[tilespmem:v19+s8+$0x0] =	vst.idx.add.f32.msk $0xffff, v26  }
0x223: {  	[tilespmem:v24+s8+$0x0] =	vst.idx.add.f32.msk $0xffff, v28  }
0x224: {  	[tilespmem:v13+s8+$0x0] =	vst.idx.add.f32.msk $0xffff, v29  }
0x225: {  	v30 =	vld.idx.msk [tilespmem:v10+s9+$0x0], $0xffff  }
0x226: {  	v10 =	vld.idx.msk [tilespmem:v12+s9+$0x0], $0xffff  }
0x227: {  	v13 =	vld.idx.msk [tilespmem:v23+s9+$0x0], $0xffff  }
0x228: {  	[tilespmem:v15+s8+$0x0] =	vst.idx.add.f32.msk $0xffff, v20  }
0x229: {  	[tilespmem:v14+s8+$0x0] =	vst.idx.add.f32.msk $0xffff, v16  }
0x22a: {  	v12 =	vld.idx.msk [tilespmem:v22+s9+$0x0], $0xffff  }
0x22b: {  	[tilespmem:v18+s8+$0x0] =	vst.idx.add.f32.msk $0xffff, v10  }
0x22c: {  	v10 =	vld.idx.msk [tilespmem:v27+s9+$0x0], $0xffff  }
0x22d: {  	[tilespmem:v11+s8+$0x0] =	vst.idx.add.f32.msk $0xffff, v30  }
0x22e: {  	s10 =	simm.s32 $0x0;
	v11 =	vld.idx.msk [tilespmem:v21+s9+$0x0], $0xffff  }
.LBB2_13:
0x22f: {  	s10 =	sadd.s32 $0x10, s10;
	[tilespmem:v7+s8+$0x0] =	vst.idx.add.f32.msk $0xffff, v9;
	s7 =	sadd.s32 $0x200, s7  }
0x230: {  	p0 =	slt.u32 s10, $0x4D0;
	v6 =	vld.idx.msk [tilespmem:v6+s9+$0x0], $0xffff  }
0x231: {  	[tilespmem:v5+s8+$0x0] =	vst.idx.add.f32.msk $0xffff, v12  }
0x232: {  	[tilespmem:v4+s8+$0x0] =	vst.idx.add.f32.msk $0xffff, v10  }
0x233: {  	[tilespmem:v3+s8+$0x0] =	vst.idx.add.f32.msk $0xffff, v13  }
0x234: {  	[tilespmem:v2+s8+$0x0] =	vst.idx.add.f32.msk $0xffff, v11  }
0x235: {  	[tilespmem:v1+s8+$0x0] =	vst.idx.add.f32.msk $0xffff, v8  }
0x236: {  	[tilespmem:v0+s8+$0x0] =	vst.idx.add.f32.msk $0xffff, v6  }
0x237: {  	v1 =	vld [tilespmem:s7+$0xFFFFFFE0]  }
0x238: {  	v0 =	vld [tilespmem:s7+$0xFFFFFFD0]  }
0x239: {  	v2 =	vld [tilespmem:s7+$0xFFFFFFB0]  }
0x23a: {  	v3 =	vld [tilespmem:s7+$0xFFFFFF90]  }
0x23b: {  	v4 =	vld [tilespmem:s7+$0xFFFFFFF0]  }
0x23c: {  	v5 =	vld [tilespmem:s7+$0xFFFFFFA0]  }
0x23d: {  	v6 =	vld [tilespmem:s7+$0xFFFFFF50]  }
0x23e: {  	v7 =	vld [tilespmem:s7+$0x80]  }
0x23f: {  	v14 =	vld [tilespmem:s7+$0x90]  }
0x240: {  	v15 =	vld [tilespmem:s7+$0xFFFFFFC0]  }
0x241: {  	v13 =	vld [tilespmem:s7+$0xC0]  }
0x242: {  	v11 =	vld [tilespmem:s7+$0xB0]  }
0x243: {  	v8 =	vld [tilespmem:s7+$0x40]  }
0x244: {  	v9 =	vld [tilespmem:s7+$0x50]  }
0x245: {  	v10 =	vld [tilespmem:s7+$0xF0]  }
0x246: {  	v12 =	vld [tilespmem:s7+$0xFFFFFF80]  }
0x247: {  	v16 =	vld [tilespmem:s7+$0xFFFFFF00]  }
0x248: {  	v17 =	vld [tilespmem:s7+$0x70]  }
0x249: {  	v18 =	vld [tilespmem:s7+$0xA0]  }
0x24a: {  	v19 =	vld [tilespmem:s7+$0xE0]  }
0x24b: {  	v20 =	vld [tilespmem:s7+$0xFFFFFF40]  }
0x24c: {  	v21 =	vld [tilespmem:s7+$0xFFFFFF30]  }
0x24d: {  	v22 =	vld [tilespmem:s7+$0xFFFFFF20]  }
0x24e: {  	v23 =	vld [tilespmem:s7+$0xFFFFFF10]  }
0x24f: {  	v16 =	vld.idx.msk [tilespmem:v16+s9+$0x0], $0xffff  }
0x250: {  	v17 =	vld.idx.msk [tilespmem:v17+s9+$0x0], $0xffff  }
0x251: {  	v24 =	vld [tilespmem:s7+$0xD0]  }
0x252: {  	v25 =	vld [tilespmem:s7+$0xFFFFFF60]  }
0x253: {  	v20 =	vld.idx.msk [tilespmem:v20+s9+$0x0], $0xffff  }
0x254: {  	v26 =	vld [tilespmem:s7+$0x60]  }
0x255: {  	[tilespmem:v12+s8+$0x0] =	vst.idx.add.f32.msk $0xffff, v16  }
0x256: {  	[tilespmem:v10+s8+$0x0] =	vst.idx.add.f32.msk $0xffff, v17  }
0x257: {  	v10 =	vld [tilespmem:s7+$0x30]  }
0x258: {  	v12 =	vld [tilespmem:s7+$0x20]  }
0x259: {  	v16 =	vld [tilespmem:s7+$0x10]  }
0x25a: {  	v17 =	vld [tilespmem:s7+$0x0]  }
0x25b: {  	v27 =	vld [tilespmem:s7+$0xFFFFFF70]  }
0x25c: {  	v26 =	vld.idx.msk [tilespmem:v26+s9+$0x0], $0xffff  }
0x25d: {  	v28 =	vld.idx.msk [tilespmem:v9+s9+$0x0], $0xffff  }
0x25e: {  	v29 =	vld.idx.msk [tilespmem:v8+s9+$0x0], $0xffff  }
0x25f: {  	v30 =	vld.idx.msk [tilespmem:v10+s9+$0x0], $0xffff  }
0x260: {  	v10 =	vld.idx.msk [tilespmem:v12+s9+$0x0], $0xffff  }
0x261: {  	v16 =	vld.idx.msk [tilespmem:v16+s9+$0x0], $0xffff  }
0x262: {  	[tilespmem:v19+s8+$0x0] =	vst.idx.add.f32.msk $0xffff, v26  }
0x263: {  	v9 =	vld.idx.msk [tilespmem:v17+s9+$0x0], $0xffff  }
0x264: {  	[tilespmem:v24+s8+$0x0] =	vst.idx.add.f32.msk $0xffff, v28  }
0x265: {  	v8 =	vld.idx.msk [tilespmem:v25+s9+$0x0], $0xffff  }
0x266: {  	[tilespmem:v18+s8+$0x0] =	vst.idx.add.f32.msk $0xffff, v10  }
0x267: {  	v10 =	vld.idx.msk [tilespmem:v27+s9+$0x0], $0xffff  }
0x268: {  	[tilespmem:v11+s8+$0x0] =	vst.idx.add.f32.msk $0xffff, v30  }
0x269: {  	v11 =	vld.idx.msk [tilespmem:v21+s9+$0x0], $0xffff  }
.Ltmp6:
0x26a: {  	v12 =	vld.idx.msk [tilespmem:v22+s9+$0x0], $0xffff;
	(pc) =	sbr.rel @p0 .LBB2_13-.Ltmp6, $4  }
0x26b: {  	[tilespmem:v13+s8+$0x0] =	vst.idx.add.f32.msk $0xffff, v29  }
0x26c: {  	v13 =	vld.idx.msk [tilespmem:v23+s9+$0x0], $0xffff  }
0x26d: {  	[tilespmem:v15+s8+$0x0] =	vst.idx.add.f32.msk $0xffff, v20  }
0x26e: {  	[tilespmem:v14+s8+$0x0] =	vst.idx.add.f32.msk $0xffff, v16  }
0x26f: {  	_ =	sdelay $0x3  }
0x270: {  	[tilespmem:v7+s8+$0x0] =	vst.idx.add.f32.msk $0xffff, v9  }
0x271: {  	v6 =	vld.idx.msk [tilespmem:v6+s9+$0x0], $0xffff  }
0x272: {  	[tilespmem:v5+s8+$0x0] =	vst.idx.add.f32.msk $0xffff, v12  }
0x273: {  	[tilespmem:v4+s8+$0x0] =	vst.idx.add.f32.msk $0xffff, v10  }
0x274: {  	[tilespmem:v2+s8+$0x0] =	vst.idx.add.f32.msk $0xffff, v11  }
0x275: {  	[tilespmem:v1+s8+$0x0] =	vst.idx.add.f32.msk $0xffff, v8  }
0x276: {  	s7 =	simm.s32 $0x9C00;
	s9 =	simm.s32 $0x80;
	[tilespmem:v3+s8+$0x0] =	vst.idx.add.f32.msk $0xffff, v13  }
0x277: {  	s10 =	simm.s32 $0xC500;
	s11 =	simm.s32 $0xED00;
	[tilespmem:v0+s8+$0x0] =	vst.idx.add.f32.msk $0xffff, v6;
	s8 =	simm.s32 $0x0  }
.LBB2_15:
0x278: {  	s0 =	sand.u32 $0x3FFFFF00, s7  }
0x279: {  	s3 =	sadd.s32 s0, s8  }
0x27a: {  	v0 =	vld [tilespmem:s3+$0x0];
	_ =	sdelay $0x3  }
0x27b: {  	s0 =	sadd.s32 s0, s9  }
0x27c: {  	v1 =	vld [tilespmem:s0+$0x0];
	_ =	sdelay $0x2  }
0x27d: {  	p0 =	sne.s32 s7, $0x9CE0;
	v0 =	vld.idx.msk [tilespmem:v0+s10+$0x0], $0xffff  }
.Ltmp7:
0x27e: {  	_ = 	snop;
	(pc) =	sbr.rel @p0 .LBB2_15-.Ltmp7, $2  }
0x27f: {  	_ =	sdelay $0x2  }
0x280: {  	s7 =	sadd.s32 $0x20, s7;
	s9 =	sadd.s32 $0x10, s9;
	s8 =	sadd.s32 $0x10, s8;
	[tilespmem:v1+s11+$0x0] =	vst.idx.add.f32.msk $0xffff, v0  }
0x281: {  	s0 =	simm.s32 $0x80  }
0x282: {  	s3 =	simm.s32 $0x400;
	s4 =	simm.s32 $0xED00;
	s13 =	simm.s32 $0x2  }
0x283: {  	[spmem:s6] =	stream.strided.scatter [tilespmem:s4], [sflag:$0x2], $0x2800, s3, s0, $0x38;
	[tilespmem:$0x17480] =	vst v63  }
0x284: {  	_ =	swait.ge [sflag:s13], $0x2800  }
0x285: {  	[sflag:s13] =	ssyncset.done $0x0  }
0x286: {  	s14 =	simm.s32 $0x1400;
	[sflag:s13] =	ssyncadd.s32 $0xFFFFD800  }
0x287: {  	s15 =	simm.s32 $0x14000;
	s16 =	simm.s32 $0x11500;
	[bflag:$0x0] =	sbarrier.arrive $0xFFFF  }
0x288: {  	[tilespmem:s16], [sflag:$0x2] =	stream.strided.gather [spmem:s5], $0x2800, s15, s14, $0x38;
	[tilespmem:$0x17480] =	vst v63  }
0x289: {  	s17 =	simm.s32 $0x0;
	_ =	swait.ge [sflag:s13], $0x2800  }
0x28a: {  	s19 =	simm.s32 $0x10;
	s18 =	sand.u32 $0x1C00, s17;
	[sflag:s13] =	ssyncset.done $0x0  }
0x28b: {  	s6 =	sand.u32 $0x70, s19;
	s20 =	sadd.s32 $0x11500, s18;
	[sflag:s13] =	ssyncadd.s32 $0xFFFFD800  }
0x28c: {  	s7 =	sor.u32 s6, s20;
	v0 =	vld [tilespmem:$0x14700]  }
0x28d: {  	s5 =	sand.u32 $0x60, s17;
	v1 =	vld [tilespmem:s7+$0x0]  }
0x28e: {  	s0 =	sor.u32 s5, s20;
	v2 =	vld [tilespmem:s7+$0x80]  }
0x28f: {  	v3 =	vld [tilespmem:s0+$0x0]  }
0x290: {  	v4 =	vld [tilespmem:s7+$0x100]  }
0x291: {  	v5 =	vld [tilespmem:s0+$0x80]  }
0x292: {  	v6 =	vld [tilespmem:s7+$0x180]  }
0x293: {  	v7 =	vld [tilespmem:s0+$0x100]  }
0x294: {  	v8 =	vld [tilespmem:s7+$0x200]  }
0x295: {  	v9 =	vld [tilespmem:s0+$0x180]  }
0x296: {  	v10 =	vld [tilespmem:s7+$0x280]  }
0x297: {  	v11 =	vld [tilespmem:s0+$0x200]  }
0x298: {  	v12 =	vld [tilespmem:s7+$0x300]  }
0x299: {  	v13 =	vld [tilespmem:s0+$0x280]  }
0x29a: {  	s21 =	sadd.s32 $0x12900, s18;
	v14 =	vld [tilespmem:s7+$0x380]  }
0x29b: {  	s22 =	sor.u32 s6, s21;
	v15 =	vld [tilespmem:s0+$0x300]  }
0x29c: {  	s8 =	sadd.s32 $0x12980, s18;
	v16 =	vld [tilespmem:s22+$0x0]  }
0x29d: {  	s23 =	sor.u32 s6, s8;
	v17 =	vld [tilespmem:s0+$0x380]  }
0x29e: {  	s24 =	sadd.s32 $0x12A00, s18;
	s3 =	sor.u32 s5, s21;
	v18 =	vld [tilespmem:s23+$0x0]  }
0x29f: {  	s25 =	sor.u32 s6, s24;
	v19 =	vld [tilespmem:s3+$0x0]  }
0x2a0: {  	s28 =	sadd.s32 $0x12A80, s18;
	s26 =	sor.u32 s5, s8;
	v20 =	vld [tilespmem:s25+$0x0]  }
0x2a1: {  	s29 =	sor.u32 s6, s28;
	v21 =	vld [tilespmem:s26+$0x0]  }
0x2a2: {  	s31 =	sadd.s32 $0x12B00, s18;
	s30 =	sor.u32 s5, s24;
	v22 =	vld [tilespmem:s29+$0x0]  }
0x2a3: {  	s9 =	sor.u32 s6, s31;
	v23 =	vld [tilespmem:s30+$0x0]  }
0x2a4: {  	s11 =	sadd.s32 $0x12B80, s18;
	s10 =	sor.u32 s5, s28;
	v24 =	vld [tilespmem:s9+$0x0]  }
0x2a5: {  	s12 =	sor.u32 s6, s11;
	v25 =	vld [tilespmem:s10+$0x0]  }
0x2a6: {  	s14 =	sadd.s32 $0x12C00, s18;
	s13 =	sor.u32 s5, s31;
	v26 =	vld [tilespmem:s12+$0x0]  }
0x2a7: {  	s15 =	sor.u32 s6, s14;
	v27 =	vld [tilespmem:s13+$0x0]  }
0x2a8: {  	s4 =	sadd.s32 $0x12C80, s18;
	s16 =	sor.u32 s5, s11;
	v28 =	vld [tilespmem:s15+$0x0]  }
0x2a9: {  	s19 =	sor.u32 s6, s4;
	s17 =	sadd.s32 $0x0, s2;
	v29 =	vld [tilespmem:s16+$0x0]  }
0x2aa: {  	s18 =	sand.u32 $0x7F80, s17;
	s20 =	simm.s32 $0x13F90;
	v30 =	vld [tilespmem:s19+$0x0]  }
0x2ab: {  	s4 =	sor.u32 s5, s4;
	s0 =	sadd.s32 $0xC500, s18;
	v31 =	vld [tilespmem:s20+$0x0]  }
0x2ac: {  	s22 =	sor.u32 s5, s14;
	s23 =	simm.s32 $0x13D10;
	v35 =	vld [tilespmem:s4+$0x0];
	s25 =	simm.s32 $0x100  }
0x2ad: {  	s29 =	simm.s32 $0x20;
	s21 =	sor.u32 s6, s0;
	v33 =	vld [tilespmem:s22+$0x0];
	s6 =	sand.u32 $0x1C00, s25  }
0x2ae: {  	s26 =	simm.s32 $0x30;
	v34 =	vld [tilespmem:s23+$0x0];
	s8 =	sand.u32 $0x60, s29;
	s28 =	sadd.s32 $0x11500, s6  }
0x2af: {  	s0 =	sor.u32 s5, s0;
	s5 =	sand.u32 $0x70, s26;
	v32 =	vld [tilespmem:s21+$0x0];
	s30 =	sor.u32 s8, s28  }
0x2b0: {  	s4 =	sor.u32 s5, s28;
	v46 =	vld [tilespmem:s30+$0x80];
	v1 =	vadd.f32 v2, v1  }
0x2b1: {  	v47 =	vld [tilespmem:s4+$0x180];
	v3 =	vadd.f32 v5, v3  }
0x2b2: {  	v48 =	vld [tilespmem:s4+$0x200];
	v1 =	vadd.f32 v4, v1  }
0x2b3: {  	v49 =	vld [tilespmem:s4+$0x280];
	v3 =	vadd.f32 v7, v3  }
0x2b4: {  	v50 =	vld [tilespmem:s30+$0x200];
	v1 =	vadd.f32 v6, v1  }
0x2b5: {  	v3 =	vadd.f32 v9, v3;
	v9 =	vld [tilespmem:s4+$0x0]  }
0x2b6: {  	v1 =	vadd.f32 v8, v1;
	v8 =	vld [tilespmem:s4+$0x80]  }
0x2b7: {  	v51 =	vld [tilespmem:s4+$0x300];
	v3 =	vadd.f32 v11, v3  }
0x2b8: {  	v1 =	vadd.f32 v10, v1;
	v10 =	vld [tilespmem:s4+$0x100]  }
0x2b9: {  	v52 =	vld [tilespmem:s30+$0x280];
	v3 =	vadd.f32 v13, v3  }
0x2ba: {  	v53 =	vld [tilespmem:s30+$0x300];
	v1 =	vadd.f32 v12, v1  }
0x2bb: {  	v11 =	vld [tilespmem:s30+$0x0];
	v3 =	vadd.f32 v15, v3;
	v8 =	vadd.f32 v8, v9  }
0x2bc: {  	s9 =	sadd.s32 $0x12980, s6;
	v54 =	vld [tilespmem:s30+$0x380];
	v1 =	vadd.f32 v14, v1  }
0x2bd: {  	s10 =	sor.u32 s5, s9;
	v9 =	vld [tilespmem:s30+$0x100];
	v3 =	vadd.f32 v17, v3;
	v8 =	vadd.f32 v10, v8  }
0x2be: {  	s11 =	sadd.s32 $0x12A00, s6;
	v55 =	vld [tilespmem:s10+$0x0];
	v1 =	vadd.f32 v16, v1  }
0x2bf: {  	s14 =	sadd.s32 $0x12A80, s6;
	s12 =	sor.u32 s5, s11;
	v10 =	vld [tilespmem:s30+$0x180];
	v3 =	vadd.f32 v19, v3;
	v8 =	vadd.f32 v47, v8  }
0x2c0: {  	s15 =	sor.u32 s5, s14;
	v56 =	vld [tilespmem:s12+$0x0];
	v11 =	vadd.f32 v46, v11;
	v1 =	vadd.f32 v18, v1  }
0x2c1: {  	v57 =	vld [tilespmem:s15+$0x0];
	v3 =	vadd.f32 v21, v3;
	v8 =	vadd.f32 v48, v8  }
0x2c2: {  	s31 =	sadd.s32 $0x12900, s6;
	s16 =	sor.u32 s8, s11;
	v9 =	vadd.f32 v9, v11;
	v11 =	vld [tilespmem:s4+$0x380];
	v1 =	vadd.f32 v20, v1  }
0x2c3: {  	s17 =	sadd.s32 $0x12B00, s6;
	s7 =	sor.u32 s5, s31;
	v58 =	vld [tilespmem:s16+$0x0];
	v3 =	vadd.f32 v23, v3;
	v8 =	vadd.f32 v49, v8  }
0x2c4: {  	s18 =	sor.u32 s5, s17;
	v9 =	vadd.f32 v10, v9;
	v10 =	vld [tilespmem:s7+$0x0];
	v1 =	vadd.f32 v22, v1  }
0x2c5: {  	s19 =	sor.u32 s8, s14;
	v59 =	vld [tilespmem:s18+$0x0];
	v3 =	vadd.f32 v25, v3;
	v8 =	vadd.f32 v51, v8  }
0x2c6: {  	v60 =	vld [tilespmem:s19+$0x0];
	v9 =	vadd.f32 v50, v9;
	v1 =	vadd.f32 v24, v1  }
0x2c7: {  	v2 =	vld [tilespmem:s0+$0x0];
	v3 =	vadd.f32 v27, v3;
	v8 =	vadd.f32 v11, v8  }
0x2c8: {  	s3 =	sor.u32 s8, s31;
	s13 =	sor.u32 s8, s9;
	s9 =	sadd.s32 $0x12C80, s6;
	v5 =	vld [tilespmem:s20+$0xFFFFFFF0];
	v9 =	vadd.f32 v52, v9;
	v1 =	vadd.f32 v26, v1  }
0x2c9: {  	s29 =	sor.u32 s5, s9;
	v11 =	vld [tilespmem:s3+$0x0];
	v3 =	vadd.f32 v29, v3;
	v8 =	vadd.f32 v10, v8  }
0x2ca: {  	v63 =	vld [tilespmem:s29+$0x0];
	v9 =	vadd.f32 v53, v9;
	v1 =	vadd.f32 v28, v1  }
0x2cb: {  	v10 =	vld [tilespmem:s13+$0x0];
	v3 =	vadd.f32 v33, v3;
	v8 =	vadd.f32 v55, v8  }
0x2cc: {  	s24 =	simm.s32 $0x14210;
	s20 =	sadd.s32 $0x12B80, s6;
	v7 =	vld [tilespmem:s23+$0xFFFFFFF0];
	v9 =	vadd.f32 v54, v9;
	v1 =	vadd.f32 v30, v1  }
0x2cd: {  	s21 =	sor.u32 s5, s20;
	v4 =	vld [tilespmem:s24+$0x0];
	v3 =	vadd.f32 v35, v3;
	v8 =	vadd.f32 v56, v8  }
0x2ce: {  	v61 =	vmul.f32 $8.999999760e-01, v31;
	s23 =	sadd.s32 $0x12C00, s6;
	v9 =	vadd.f32 v11, v9;
	v11 =	vld [tilespmem:s21+$0x0];
	v1 =	vadd.f32 v32, v1  }
0x2cf: {  	v6 =	vld [tilespmem:s24+$0xFFFFFFF0];
	s24 =	sor.u32 s5, s23;
	v2 =	vadd.f32 v2, v3;
	v3 =	vmul.f32 $8.999999760e-01, v5;
	v5 =	vadd.f32 v57, v8  }
0x2d0: {  	s26 =	sadd.s32 $0x20, s2;
	s22 =	sor.u32 s8, s17;
	v62 =	vmul.f32 $1.000000010e-01, v34;
	v9 =	vadd.f32 v10, v9;
	v10 =	vld [tilespmem:s24+$0x0];
	v1 =	vmul.f32 v61, v1  }
0x2d1: {  	s28 =	sand.u32 $0x7F80, s26;
	s25 =	sor.u32 s8, s20;
	v8 =	vld [tilespmem:s22+$0x0];
	v2 =	vmul.f32 v3, v2;
	v3 =	vmul.f32 $1.000000010e-01, v7;
	v5 =	vadd.f32 v59, v5  }
0x2d2: {  	s0 =	sadd.s32 $0xC500, s28;
	s6 =	simm.s32 $0x13FB0;
	v7 =	vld [tilespmem:s25+$0x0];
	v9 =	vadd.f32 v58, v9;
	v1 =	vadd.f32 v62, v1  }
0x2d3: {  	s30 =	sor.u32 s5, s0;
	v2 =	vadd.f32 v3, v2;
	v3 =	vadd.f32 v11, v5;
	v11 =	vld [tilespmem:s6+$0x0]  }
0x2d4: {  	s4 =	sor.u32 s8, s23;
	v1 =	vmul.f32 v1, v4;
	v4 =	vadd.f32 v60, v9;
	v9 =	vld [tilespmem:s30+$0x0]  }
0x2d5: {  	s7 =	simm.s32 $0x13D30;
	v2 =	vmul.f32 v2, v6;
	v5 =	vadd.f32 v10, v3;
	v3 =	vld [tilespmem:s4+$0x0]  }
0x2d6: {  	s31 =	sor.u32 s8, s9;
	v6 =	vadd.f32 v1, v0;
	v8 =	vadd.f32 v8, v4;
	v1 =	vld [tilespmem:s7+$0x0]  }
0x2d7: {  	s5 =	simm.s32 $0x14490;
	s0 =	sor.u32 s8, s0;
	v10 =	vadd.f32 v2, v0;
	v4 =	vld [tilespmem:s31+$0x0];
	v12 =	vadd.f32 v63, v5  }
0x2d8: {  	s11 =	simm.s32 $0x40;
	v2 =	vld [tilespmem:s0+$0x0];
	[tilespmem:s5+$0x0] =	vst v6;
	v7 =	vadd.f32 v7, v8  }
0x2d9: {  	s10 =	simm.s32 $0x200;
	s9 =	simm.s32 $0x14230;
	s8 =	simm.s32 $0x2;
	v5 =	vld [tilespmem:s6+$0xFFFFFFF0];
	[tilespmem:s5+$0xFFFFFFF0] =	vst v10;
	v6 =	vmul.f32 $8.999999760e-01, v11;
	v8 =	vadd.f32 v9, v12  }
.LBB2_17:
0x2da: {  	s12 =	sand.u32 $0x60, s11;
	s14 =	sand.u32 $0x1C00, s10;
	s0 =	sadd.s32 $0x10, s11;
	v3 =	vadd.f32 v3, v7;
	v7 =	vld [tilespmem:s9+$0x0]  }
0x2db: {  	s8 =	sadd.s32 $0x2, s8;
	s3 =	sadd.s32 $0x11500, s14;
	s13 =	sand.u32 $0x70, s0;
	v9 =	vld [tilespmem:s7+$0xFFFFFFF0];
	v6 =	vmul.f32 v6, v8;
	v1 =	vmul.f32 $1.000000010e-01, v1  }
0x2dc: {  	p0 =	slt.u32 s8, $0x26;
	s15 =	sor.u32 s12, s3;
	s0 =	sor.u32 s13, s3;
	v3 =	vadd.f32 v4, v3;
	v4 =	vld [tilespmem:s9+$0xFFFFFFF0]  }
0x2dd: {  	v8 =	vld [tilespmem:s0+$0x0];
	v1 =	vadd.f32 v1, v6  }
0x2de: {  	v6 =	vld [tilespmem:s0+$0x80];
	v5 =	vmul.f32 $8.999999760e-01, v5;
	v2 =	vadd.f32 v2, v3  }
0x2df: {  	v3 =	vld [tilespmem:s15+$0x0];
	v1 =	vmul.f32 v1, v7  }
0x2e0: {  	v7 =	vld [tilespmem:s0+$0x100];
	v2 =	vmul.f32 v5, v2;
	v5 =	vmul.f32 $1.000000010e-01, v9  }
0x2e1: {  	v9 =	vld [tilespmem:s15+$0x80];
	v1 =	vadd.f32 v1, v0  }
0x2e2: {  	s5 =	sadd.s32 $0x20, s5;
	v10 =	vld [tilespmem:s0+$0x180];
	v2 =	vadd.f32 v5, v2  }
0x2e3: {  	v5 =	vld [tilespmem:s15+$0x100];
	v6 =	vadd.f32 v6, v8;
	[tilespmem:s5+$0x0] =	vst v1  }
0x2e4: {  	v1 =	vld [tilespmem:s0+$0x200];
	v2 =	vmul.f32 v2, v4  }
0x2e5: {  	v4 =	vld [tilespmem:s15+$0x180];
	v6 =	vadd.f32 v7, v6  }
0x2e6: {  	v3 =	vadd.f32 v9, v3;
	v7 =	vld [tilespmem:s0+$0x280];
	v2 =	vadd.f32 v2, v0  }
0x2e7: {  	v8 =	vld [tilespmem:s15+$0x200];
	v6 =	vadd.f32 v10, v6  }
0x2e8: {  	v3 =	vadd.f32 v5, v3;
	v5 =	vld [tilespmem:s0+$0x300];
	[tilespmem:s5+$0xFFFFFFF0] =	vst v2  }
0x2e9: {  	v2 =	vld [tilespmem:s15+$0x280];
	v1 =	vadd.f32 v1, v6  }
0x2ea: {  	s3 =	sadd.s32 $0x12900, s14;
	v3 =	vadd.f32 v4, v3;
	v4 =	vld [tilespmem:s0+$0x380]  }
0x2eb: {  	s0 =	sor.u32 s12, s3;
	s3 =	sor.u32 s13, s3;
	v6 =	vld [tilespmem:s15+$0x300];
	v1 =	vadd.f32 v7, v1  }
0x2ec: {  	s4 =	sadd.s32 $0x12980, s14;
	v3 =	vadd.f32 v8, v3;
	v7 =	vld [tilespmem:s3+$0x0]  }
0x2ed: {  	s3 =	sor.u32 s12, s4;
	s4 =	sor.u32 s13, s4;
	v8 =	vld [tilespmem:s15+$0x380];
	v1 =	vadd.f32 v5, v1  }
0x2ee: {  	s15 =	sadd.s32 $0x12A00, s14;
	v2 =	vadd.f32 v2, v3;
	v3 =	vld [tilespmem:s4+$0x0]  }
0x2ef: {  	s4 =	sor.u32 s13, s15;
	v5 =	vld [tilespmem:s0+$0x0];
	s0 =	sor.u32 s12, s15;
	v1 =	vadd.f32 v4, v1  }
0x2f0: {  	s15 =	sadd.s32 $0x12A80, s14;
	v2 =	vadd.f32 v6, v2;
	v4 =	vld [tilespmem:s4+$0x0]  }
0x2f1: {  	s4 =	sor.u32 s13, s15;
	v6 =	vld [tilespmem:s3+$0x0];
	s3 =	sor.u32 s12, s15;
	v1 =	vadd.f32 v7, v1  }
0x2f2: {  	s15 =	sadd.s32 $0x12B00, s14;
	v2 =	vadd.f32 v8, v2;
	v7 =	vld [tilespmem:s4+$0x0]  }
0x2f3: {  	s4 =	sor.u32 s13, s15;
	v8 =	vld [tilespmem:s0+$0x0];
	s0 =	sor.u32 s12, s15;
	v1 =	vadd.f32 v3, v1  }
0x2f4: {  	s15 =	sadd.s32 $0x12B80, s14;
	v2 =	vadd.f32 v5, v2;
	v3 =	vld [tilespmem:s4+$0x0]  }
0x2f5: {  	s4 =	sor.u32 s13, s15;
	v5 =	vld [tilespmem:s3+$0x0];
	s3 =	sor.u32 s12, s15;
	v1 =	vadd.f32 v4, v1  }
0x2f6: {  	s15 =	sadd.s32 $0x12C00, s14;
	v2 =	vadd.f32 v6, v2;
	v4 =	vld [tilespmem:s4+$0x0]  }
0x2f7: {  	s4 =	sor.u32 s13, s15;
	v6 =	vld [tilespmem:s0+$0x0];
	s0 =	sor.u32 s12, s15;
	v1 =	vadd.f32 v7, v1  }
0x2f8: {  	s14 =	sadd.s32 $0x12C80, s14;
	s15 =	sadd.s32 s11, s2;
	v2 =	vadd.f32 v8, v2;
	v7 =	vld [tilespmem:s4+$0x0]  }
0x2f9: {  	s4 =	sand.u32 $0x7F80, s15;
	v8 =	vld [tilespmem:s3+$0x0];
	s3 =	sor.u32 s12, s14;
	v1 =	vadd.f32 v3, v1;
	s14 =	sor.u32 s13, s14  }
0x2fa: {  	s6 =	sadd.s32 $0x20, s6;
	s4 =	sadd.s32 $0xC500, s4;
	v2 =	vadd.f32 v5, v2;
	v5 =	vld [tilespmem:s14+$0x0]  }
0x2fb: {  	s12 =	sor.u32 s12, s4;
	s4 =	sor.u32 s13, s4;
	v1 =	vadd.f32 v4, v1;
	v9 =	vld [tilespmem:s6+$0x0]  }
0x2fc: {  	v2 =	vadd.f32 v6, v2;
	v10 =	vld [tilespmem:s4+$0x0]  }
.Ltmp8:
0x2fd: {  	s7 =	sadd.s32 $0x20, s7;
	v3 =	vld [tilespmem:s0+$0x0];
	v6 =	vadd.f32 v7, v1;
	(pc) =	sbr.rel @p0 .LBB2_17-.Ltmp8, $4  }
0x2fe: {  	v7 =	vadd.f32 v8, v2;
	v1 =	vld [tilespmem:s7+$0x0]  }
0x2ff: {  	v4 =	vld [tilespmem:s3+$0x0];
	v8 =	vadd.f32 v5, v6  }
0x300: {  	v2 =	vld [tilespmem:s12+$0x0]  }
0x301: {  	s10 =	sadd.s32 $0x100, s10;
	s9 =	sadd.s32 $0x20, s9;
	s11 =	sadd.s32 $0x20, s11;
	v6 =	vmul.f32 $8.999999760e-01, v9;
	v5 =	vld [tilespmem:s6+$0xFFFFFFF0];
	v8 =	vadd.f32 v10, v8  }
0x302: {  	v3 =	vadd.f32 v3, v7  }
0x303: {  	v58 =	vld [tilespmem:s7+$0xFFFFFFF0]  }
0x304: {  	v3 =	vadd.f32 v4, v3;
	_ =	sdelay $0x1  }
0x305: {  	v59 =	vld [tilespmem:s9+$0x0];
	v5 =	vmul.f32 $8.999999760e-01, v5;
	v2 =	vadd.f32 v2, v3  }
0x306: {  	v61 =	vld [tilespmem:s9+$0xFFFFFFF0];
	v60 =	vmul.f32 v6, v8;
	v1 =	vmul.f32 $1.000000010e-01, v1  }
0x307: {  	v62 =	vmul.f32 $1.000000010e-01, v58;
	v2 =	vmul.f32 v5, v2  }
0x308: {  	v1 =	vadd.f32 v1, v60  }
0x309: {  	v2 =	vadd.f32 v62, v2  }
0x30a: {  	v1 =	vmul.f32 v1, v59  }
0x30b: {  	v2 =	vmul.f32 v2, v61  }
0x30c: {  	v1 =	vadd.f32 v1, v0  }
0x30d: {  	s0 =	sadd.s32 $0x20, s5;
	v63 =	vadd.f32 v2, v0  }
0x30e: {  	[tilespmem:s0+$0x0] =	vst v1  }
0x30f: {  	p0 =	seq.s32 s1, $0xF;
	[tilespmem:s0+$0xFFFFFFF0] =	vst v63  }
0x310: {  	s2 =	simm.s32 @p0 $0x14480;
	s0 =	simm.s32 @p0 $0x0;
	s3 =	rddreg [dreg:$0x7]  }
0x311: {  	[hbm4b:s3+s0] =	stream.linear.scatter @p0 [tilespmem:s2], [sflag:$0x2], $0x190, $0x38;
	[tilespmem:$0x17480] =	vst v63  }
0x312: {  	s0 =	simm.s32 @p0 $0x2  }
0x313: {  	_ =	swait.ge @p0 [sflag:s0], $0x190  }
0x314: {  	s2 =	simm.s32 @!p0 $0x14480;
	[sflag:s0] =	ssyncset.done @p0 $0x0  }
0x315: {  	s3 =	rddreg [dreg:$0x6];
	[sflag:s0] =	ssyncadd.s32 @p0 $0xFFFFFE70;
	s0 =	simm.s32 @!p0 $0x0  }
0x316: {  	[hbm4b:s3+s0] =	stream.linear.scatter @!p0 [tilespmem:s2], [sflag:$0x2], $0x280, $0x38;
	[tilespmem:$0x17480] =	vst v63  }
0x317: {  	s0 =	simm.s32 @!p0 $0x2  }
0x318: {  	_ =	swait.ge @!p0 [sflag:s0], $0x280  }
0x319: {  	[sflag:s0] =	ssyncset.done @!p0 $0x0  }
0x31a: {  	[sflag:s0] =	ssyncadd.s32 @!p0 $0xFFFFFD80  }
0x31b: {  	_ =	sfence.sel $0x180000  }
0x31c: {  	[bflag:$0x0] =	sbarrier.arrive $0xFFFF  }
0x31d: {  	_ =	strace $0x9000004A  }
0x31e: {  	[bflag:$0x2] =	sbarrier.arrive $0xFFFF  }
0x31f: {  	p0 =	sne.s32 s1, $0x0;
	s0 =	rddreg [dreg:$0x5]  }
0x320: {  	s0 =	sadd.s32 @!p0 $0x100000, s0  }
0x321: {  	[sflag:s0] =	ssyncadd.tile.s32 @!p0 $0x1;
	_ =	shalt  }
.Lfunc_end2:
_tile_overlayer_lowered:
.L_overlay_start_2:
0x322: {  	(tag) =	ssettag $0x2  }
0x323: {  	s0 =	rddreg [dreg:$0x0];
	s2 =	stileid.u32  }
0x324: {  	s1 =	rddreg [dreg:$0x1];
	p0 =	sne.s32 s2, $0x0  }
0x325: {  	s3 =	rddreg [dreg:$0x2];
	[bflag:$0x3] =	sbarrier.arrive $0xFFFF;
	s2 =	simm.s32 @!p0 $0x1C02  }
0x326: {  	[timem:s3], [sflag:s2] =	dma.local @!p0 [hbm:s0], s1  }
0x327: {  	s0 =	simm.s32 @!p0 $0x2  }
0x328: {  	_ =	swait.ge @!p0 [sflag:s0], s1  }
0x329: {  	s1 =	ssub.s32 @!p0 $0x0, s1;
	[sflag:s0] =	ssyncset.done @!p0 $0x0  }
0x32a: {  	[sflag:s0] =	ssyncadd.s32 @!p0 s1  }
0x32b: {  	[bflag:$0x3] =	sbarrier.arrive $0xFFFF  }
0x32c: {  	_ =	shalt  }

</sc_bundles>
